<compile_context>
chip_gen: v7x
topology: tpu7x:2x2x1
jax: 0.10.2.dev20260603
libtpu: 0.0.44.dev20260713+nightly
codegen_flags: <defaults>
</compile_context>

<pallas_src>
import functools

import jax
import jax.numpy as jnp
from jax import lax
from jax.experimental import pallas as pl
from jax.experimental.pallas import tpu as pltpu
from jax.experimental.pallas import tpu_sc as plsc

N = 10000
E = 320000
D = 128
H = 128
NEG_SLOPE = 0.2
EP = E + N

NC, NS, L = 2, 16, 16
NW = NC * NS
CH = 64
RND = 162
RNDP = RND + 2
PER = CH * RND
EPAD = NW * PER
NPAD = 10240
GRP = CH // L



def _proj_body(x_ref, w1a_ref, w1b_ref, b1_ref, wa1_ref, wa2_ref,
               u_ref, v_ref, s1_ref, s2_ref):
    xb = x_ref[...]
    u_ref[...] = jnp.dot(xb, w1a_ref[...],
                         preferred_element_type=jnp.float32) + b1_ref[...]
    v_ref[...] = jnp.dot(xb, w1b_ref[...], preferred_element_type=jnp.float32)
    s1_ref[...] = jnp.dot(xb, wa1_ref[...], preferred_element_type=jnp.float32)
    s2_ref[...] = jnp.dot(xb, wa2_ref[...], preferred_element_type=jnp.float32)


def _projections(xp, w1a, w1b, b1, wa1, wa2):
    nblk = NPAD // 128
    return pl.pallas_call(
        _proj_body,
        grid=(nblk,),
        in_specs=[
            pl.BlockSpec((128, D), lambda i: (i, 0)),
            pl.BlockSpec((D, H), lambda i: (0, 0)),
            pl.BlockSpec((D, H), lambda i: (0, 0)),
            pl.BlockSpec((1, H), lambda i: (0, 0)),
            pl.BlockSpec((D, 1), lambda i: (0, 0)),
            pl.BlockSpec((D, 1), lambda i: (0, 0)),
        ],
        out_specs=[
            pl.BlockSpec((128, H), lambda i: (i, 0)),
            pl.BlockSpec((128, H), lambda i: (i, 0)),
            pl.BlockSpec((128, 1), lambda i: (i, 0)),
            pl.BlockSpec((128, 1), lambda i: (i, 0)),
        ],
        out_shape=[
            jax.ShapeDtypeStruct((NPAD, H), jnp.float32),
            jax.ShapeDtypeStruct((NPAD, H), jnp.float32),
            jax.ShapeDtypeStruct((NPAD, 1), jnp.float32),
            jax.ShapeDtypeStruct((NPAD, 1), jnp.float32),
        ],
    )(xp, w1a, w1b, b1, wa1, wa2)



def _sc_body(ub_h, v_h, s1_h, s2_h, gidx_h, wc_h, kvt_h,
             pp_h, seg_h,
             gidxA, gidxB, valk, uA, uB, vA, vB, pstA, pstB,
             s1_v, s2_v, wc_v, kvt_v, seg_v,
             gsem, isem, psem):
    wid = lax.axis_index("s") * NC + lax.axis_index("c")
    irow = wid * RNDP

    pltpu.sync_copy(s1_h, s1_v)
    pltpu.sync_copy(s2_h, s2_v)
    pltpu.sync_copy(wc_h, wc_v)
    pltpu.sync_copy(kvt_h, kvt_v)

    zeros16 = jnp.zeros((L,), jnp.float32)

    def _zero(i, _):
        seg_v[pl.ds(i * L, L)] = zeros16
        return 0

    lax.fori_loop(0, NPAD // L, _zero, 0)

    def launch_gathers(gidx_v, ubuf, vbuf):
        pltpu.async_copy(ub_h.at[gidx_v.at[pl.ds(0, CH)]], ubuf, gsem)
        pltpu.async_copy(v_h.at[gidx_v.at[pl.ds(CH, 3 * CH)]], vbuf, gsem)

    def drain_gathers(ubuf, vbuf):
        pltpu.make_async_copy(ub_h.at[pl.ds(0, CH)], ubuf, gsem).wait()
        pltpu.make_async_copy(v_h.at[pl.ds(0, 3 * CH)], vbuf, gsem).wait()

    pltpu.sync_copy(gidx_h.at[irow], gidxA)
    pltpu.async_copy(gidx_h.at[irow + 1], gidxB, isem)
    launch_gathers(gidxA, uA, vA)
    pltpu.async_copy(pstA, pp_h.at[irow + RND], psem)

    def phase(r, gidx_p, u_p, v_p, pst_p, gidx_q, u_q, v_q):
        drain_gathers(u_p, v_p)
        for t in range(2 * CH // L):
            valk[pl.ds(t * L, L)] = gidx_p[pl.ds(t * L, L)]
        pltpu.async_copy(gidx_h.at[irow + r + 2], gidx_p, isem)
        pltpu.make_async_copy(gidx_h.at[irow], gidx_q, isem).wait()
        launch_gathers(gidx_q, u_q, v_q)
        pltpu.make_async_copy(pst_p, pp_h.at[irow + RND], psem).wait()

        b2v = wc_v[H]
        ebase = wid * PER + r * CH

        for g in range(GRP):
            eids = jnp.arange(L, dtype=jnp.int32) + (g * L)

            def _feat(k, accs):
                a1, a2, a3 = accs
                kv = kvt_v[k]
                u = plsc.load_gather(u_p, [eids, kv])
                vv = plsc.load_gather(v_p, [eids, kv])
                w1n = plsc.load_gather(v_p, [eids + CH, kv])
                w2n = plsc.load_gather(v_p, [eids + 2 * CH, kv])
                z1 = u + vv
                z2 = u + w1n
                z3 = u + w2n
                l1 = jnp.where(z1 > 0, z1, z1 * NEG_SLOPE)
                l2 = jnp.where(z2 > 0, z2, z2 * NEG_SLOPE)
                l3 = jnp.where(z3 > 0, z3, z3 * NEG_SLOPE)
                wk = wc_v[k]
                return (a1 + l1 * wk, a2 + l2 * wk, a3 + l3 * wk)

            a1, a2, a3 = lax.fori_loop(0, H, _feat,
                                       (zeros16, zeros16, zeros16))
            p1 = a1 + b2v
            p2 = a2 + b2v
            p3 = a3 + b2v

            rs = valk[pl.ds(g * L, L)]
            cg = valk[pl.ds(CH + g * L, L)]
            sa = plsc.load_gather(s1_v, [rs])
            sb = plsc.load_gather(s2_v, [cg])
            att = 1.0 / (1.0 + jnp.exp(-(sa + sb)))

            valid = (eids + ebase) < EP
            plsc.addupdate_scatter(seg_v, [rs], p1 * att, mask=valid)

            pst_p[pl.ds(g * L, L)] = p1
            pst_p[pl.ds(CH + g * L, L)] = p2
            pst_p[pl.ds(2 * CH + g * L, L)] = p3

        pltpu.async_copy(pst_p, pp_h.at[irow + r], psem)

    def _iter(i, _):
        phase(2 * i, gidxA, uA, vA, pstA, gidxB, uB, vB)
        phase(2 * i + 1, gidxB, uB, vB, pstB, gidxA, uA, vA)
        return 0

    lax.fori_loop(0, RND // 2, _iter, 0)

    drain_gathers(uA, vA)
    pltpu.make_async_copy(gidx_h.at[irow], gidxA, isem).wait()
    pltpu.make_async_copy(pstA, pp_h.at[irow + RND], psem).wait()
    pltpu.sync_copy(seg_v, seg_h.at[wid])


_sc_edge_sweep = functools.partial(
    pl.kernel,
    out_type=[
        jax.ShapeDtypeStruct((NW * RNDP, 3 * CH), jnp.float32),
        jax.ShapeDtypeStruct((NW, NPAD), jnp.float32),
    ],
    mesh=plsc.VectorSubcoreMesh(core_axis_name="c", subcore_axis_name="s"),
    compiler_params=pltpu.CompilerParams(use_tc_tiling_on_sc=False,
                                         needs_layout_passes=False),
    scratch_types=[
        pltpu.VMEM((4 * CH,), jnp.int32),
        pltpu.VMEM((4 * CH,), jnp.int32),
        pltpu.VMEM((2 * CH,), jnp.int32),
        pltpu.VMEM((CH, H), jnp.float32),
        pltpu.VMEM((CH, H), jnp.float32),
        pltpu.VMEM((3 * CH, H), jnp.float32),
        pltpu.VMEM((3 * CH, H), jnp.float32),
        pltpu.VMEM((3 * CH,), jnp.float32),
        pltpu.VMEM((3 * CH,), jnp.float32),
        pltpu.VMEM((NPAD,), jnp.float32),
        pltpu.VMEM((NPAD,), jnp.float32),
        pltpu.VMEM((H + 1, L), jnp.float32),
        pltpu.VMEM((H, L), jnp.int32),
        pltpu.VMEM((NPAD,), jnp.float32),
        pltpu.SemaphoreType.DMA,
        pltpu.SemaphoreType.DMA,
        pltpu.SemaphoreType.DMA,
    ],
)(_sc_body)



def _red_body(p1_ref, p2_ref, p3_ref, seg_ref, scores_ref, loss_ref):
    rows = EPAD // 128
    idx = (lax.broadcasted_iota(jnp.int32, (rows, 128), 0) * 128
           + lax.broadcasted_iota(jnp.int32, (rows, 128), 1))
    valid = idx < EP

    def softplus(x):
        return jnp.maximum(x, 0.0) + jnp.log(1.0 + jnp.exp(-jnp.abs(x)))

    s_pos = jnp.sum(jnp.where(valid, softplus(-p1_ref[...]), 0.0))
    s_neg = jnp.sum(jnp.where(valid, softplus(p2_ref[...]), 0.0)) \
        + jnp.sum(jnp.where(valid, softplus(p3_ref[...]), 0.0))
    loss = s_pos / EP + s_neg / (2 * EP)
    loss_ref[...] = jnp.full((8, 128), loss)

    seg = jnp.sum(seg_ref[...], axis=0)
    scores_ref[...] = 1.0 / (1.0 + jnp.exp(-seg))


def _reduce(p1, p2, p3, segp):
    rows = EPAD // 128
    return pl.pallas_call(
        _red_body,
        in_specs=[
            pl.BlockSpec((rows, 128), lambda: (0, 0)),
            pl.BlockSpec((rows, 128), lambda: (0, 0)),
            pl.BlockSpec((rows, 128), lambda: (0, 0)),
            pl.BlockSpec((NW, NPAD), lambda: (0, 0)),
        ],
        out_specs=[
            pl.BlockSpec((NPAD,), lambda: (0,)),
            pl.BlockSpec((8, 128), lambda: (0, 0)),
        ],
        out_shape=[
            jax.ShapeDtypeStruct((NPAD,), jnp.float32),
            jax.ShapeDtypeStruct((8, 128), jnp.float32),
        ],
    )(p1, p2, p3, segp)



def kernel(x, edge_index, att_weight, W1, b1, W2, b2):
    loops = jnp.arange(N, dtype=edge_index.dtype)
    row = jnp.concatenate([edge_index[0], loops])
    col = jnp.concatenate([edge_index[1], loops])

    neg = []
    for i in range(2):
        nk = jax.random.fold_in(jax.random.key(42), i)
        neg.append(jax.random.randint(nk, row.shape, 0, N, dtype=row.dtype))

    pad = EPAD - EP

    def shard(a):
        return jnp.concatenate([a, jnp.zeros((pad,), a.dtype)]) \
            .reshape(NW, RND, CH)

    gidx_h = jnp.pad(
        jnp.stack([shard(row), shard(col), shard(neg[0]), shard(neg[1])],
                  axis=2),
        ((0, 0), (0, RNDP - RND), (0, 0), (0, 0))).reshape(NW * RNDP, 4 * CH)

    xp = jnp.pad(x, ((0, NPAD - N), (0, 0)))
    w1a = W1[:D]
    w1b = W1[D:]
    wa1 = att_weight[0, :D].reshape(D, 1)
    wa2 = att_weight[0, D:].reshape(D, 1)

    ub, v, s1, s2 = _projections(xp, w1a, w1b, b1.reshape(1, H), wa1, wa2)

    ks = jnp.arange(H, dtype=jnp.int32).reshape(H, 1)
    lanes16 = jnp.arange(L, dtype=jnp.int32).reshape(1, L)
    kvtab = (ks + 9 * lanes16) & (H - 1)
    wc = jnp.concatenate([W2[:, 0][kvtab],
                          jnp.tile(b2.reshape(1, 1), (1, L))], axis=0)

    pp, segp = _sc_edge_sweep(
        ub, v, s1.reshape(NPAD), s2.reshape(NPAD), gidx_h, wc, kvtab)

    ppr = pp.reshape(NW, RNDP, 3, CH)[:, :RND]
    rows = EPAD // 128
    scores_full, loss_buf = _reduce(
        ppr[:, :, 0].reshape(rows, 128), ppr[:, :, 1].reshape(rows, 128),
        ppr[:, :, 2].reshape(rows, 128), segp)

    scores = scores_full[:N].reshape(N, 1)
    loss = loss_buf[0, 0]
    return (scores, loss)

# --- scband reference (transcript-rebuilt; emitter-appended) ---
"""Pipeline reference for scband-adaptive-local-mi-8684423872569 (READ-ONLY COPY).

The authoritative reference and input builder live on the scoring server;
editing this copy changes nothing except your own understanding.
"""

import jax, jax.numpy as jnp
import numpy as np

N = 10000
E = 320000
D = 128
H = 128
SAMPLE_TIMES = 2
NEG_SLOPE = 0.2


def setup_inputs(seed: int = 0) -> dict:
    key = jax.random.key(seed)
    k1, k2, k3, k4, k5 = jax.random.split(key, 5)
    x = jax.random.normal(k1, (N, D), dtype=jnp.float32)
    edge_index = jax.random.randint(k2, (2, E), 0, N, dtype=jnp.int32)
    # Adaptive_Att parameter: xavier_uniform for shape (1, 2*H)
    a_att = float(np.sqrt(6.0 / (1 + 2 * H)))
    att_weight = jax.random.uniform(k3, (1, 2 * H), dtype=jnp.float32, minval=-a_att, maxval=a_att)
    # MI_Estimator params: MLP concat(x_i,x_j) -> hidden -> leaky_relu -> scalar
    W1 = jax.random.normal(k4, (2 * D, H), dtype=jnp.float32) * (1.0 / np.sqrt(2 * D))
    b1 = jnp.zeros((H,), dtype=jnp.float32)
    W2 = jax.random.normal(k5, (H, 1), dtype=jnp.float32) * (1.0 / np.sqrt(H))
    b2 = jnp.zeros((1,), dtype=jnp.float32)
    return {"x": x, "edge_index": edge_index, "att_weight": att_weight,
            "W1": W1, "b1": b1, "W2": W2, "b2": b2}


def reference(x, edge_index, att_weight, W1, b1, W2, b2):
    n = x.shape[0]
    # add_remaining_self_loops
    loops = jnp.arange(n, dtype=edge_index.dtype)
    ei = jnp.concatenate([edge_index, jnp.stack([loops, loops], axis=0)], axis=1)
    row, col = ei[0], ei[1]

    def estimator(xi, xj):
        h = jnp.concatenate([xi, xj], axis=1) @ W1 + b1
        h = jax.nn.leaky_relu(h, negative_slope=NEG_SLOPE)
        return h @ W2 + b2  # [E', 1]

    xr = x[row]
    xc = x[col]
    pred_xy = estimator(xr, xc)  # positive pairs [E', 1]

    # Adaptive_Att
    att_mi = jax.nn.sigmoid(jnp.concatenate([xr, xc], axis=1) @ att_weight.T)  # [E', 1]

    # structured negative sampling (deterministic keys)
    preds = []
    for i in range(SAMPLE_TIMES):
        nk = jax.random.fold_in(jax.random.key(42), i)
        neg_col = jax.random.randint(nk, row.shape, 0, n, dtype=row.dtype)
        preds.append(estimator(xr, x[neg_col]))
    pred_x_y = jnp.squeeze(jnp.stack(preds, axis=1), axis=-1)  # [E', SAMPLE_TIMES]

    # JSD MI objective
    loss = jnp.mean(jax.nn.softplus(-pred_xy)) + jnp.mean(jax.nn.softplus(pred_x_y))

    # scatter_add over source nodes
    scores = jax.nn.sigmoid(jax.ops.segment_sum(pred_xy * att_mi, row, num_segments=n))
    return (scores, loss)

if __name__ == "__main__":
    import jax
    _d = setup_inputs()
    print(jax.jit(kernel)(*tuple(_d.values())))

</pallas_src>

<mosaic_0001>
#map = affine_map<(d0, d1) -> (0, 0)>
#map1 = affine_map<(d0, d1) -> (0)>
module attributes {stable_mosaic.version = 14 : i64} {
  func.func @_sc_body(%arg0: i32, %arg1: i32, %arg2: memref<10240x128xf32, #tpu.memory_space<hbm>>, %arg3: memref<10240x128xf32, #tpu.memory_space<hbm>>, %arg4: memref<10240xf32, #tpu.memory_space<hbm>>, %arg5: memref<10240xf32, #tpu.memory_space<hbm>>, %arg6: memref<5248x256xi32, #tpu.memory_space<hbm>>, %arg7: memref<129x16xf32, #tpu.memory_space<hbm>>, %arg8: memref<128x16xi32, #tpu.memory_space<hbm>>, %arg9: memref<5248x192xf32, #tpu.memory_space<hbm>>, %arg10: memref<32x10240xf32, #tpu.memory_space<hbm>>, %arg11: memref<256xi32, #tpu.memory_space<vmem>>, %arg12: memref<256xi32, #tpu.memory_space<vmem>>, %arg13: memref<128xi32, #tpu.memory_space<vmem>>, %arg14: memref<64x128xf32, #tpu.memory_space<vmem>>, %arg15: memref<64x128xf32, #tpu.memory_space<vmem>>, %arg16: memref<192x128xf32, #tpu.memory_space<vmem>>, %arg17: memref<192x128xf32, #tpu.memory_space<vmem>>, %arg18: memref<192xf32, #tpu.memory_space<vmem>>, %arg19: memref<192xf32, #tpu.memory_space<vmem>>, %arg20: memref<10240xf32, #tpu.memory_space<vmem>>, %arg21: memref<10240xf32, #tpu.memory_space<vmem>>, %arg22: memref<129x16xf32, #tpu.memory_space<vmem>>, %arg23: memref<128x16xi32, #tpu.memory_space<vmem>>, %arg24: memref<10240xf32, #tpu.memory_space<vmem>>, %arg25: memref<!tpu.dma_semaphore, #tpu.memory_space<semaphore_mem>>, %arg26: memref<!tpu.dma_semaphore, #tpu.memory_space<semaphore_mem>>, %arg27: memref<!tpu.dma_semaphore, #tpu.memory_space<semaphore_mem>>) attributes {dimension_semantics = [#tpu.dimension_semantics<core_parallel>, #tpu.dimension_semantics<subcore_parallel>], iteration_bounds = array<i64: 2, 16>, scalar_prefetch = 0 : i64, scratch_operands = 17 : i64, tpu.core_type = #tpu.core_type<sc_vector_subcore>, window_params = [{transform_indices = #map}, {transform_indices = #map}, {transform_indices = #map1}, {transform_indices = #map1}, {transform_indices = #map}, {transform_indices = #map}, {transform_indices = #map}, {transform_indices = #map}, {transform_indices = #map}]} {
    %mul3A = arith.constant 2 : i32
    %mul3A_0 = arith.muli %arg1, %mul3A : i32
    %add3A = arith.addi %mul3A_0, %arg0 : i32
    %mul3A_1 = arith.constant 164 : i32
    %mul3A_2 = arith.muli %add3A, %mul3A_1 : i32
    "tpu.region"() ({
      %run_scoped3A = tpu.sem_alloc : memref<!tpu.dma_semaphore, #tpu.memory_space<semaphore_mem>>
      tpu.enqueue_dma source(%arg4 : memref<10240xf32, #tpu.memory_space<hbm>>) target(%arg20 : memref<10240xf32, #tpu.memory_space<vmem>>) target_semaphore(%run_scoped3A : memref<!tpu.dma_semaphore, #tpu.memory_space<semaphore_mem>>)
      tpu.wait_dma2 semaphore(%run_scoped3A : memref<!tpu.dma_semaphore, #tpu.memory_space<semaphore_mem>>) src(%arg4 : memref<10240xf32, #tpu.memory_space<hbm>>) dst(%arg20 : memref<10240xf32, #tpu.memory_space<vmem>>)
      tpu.yield
    }) : () -> ()
    "tpu.region"() ({
      %run_scoped3A = tpu.sem_alloc : memref<!tpu.dma_semaphore, #tpu.memory_space<semaphore_mem>>
      tpu.enqueue_dma source(%arg5 : memref<10240xf32, #tpu.memory_space<hbm>>) target(%arg21 : memref<10240xf32, #tpu.memory_space<vmem>>) target_semaphore(%run_scoped3A : memref<!tpu.dma_semaphore, #tpu.memory_space<semaphore_mem>>)
      tpu.wait_dma2 semaphore(%run_scoped3A : memref<!tpu.dma_semaphore, #tpu.memory_space<semaphore_mem>>) src(%arg5 : memref<10240xf32, #tpu.memory_space<hbm>>) dst(%arg21 : memref<10240xf32, #tpu.memory_space<vmem>>)
      tpu.yield
    }) : () -> ()
    "tpu.region"() ({
      %run_scoped3A = tpu.sem_alloc : memref<!tpu.dma_semaphore, #tpu.memory_space<semaphore_mem>>
      tpu.enqueue_dma source(%arg7 : memref<129x16xf32, #tpu.memory_space<hbm>>) target(%arg22 : memref<129x16xf32, #tpu.memory_space<vmem>>) target_semaphore(%run_scoped3A : memref<!tpu.dma_semaphore, #tpu.memory_space<semaphore_mem>>)
      tpu.wait_dma2 semaphore(%run_scoped3A : memref<!tpu.dma_semaphore, #tpu.memory_space<semaphore_mem>>) src(%arg7 : memref<129x16xf32, #tpu.memory_space<hbm>>) dst(%arg22 : memref<129x16xf32, #tpu.memory_space<vmem>>)
      tpu.yield
    }) : () -> ()
    "tpu.region"() ({
      %run_scoped3A = tpu.sem_alloc : memref<!tpu.dma_semaphore, #tpu.memory_space<semaphore_mem>>
      tpu.enqueue_dma source(%arg8 : memref<128x16xi32, #tpu.memory_space<hbm>>) target(%arg23 : memref<128x16xi32, #tpu.memory_space<vmem>>) target_semaphore(%run_scoped3A : memref<!tpu.dma_semaphore, #tpu.memory_space<semaphore_mem>>)
      tpu.wait_dma2 semaphore(%run_scoped3A : memref<!tpu.dma_semaphore, #tpu.memory_space<semaphore_mem>>) src(%arg8 : memref<128x16xi32, #tpu.memory_space<hbm>>) dst(%arg23 : memref<128x16xi32, #tpu.memory_space<vmem>>)
      tpu.yield
    }) : () -> ()
    %broadcast_in_dim3A = arith.constant 0.000000e+00 : f32
    %broadcast_in_dim3A_3 = vector.broadcast %broadcast_in_dim3A : f32 to vector<16xf32>
    %scan3A = arith.constant 0 : i32
    %scan3A_4 = arith.constant 0 : i32
    %scan3A_5 = arith.constant 640 : i32
    %scan3A_6 = arith.addi %scan3A_4, %scan3A_5 : i32
    %scan3A_7 = arith.constant 1 : i32
    %scan3A_8 = scf.for %scan3A_67 = %scan3A_4 to %scan3A_6 step %scan3A_7 iter_args(%scan3A_68 = %scan3A) -> (i32)  : i32 {
      %mul3A_69 = arith.constant 16 : i32
      %mul3A_70 = arith.muli %scan3A_67, %mul3A_69 : i32
      %swap3A = arith.index_cast %mul3A_70 : i32 to index
      %swap3A_71 = tpu.vector_load %arg24[%swap3A] {strides = array<i32>} : memref<10240xf32, #tpu.memory_space<vmem>>, vector<16xf32>,
      tpu.vector_store %arg24[%swap3A], %broadcast_in_dim3A_3 {strides = array<i32>} : memref<10240xf32, #tpu.memory_space<vmem>>, vector<16xf32>,
      %scan3A_72 = arith.constant 0 : i32
      scf.yield %scan3A_72 : i32
    }
    %scan3A_9 = arith.constant 640 : i32
    "tpu.region"() ({
      %run_scoped3A = tpu.sem_alloc : memref<!tpu.dma_semaphore, #tpu.memory_space<semaphore_mem>>
      %dma_start3A_67 = arith.constant 0 : i32
      %dma_start3A_68 = tpu.memref_slice %arg6[%mul3A_2, %dma_start3A_67] : memref<5248x256xi32, #tpu.memory_space<hbm>> -> memref<1x256xi32, #tpu.memory_space<hbm>>
      %dma_start3A_69 = tpu.memref_squeeze %dma_start3A_68 : memref<1x256xi32, #tpu.memory_space<hbm>> -> memref<256xi32, #tpu.memory_space<hbm>>
      %dma_start3A_70 = arith.constant 0 : i32
      %dma_start3A_71 = tpu.memref_slice %arg6[%mul3A_2, %dma_start3A_70] : memref<5248x256xi32, #tpu.memory_space<hbm>> -> memref<1x256xi32, #tpu.memory_space<hbm>>
      %dma_start3A_72 = tpu.memref_squeeze %dma_start3A_71 : memref<1x256xi32, #tpu.memory_space<hbm>> -> memref<256xi32, #tpu.memory_space<hbm>>
      tpu.enqueue_dma source(%dma_start3A_72 : memref<256xi32, #tpu.memory_space<hbm>>) target(%arg11 : memref<256xi32, #tpu.memory_space<vmem>>) target_semaphore(%run_scoped3A : memref<!tpu.dma_semaphore, #tpu.memory_space<semaphore_mem>>)
      %dma_wait3A_73 = arith.constant 0 : i32
      %dma_wait3A_74 = tpu.memref_slice %arg6[%mul3A_2, %dma_wait3A_73] : memref<5248x256xi32, #tpu.memory_space<hbm>> -> memref<1x256xi32, #tpu.memory_space<hbm>>
      %dma_wait3A_75 = tpu.memref_squeeze %dma_wait3A_74 : memref<1x256xi32, #tpu.memory_space<hbm>> -> memref<256xi32, #tpu.memory_space<hbm>>
      %dma_wait3A_76 = arith.constant 0 : i32
      %dma_wait3A_77 = tpu.memref_slice %arg6[%mul3A_2, %dma_wait3A_76] : memref<5248x256xi32, #tpu.memory_space<hbm>> -> memref<1x256xi32, #tpu.memory_space<hbm>>
      %dma_wait3A_78 = tpu.memref_squeeze %dma_wait3A_77 : memref<1x256xi32, #tpu.memory_space<hbm>> -> memref<256xi32, #tpu.memory_space<hbm>>
      tpu.wait_dma2 semaphore(%run_scoped3A : memref<!tpu.dma_semaphore, #tpu.memory_space<semaphore_mem>>) src(%dma_wait3A_78 : memref<256xi32, #tpu.memory_space<hbm>>) dst(%arg11 : memref<256xi32, #tpu.memory_space<vmem>>)
      tpu.yield
    }) : () -> ()
    %add3A_10 = arith.constant 1 : i32
    %add3A_11 = arith.addi %mul3A_2, %add3A_10 : i32
    %dma_start3A = arith.constant 0 : i32
    %dma_start3A_12 = tpu.memref_slice %arg6[%add3A_11, %dma_start3A] : memref<5248x256xi32, #tpu.memory_space<hbm>> -> memref<1x256xi32, #tpu.memory_space<hbm>>
    %dma_start3A_13 = tpu.memref_squeeze %dma_start3A_12 : memref<1x256xi32, #tpu.memory_space<hbm>> -> memref<256xi32, #tpu.memory_space<hbm>>
    %dma_start3A_14 = arith.constant 0 : i32
    %dma_start3A_15 = tpu.memref_slice %arg6[%add3A_11, %dma_start3A_14] : memref<5248x256xi32, #tpu.memory_space<hbm>> -> memref<1x256xi32, #tpu.memory_space<hbm>>
    %dma_start3A_16 = tpu.memref_squeeze %dma_start3A_15 : memref<1x256xi32, #tpu.memory_space<hbm>> -> memref<256xi32, #tpu.memory_space<hbm>>
    tpu.enqueue_dma source(%dma_start3A_16 : memref<256xi32, #tpu.memory_space<hbm>>) target(%arg12 : memref<256xi32, #tpu.memory_space<vmem>>) target_semaphore(%arg26 : memref<!tpu.dma_semaphore, #tpu.memory_space<semaphore_mem>>)
    %dma_start3A_17 = arith.constant 0 : i32
    %dma_start3A_18 = tpu.memref_slice %arg11[%dma_start3A_17] : memref<256xi32, #tpu.memory_space<vmem>> -> memref<64xi32, #tpu.memory_space<vmem>>
    %dma_start3A_19 = arith.constant 0 : i32
    %dma_start3A_20 = arith.constant 0 : i32
    %dma_start3A_21 = tpu.memref_slice %arg2[%dma_start3A_19, %dma_start3A_20] : memref<10240x128xf32, #tpu.memory_space<hbm>> -> memref<10240x128xf32, #tpu.memory_space<hbm>>
    tpu.enqueue_indirect_dma source(%dma_start3A_21 : memref<10240x128xf32, #tpu.memory_space<hbm>>) target(%arg14 : memref<64x128xf32, #tpu.memory_space<vmem>>) offsets(%dma_start3A_18 : memref<64xi32, #tpu.memory_space<vmem>>) semaphore(%arg25 : memref<!tpu.dma_semaphore, #tpu.memory_space<semaphore_mem>>)
    %dma_start3A_22 = arith.constant 64 : i32
    %dma_start3A_23 = tpu.memref_slice %arg11[%dma_start3A_22] : memref<256xi32, #tpu.memory_space<vmem>> -> memref<192xi32, #tpu.memory_space<vmem>>
    %dma_start3A_24 = arith.constant 0 : i32
    %dma_start3A_25 = arith.constant 0 : i32
    %dma_start3A_26 = tpu.memref_slice %arg3[%dma_start3A_24, %dma_start3A_25] : memref<10240x128xf32, #tpu.memory_space<hbm>> -> memref<10240x128xf32, #tpu.memory_space<hbm>>
    tpu.enqueue_indirect_dma source(%dma_start3A_26 : memref<10240x128xf32, #tpu.memory_space<hbm>>) target(%arg16 : memref<192x128xf32, #tpu.memory_space<vmem>>) offsets(%dma_start3A_23 : memref<192xi32, #tpu.memory_space<vmem>>) semaphore(%arg25 : memref<!tpu.dma_semaphore, #tpu.memory_space<semaphore_mem>>)
    %add3A_27 = arith.constant 162 : i32
    %add3A_28 = arith.addi %mul3A_2, %add3A_27 : i32
    %dma_start3A_29 = arith.constant 0 : i32
    %dma_start3A_30 = tpu.memref_slice %arg9[%add3A_28, %dma_start3A_29] : memref<5248x192xf32, #tpu.memory_space<hbm>> -> memref<1x192xf32, #tpu.memory_space<hbm>>
    %dma_start3A_31 = tpu.memref_squeeze %dma_start3A_30 : memref<1x192xf32, #tpu.memory_space<hbm>> -> memref<192xf32, #tpu.memory_space<hbm>>
    %dma_start3A_32 = arith.constant 0 : i32
    %dma_start3A_33 = tpu.memref_slice %arg9[%add3A_28, %dma_start3A_32] : memref<5248x192xf32, #tpu.memory_space<hbm>> -> memref<1x192xf32, #tpu.memory_space<hbm>>
    %dma_start3A_34 = tpu.memref_squeeze %dma_start3A_33 : memref<1x192xf32, #tpu.memory_space<hbm>> -> memref<192xf32, #tpu.memory_space<hbm>>
    tpu.enqueue_dma source(%arg18 : memref<192xf32, #tpu.memory_space<vmem>>) target(%dma_start3A_34 : memref<192xf32, #tpu.memory_space<hbm>>) target_semaphore(%arg27 : memref<!tpu.dma_semaphore, #tpu.memory_space<semaphore_mem>>)
    %scan3A_35 = arith.constant 0 : i32
    %scan3A_36 = arith.constant 0 : i32
    %scan3A_37 = arith.constant 81 : i32
    %scan3A_38 = arith.addi %scan3A_36, %scan3A_37 : i32
    %scan3A_39 = arith.constant 1 : i32
    %scan3A_40 = scf.for %scan3A_67 = %scan3A_36 to %scan3A_38 step %scan3A_39 iter_args(%scan3A_68 = %scan3A_35) -> (i32)  : i32 {
      %mul3A_69 = arith.constant 2 : i32
      %mul3A_70 = arith.muli %mul3A_69, %scan3A_67 : i32
      %dma_wait3A_71 = arith.constant 0 : i32
      %dma_wait3A_72 = arith.constant 0 : i32
      %dma_wait3A_73 = tpu.memref_slice %arg2[%dma_wait3A_71, %dma_wait3A_72] : memref<10240x128xf32, #tpu.memory_space<hbm>> -> memref<64x128xf32, #tpu.memory_space<hbm>>
      %dma_wait3A_74 = arith.constant 0 : i32
      %dma_wait3A_75 = arith.constant 0 : i32
      %dma_wait3A_76 = tpu.memref_slice %arg2[%dma_wait3A_74, %dma_wait3A_75] : memref<10240x128xf32, #tpu.memory_space<hbm>> -> memref<64x128xf32, #tpu.memory_space<hbm>>
      tpu.wait_dma2 semaphore(%arg25 : memref<!tpu.dma_semaphore, #tpu.memory_space<semaphore_mem>>) src(%dma_wait3A_76 : memref<64x128xf32, #tpu.memory_space<hbm>>) dst(%arg14 : memref<64x128xf32, #tpu.memory_space<vmem>>)
      %dma_wait3A_77 = arith.constant 0 : i32
      %dma_wait3A_78 = arith.constant 0 : i32
      %dma_wait3A_79 = tpu.memref_slice %arg3[%dma_wait3A_77, %dma_wait3A_78] : memref<10240x128xf32, #tpu.memory_space<hbm>> -> memref<192x128xf32, #tpu.memory_space<hbm>>
      %dma_wait3A_80 = arith.constant 0 : i32
      %dma_wait3A_81 = arith.constant 0 : i32
      %dma_wait3A_82 = tpu.memref_slice %arg3[%dma_wait3A_80, %dma_wait3A_81] : memref<10240x128xf32, #tpu.memory_space<hbm>> -> memref<192x128xf32, #tpu.memory_space<hbm>>
      tpu.wait_dma2 semaphore(%arg25 : memref<!tpu.dma_semaphore, #tpu.memory_space<semaphore_mem>>) src(%dma_wait3A_82 : memref<192x128xf32, #tpu.memory_space<hbm>>) dst(%arg16 : memref<192x128xf32, #tpu.memory_space<vmem>>)
      %get3A = arith.constant 0 : index
      %get3A_83 = tpu.vector_load %arg11[%get3A] {strides = array<i32>} : memref<256xi32, #tpu.memory_space<vmem>>, vector<16xi32>,
      %swap3A = arith.constant 0 : index
      %swap3A_84 = tpu.vector_load %arg13[%swap3A] {strides = array<i32>} : memref<128xi32, #tpu.memory_space<vmem>>, vector<16xi32>,
      tpu.vector_store %arg13[%swap3A], %get3A_83 {strides = array<i32>} : memref<128xi32, #tpu.memory_space<vmem>>, vector<16xi32>,
      %get3A_85 = arith.constant 16 : index
      %get3A_86 = tpu.vector_load %arg11[%get3A_85] {strides = array<i32>} : memref<256xi32, #tpu.memory_space<vmem>>, vector<16xi32>,
      %swap3A_87 = arith.constant 16 : index
      %swap3A_88 = tpu.vector_load %arg13[%swap3A_87] {strides = array<i32>} : memref<128xi32, #tpu.memory_space<vmem>>, vector<16xi32>,
      tpu.vector_store %arg13[%swap3A_87], %get3A_86 {strides = array<i32>} : memref<128xi32, #tpu.memory_space<vmem>>, vector<16xi32>,
      %get3A_89 = arith.constant 32 : index
      %get3A_90 = tpu.vector_load %arg11[%get3A_89] {strides = array<i32>} : memref<256xi32, #tpu.memory_space<vmem>>, vector<16xi32>,
      %swap3A_91 = arith.constant 32 : index
      %swap3A_92 = tpu.vector_load %arg13[%swap3A_91] {strides = array<i32>} : memref<128xi32, #tpu.memory_space<vmem>>, vector<16xi32>,
      tpu.vector_store %arg13[%swap3A_91], %get3A_90 {strides = array<i32>} : memref<128xi32, #tpu.memory_space<vmem>>, vector<16xi32>,
      %get3A_93 = arith.constant 48 : index
      %get3A_94 = tpu.vector_load %arg11[%get3A_93] {strides = array<i32>} : memref<256xi32, #tpu.memory_space<vmem>>, vector<16xi32>,
      %swap3A_95 = arith.constant 48 : index
      %swap3A_96 = tpu.vector_load %arg13[%swap3A_95] {strides = array<i32>} : memref<128xi32, #tpu.memory_space<vmem>>, vector<16xi32>,
      tpu.vector_store %arg13[%swap3A_95], %get3A_94 {strides = array<i32>} : memref<128xi32, #tpu.memory_space<vmem>>, vector<16xi32>,
      %get3A_97 = arith.constant 64 : index
      %get3A_98 = tpu.vector_load %arg11[%get3A_97] {strides = array<i32>} : memref<256xi32, #tpu.memory_space<vmem>>, vector<16xi32>,
      %swap3A_99 = arith.constant 64 : index
      %swap3A_100 = tpu.vector_load %arg13[%swap3A_99] {strides = array<i32>} : memref<128xi32, #tpu.memory_space<vmem>>, vector<16xi32>,
      tpu.vector_store %arg13[%swap3A_99], %get3A_98 {strides = array<i32>} : memref<128xi32, #tpu.memory_space<vmem>>, vector<16xi32>,
      %get3A_101 = arith.constant 80 : index
      %get3A_102 = tpu.vector_load %arg11[%get3A_101] {strides = array<i32>} : memref<256xi32, #tpu.memory_space<vmem>>, vector<16xi32>,
      %swap3A_103 = arith.constant 80 : index
      %swap3A_104 = tpu.vector_load %arg13[%swap3A_103] {strides = array<i32>} : memref<128xi32, #tpu.memory_space<vmem>>, vector<16xi32>,
      tpu.vector_store %arg13[%swap3A_103], %get3A_102 {strides = array<i32>} : memref<128xi32, #tpu.memory_space<vmem>>, vector<16xi32>,
      %get3A_105 = arith.constant 96 : index
      %get3A_106 = tpu.vector_load %arg11[%get3A_105] {strides = array<i32>} : memref<256xi32, #tpu.memory_space<vmem>>, vector<16xi32>,
      %swap3A_107 = arith.constant 96 : index
      %swap3A_108 = tpu.vector_load %arg13[%swap3A_107] {strides = array<i32>} : memref<128xi32, #tpu.memory_space<vmem>>, vector<16xi32>,
      tpu.vector_store %arg13[%swap3A_107], %get3A_106 {strides = array<i32>} : memref<128xi32, #tpu.memory_space<vmem>>, vector<16xi32>,
      %get3A_109 = arith.constant 112 : index
      %get3A_110 = tpu.vector_load %arg11[%get3A_109] {strides = array<i32>} : memref<256xi32, #tpu.memory_space<vmem>>, vector<16xi32>,
      %swap3A_111 = arith.constant 112 : index
      %swap3A_112 = tpu.vector_load %arg13[%swap3A_111] {strides = array<i32>} : memref<128xi32, #tpu.memory_space<vmem>>, vector<16xi32>,
      tpu.vector_store %arg13[%swap3A_111], %get3A_110 {strides = array<i32>} : memref<128xi32, #tpu.memory_space<vmem>>, vector<16xi32>,
      %add3A_113 = arith.addi %mul3A_2, %mul3A_70 : i32
      %add3A_114 = arith.constant 2 : i32
      %add3A_115 = arith.addi %add3A_113, %add3A_114 : i32
      %dma_start3A_116 = arith.constant 0 : i32
      %dma_start3A_117 = tpu.memref_slice %arg6[%add3A_115, %dma_start3A_116] : memref<5248x256xi32, #tpu.memory_space<hbm>> -> memref<1x256xi32, #tpu.memory_space<hbm>>
      %dma_start3A_118 = tpu.memref_squeeze %dma_start3A_117 : memref<1x256xi32, #tpu.memory_space<hbm>> -> memref<256xi32, #tpu.memory_space<hbm>>
      %dma_start3A_119 = arith.constant 0 : i32
      %dma_start3A_120 = tpu.memref_slice %arg6[%add3A_115, %dma_start3A_119] : memref<5248x256xi32, #tpu.memory_space<hbm>> -> memref<1x256xi32, #tpu.memory_space<hbm>>
      %dma_start3A_121 = tpu.memref_squeeze %dma_start3A_120 : memref<1x256xi32, #tpu.memory_space<hbm>> -> memref<256xi32, #tpu.memory_space<hbm>>
      tpu.enqueue_dma source(%dma_start3A_121 : memref<256xi32, #tpu.memory_space<hbm>>) target(%arg11 : memref<256xi32, #tpu.memory_space<vmem>>) target_semaphore(%arg26 : memref<!tpu.dma_semaphore, #tpu.memory_space<semaphore_mem>>)
      %dma_wait3A_122 = arith.constant 0 : i32
      %dma_wait3A_123 = tpu.memref_slice %arg6[%mul3A_2, %dma_wait3A_122] : memref<5248x256xi32, #tpu.memory_space<hbm>> -> memref<1x256xi32, #tpu.memory_space<hbm>>
      %dma_wait3A_124 = tpu.memref_squeeze %dma_wait3A_123 : memref<1x256xi32, #tpu.memory_space<hbm>> -> memref<256xi32, #tpu.memory_space<hbm>>
      %dma_wait3A_125 = arith.constant 0 : i32
      %dma_wait3A_126 = tpu.memref_slice %arg6[%mul3A_2, %dma_wait3A_125] : memref<5248x256xi32, #tpu.memory_space<hbm>> -> memref<1x256xi32, #tpu.memory_space<hbm>>
      %dma_wait3A_127 = tpu.memref_squeeze %dma_wait3A_126 : memref<1x256xi32, #tpu.memory_space<hbm>> -> memref<256xi32, #tpu.memory_space<hbm>>
      tpu.wait_dma2 semaphore(%arg26 : memref<!tpu.dma_semaphore, #tpu.memory_space<semaphore_mem>>) src(%dma_wait3A_127 : memref<256xi32, #tpu.memory_space<hbm>>) dst(%arg12 : memref<256xi32, #tpu.memory_space<vmem>>)
      %dma_start3A_128 = arith.constant 0 : i32
      %dma_start3A_129 = tpu.memref_slice %arg12[%dma_start3A_128] : memref<256xi32, #tpu.memory_space<vmem>> -> memref<64xi32, #tpu.memory_space<vmem>>
      %dma_start3A_130 = arith.constant 0 : i32
      %dma_start3A_131 = arith.constant 0 : i32
      %dma_start3A_132 = tpu.memref_slice %arg2[%dma_start3A_130, %dma_start3A_131] : memref<10240x128xf32, #tpu.memory_space<hbm>> -> memref<10240x128xf32, #tpu.memory_space<hbm>>
      tpu.enqueue_indirect_dma source(%dma_start3A_132 : memref<10240x128xf32, #tpu.memory_space<hbm>>) target(%arg15 : memref<64x128xf32, #tpu.memory_space<vmem>>) offsets(%dma_start3A_129 : memref<64xi32, #tpu.memory_space<vmem>>) semaphore(%arg25 : memref<!tpu.dma_semaphore, #tpu.memory_space<semaphore_mem>>)
      %dma_start3A_133 = arith.constant 64 : i32
      %dma_start3A_134 = tpu.memref_slice %arg12[%dma_start3A_133] : memref<256xi32, #tpu.memory_space<vmem>> -> memref<192xi32, #tpu.memory_space<vmem>>
      %dma_start3A_135 = arith.constant 0 : i32
      %dma_start3A_136 = arith.constant 0 : i32
      %dma_start3A_137 = tpu.memref_slice %arg3[%dma_start3A_135, %dma_start3A_136] : memref<10240x128xf32, #tpu.memory_space<hbm>> -> memref<10240x128xf32, #tpu.memory_space<hbm>>
      tpu.enqueue_indirect_dma source(%dma_start3A_137 : memref<10240x128xf32, #tpu.memory_space<hbm>>) target(%arg17 : memref<192x128xf32, #tpu.memory_space<vmem>>) offsets(%dma_start3A_134 : memref<192xi32, #tpu.memory_space<vmem>>) semaphore(%arg25 : memref<!tpu.dma_semaphore, #tpu.memory_space<semaphore_mem>>)
      %add3A_138 = arith.constant 162 : i32
      %add3A_139 = arith.addi %mul3A_2, %add3A_138 : i32
      %dma_wait3A_140 = arith.constant 0 : i32
      %dma_wait3A_141 = tpu.memref_slice %arg9[%add3A_139, %dma_wait3A_140] : memref<5248x192xf32, #tpu.memory_space<hbm>> -> memref<1x192xf32, #tpu.memory_space<hbm>>
      %dma_wait3A_142 = tpu.memref_squeeze %dma_wait3A_141 : memref<1x192xf32, #tpu.memory_space<hbm>> -> memref<192xf32, #tpu.memory_space<hbm>>
      %dma_wait3A_143 = arith.constant 0 : i32
      %dma_wait3A_144 = tpu.memref_slice %arg9[%add3A_139, %dma_wait3A_143] : memref<5248x192xf32, #tpu.memory_space<hbm>> -> memref<1x192xf32, #tpu.memory_space<hbm>>
      %dma_wait3A_145 = tpu.memref_squeeze %dma_wait3A_144 : memref<1x192xf32, #tpu.memory_space<hbm>> -> memref<192xf32, #tpu.memory_space<hbm>>
      tpu.wait_dma2 semaphore(%arg27 : memref<!tpu.dma_semaphore, #tpu.memory_space<semaphore_mem>>) src(%arg18 : memref<192xf32, #tpu.memory_space<vmem>>) dst(%dma_wait3A_145 : memref<192xf32, #tpu.memory_space<hbm>>)
      %get3A_146 = arith.constant 128 : i32
      %get3A_147 = arith.index_cast %get3A_146 : i32 to index
      %get3A_148 = arith.constant 0 : index
      %get3A_149 = tpu.vector_load %arg22[%get3A_147, %get3A_148] {strides = array<i32>} : memref<129x16xf32, #tpu.memory_space<vmem>>, vector<16xf32>,
      %mul3A_150 = arith.constant 10368 : i32
      %mul3A_151 = arith.muli %add3A, %mul3A_150 : i32
      %mul3A_152 = arith.constant 64 : i32
      %mul3A_153 = arith.muli %mul3A_70, %mul3A_152 : i32
      %add3A_154 = arith.addi %mul3A_151, %mul3A_153 : i32
      %iota3A = tpu.iota {dimensions = array<i32: 0>} : vector<16xi32>
      %add3A_155 = arith.constant 0 : i32
      %add3A_156 = vector.broadcast %add3A_155 : i32 to vector<16xi32>
      %add3A_157 = arith.addi %iota3A, %add3A_156 : vector<16xi32>
      %scan3A_158 = arith.constant 0 : i32
      %scan3A_159 = arith.constant 128 : i32
      %scan3A_160 = arith.addi %scan3A_158, %scan3A_159 : i32
      %scan3A_161 = arith.constant 1 : i32
      %scan3A_162:3 = scf.for %scan3A_590 = %scan3A_158 to %scan3A_160 step %scan3A_161 iter_args(%scan3A_591 = %broadcast_in_dim3A_3, %scan3A_592 = %broadcast_in_dim3A_3, %scan3A_593 = %broadcast_in_dim3A_3) -> (vector<16xf32>, vector<16xf32>, vector<16xf32>)  : i32 {
        %get3A_594 = arith.index_cast %scan3A_590 : i32 to index
        %get3A_595 = arith.constant 0 : index
        %get3A_596 = tpu.vector_load %arg23[%get3A_594, %get3A_595] {strides = array<i32>} : memref<128x16xi32, #tpu.memory_space<vmem>>, vector<16xi32>,
        %gather3A_597 = tpu.vector_load_idx %arg14[%add3A_157, %get3A_596] : memref<64x128xf32, #tpu.memory_space<vmem>>[vector<16xi32>, vector<16xi32>], vector<16xf32>,
        %gather3A_598 = tpu.vector_load_idx %arg16[%add3A_157, %get3A_596] : memref<192x128xf32, #tpu.memory_space<vmem>>[vector<16xi32>, vector<16xi32>], vector<16xf32>,
        %add3A_599 = arith.constant 64 : i32
        %add3A_600 = vector.broadcast %add3A_599 : i32 to vector<16xi32>
        %add3A_601 = arith.addi %add3A_157, %add3A_600 : vector<16xi32>
        %gather3A_602 = tpu.vector_load_idx %arg16[%add3A_601, %get3A_596] : memref<192x128xf32, #tpu.memory_space<vmem>>[vector<16xi32>, vector<16xi32>], vector<16xf32>,
        %add3A_603 = arith.constant 128 : i32
        %add3A_604 = vector.broadcast %add3A_603 : i32 to vector<16xi32>
        %add3A_605 = arith.addi %add3A_157, %add3A_604 : vector<16xi32>
        %gather3A_606 = tpu.vector_load_idx %arg16[%add3A_605, %get3A_596] : memref<192x128xf32, #tpu.memory_space<vmem>>[vector<16xi32>, vector<16xi32>], vector<16xf32>,
        %add3A_607 = arith.addf %gather3A_597, %gather3A_598 : vector<16xf32>
        %add3A_608 = arith.addf %gather3A_597, %gather3A_602 : vector<16xf32>
        %add3A_609 = arith.addf %gather3A_597, %gather3A_606 : vector<16xf32>
        %gt3A = arith.constant 0.000000e+00 : f32
        %gt3A_610 = vector.broadcast %gt3A : f32 to vector<16xf32>
        %gt3A_611 = arith.cmpf ogt, %add3A_607, %gt3A_610 : vector<16xf32>
        %mul3A_612 = arith.constant 2.000000e-01 : f32
        %mul3A_613 = vector.broadcast %mul3A_612 : f32 to vector<16xf32>
        %mul3A_614 = arith.mulf %add3A_607, %mul3A_613 : vector<16xf32>
        %select_n3A = arith.select %gt3A_611, %add3A_607, %mul3A_614 : vector<16xi1>, vector<16xf32>
        %gt3A_615 = arith.constant 0.000000e+00 : f32
        %gt3A_616 = vector.broadcast %gt3A_615 : f32 to vector<16xf32>
        %gt3A_617 = arith.cmpf ogt, %add3A_608, %gt3A_616 : vector<16xf32>
        %mul3A_618 = arith.constant 2.000000e-01 : f32
        %mul3A_619 = vector.broadcast %mul3A_618 : f32 to vector<16xf32>
        %mul3A_620 = arith.mulf %add3A_608, %mul3A_619 : vector<16xf32>
        %select_n3A_621 = arith.select %gt3A_617, %add3A_608, %mul3A_620 : vector<16xi1>, vector<16xf32>
        %gt3A_622 = arith.constant 0.000000e+00 : f32
        %gt3A_623 = vector.broadcast %gt3A_622 : f32 to vector<16xf32>
        %gt3A_624 = arith.cmpf ogt, %add3A_609, %gt3A_623 : vector<16xf32>
        %mul3A_625 = arith.constant 2.000000e-01 : f32
        %mul3A_626 = vector.broadcast %mul3A_625 : f32 to vector<16xf32>
        %mul3A_627 = arith.mulf %add3A_609, %mul3A_626 : vector<16xf32>
        %select_n3A_628 = arith.select %gt3A_624, %add3A_609, %mul3A_627 : vector<16xi1>, vector<16xf32>
        %get3A_629 = arith.index_cast %scan3A_590 : i32 to index
        %get3A_630 = arith.constant 0 : index
        %get3A_631 = tpu.vector_load %arg22[%get3A_629, %get3A_630] {strides = array<i32>} : memref<129x16xf32, #tpu.memory_space<vmem>>, vector<16xf32>,
        %mul3A_632 = arith.mulf %select_n3A, %get3A_631 : vector<16xf32>
        %add3A_633 = arith.addf %scan3A_591, %mul3A_632 : vector<16xf32>
        %mul3A_634 = arith.mulf %select_n3A_621, %get3A_631 : vector<16xf32>
        %add3A_635 = arith.addf %scan3A_592, %mul3A_634 : vector<16xf32>
        %mul3A_636 = arith.mulf %select_n3A_628, %get3A_631 : vector<16xf32>
        %add3A_637 = arith.addf %scan3A_593, %mul3A_636 : vector<16xf32>
        scf.yield %add3A_633, %add3A_635, %add3A_637 : vector<16xf32>, vector<16xf32>, vector<16xf32>
      }
      %scan3A_163 = arith.constant 128 : i32
      %add3A_164 = arith.addf %scan3A_162#0, %get3A_149 : vector<16xf32>
      %add3A_165 = arith.addf %scan3A_162#1, %get3A_149 : vector<16xf32>
      %add3A_166 = arith.addf %scan3A_162#2, %get3A_149 : vector<16xf32>
      %get3A_167 = arith.constant 0 : index
      %get3A_168 = tpu.vector_load %arg13[%get3A_167] {strides = array<i32>} : memref<128xi32, #tpu.memory_space<vmem>>, vector<16xi32>,
      %get3A_169 = arith.constant 64 : index
      %get3A_170 = tpu.vector_load %arg13[%get3A_169] {strides = array<i32>} : memref<128xi32, #tpu.memory_space<vmem>>, vector<16xi32>,
      %gather3A = tpu.vector_load_idx %arg20[%get3A_168] : memref<10240xf32, #tpu.memory_space<vmem>>[vector<16xi32>], vector<16xf32>,
      %gather3A_171 = tpu.vector_load_idx %arg21[%get3A_170] : memref<10240xf32, #tpu.memory_space<vmem>>[vector<16xi32>], vector<16xf32>,
      %add3A_172 = arith.addf %gather3A, %gather3A_171 : vector<16xf32>
      %neg3A = arith.constant 0.000000e+00 : f32
      %neg3A_173 = vector.broadcast %neg3A : f32 to vector<16xf32>
      %neg3A_174 = arith.subf %neg3A_173, %add3A_172 : vector<16xf32>
      %exp3A = math.exp %neg3A_174 : vector<16xf32>
      %add3A_175 = arith.constant 1.000000e+00 : f32
      %add3A_176 = vector.broadcast %add3A_175 : f32 to vector<16xf32>
      %add3A_177 = arith.addf %add3A_176, %exp3A : vector<16xf32>
      %div3A = arith.constant 1.000000e+00 : f32
      %div3A_178 = vector.broadcast %div3A : f32 to vector<16xf32>
      %div3A_179 = arith.divf %div3A_178, %add3A_177 : vector<16xf32>
      %add3A_180 = vector.broadcast %add3A_154 : i32 to vector<16xi32>
      %add3A_181 = arith.addi %add3A_157, %add3A_180 : vector<16xi32>
      %lt3A = arith.constant 330000 : i32
      %lt3A_182 = vector.broadcast %lt3A : i32 to vector<16xi32>
      %lt3A_183 = arith.cmpi slt, %add3A_181, %lt3A_182 : vector<16xi32>
      %mul3A_184 = arith.mulf %add3A_164, %div3A_179 : vector<16xf32>
      tpu.vector_store_idx %arg24[%get3A_168], %mul3A_184 masked %lt3A_183 {add = true} : memref<10240xf32, #tpu.memory_space<vmem>>[vector<16xi32>], vector<16xf32>, vector<16xi1>
      %swap3A_185 = arith.constant 0 : index
      %swap3A_186 = tpu.vector_load %arg18[%swap3A_185] {strides = array<i32>} : memref<192xf32, #tpu.memory_space<vmem>>, vector<16xf32>,
      tpu.vector_store %arg18[%swap3A_185], %add3A_164 {strides = array<i32>} : memref<192xf32, #tpu.memory_space<vmem>>, vector<16xf32>,
      %swap3A_187 = arith.constant 64 : index
      %swap3A_188 = tpu.vector_load %arg18[%swap3A_187] {strides = array<i32>} : memref<192xf32, #tpu.memory_space<vmem>>, vector<16xf32>,
      tpu.vector_store %arg18[%swap3A_187], %add3A_165 {strides = array<i32>} : memref<192xf32, #tpu.memory_space<vmem>>, vector<16xf32>,
      %swap3A_189 = arith.constant 128 : index
      %swap3A_190 = tpu.vector_load %arg18[%swap3A_189] {strides = array<i32>} : memref<192xf32, #tpu.memory_space<vmem>>, vector<16xf32>,
      tpu.vector_store %arg18[%swap3A_189], %add3A_166 {strides = array<i32>} : memref<192xf32, #tpu.memory_space<vmem>>, vector<16xf32>,
      %iota3A_191 = tpu.iota {dimensions = array<i32: 0>} : vector<16xi32>
      %add3A_192 = arith.constant 16 : i32
      %add3A_193 = vector.broadcast %add3A_192 : i32 to vector<16xi32>
      %add3A_194 = arith.addi %iota3A_191, %add3A_193 : vector<16xi32>
      %scan3A_195 = arith.constant 0 : i32
      %scan3A_196 = arith.constant 128 : i32
      %scan3A_197 = arith.addi %scan3A_195, %scan3A_196 : i32
      %scan3A_198 = arith.constant 1 : i32
      %scan3A_199:3 = scf.for %scan3A_590 = %scan3A_195 to %scan3A_197 step %scan3A_198 iter_args(%scan3A_591 = %broadcast_in_dim3A_3, %scan3A_592 = %broadcast_in_dim3A_3, %scan3A_593 = %broadcast_in_dim3A_3) -> (vector<16xf32>, vector<16xf32>, vector<16xf32>)  : i32 {
        %get3A_594 = arith.index_cast %scan3A_590 : i32 to index
        %get3A_595 = arith.constant 0 : index
        %get3A_596 = tpu.vector_load %arg23[%get3A_594, %get3A_595] {strides = array<i32>} : memref<128x16xi32, #tpu.memory_space<vmem>>, vector<16xi32>,
        %gather3A_597 = tpu.vector_load_idx %arg14[%add3A_194, %get3A_596] : memref<64x128xf32, #tpu.memory_space<vmem>>[vector<16xi32>, vector<16xi32>], vector<16xf32>,
        %gather3A_598 = tpu.vector_load_idx %arg16[%add3A_194, %get3A_596] : memref<192x128xf32, #tpu.memory_space<vmem>>[vector<16xi32>, vector<16xi32>], vector<16xf32>,
        %add3A_599 = arith.constant 64 : i32
        %add3A_600 = vector.broadcast %add3A_599 : i32 to vector<16xi32>
        %add3A_601 = arith.addi %add3A_194, %add3A_600 : vector<16xi32>
        %gather3A_602 = tpu.vector_load_idx %arg16[%add3A_601, %get3A_596] : memref<192x128xf32, #tpu.memory_space<vmem>>[vector<16xi32>, vector<16xi32>], vector<16xf32>,
        %add3A_603 = arith.constant 128 : i32
        %add3A_604 = vector.broadcast %add3A_603 : i32 to vector<16xi32>
        %add3A_605 = arith.addi %add3A_194, %add3A_604 : vector<16xi32>
        %gather3A_606 = tpu.vector_load_idx %arg16[%add3A_605, %get3A_596] : memref<192x128xf32, #tpu.memory_space<vmem>>[vector<16xi32>, vector<16xi32>], vector<16xf32>,
        %add3A_607 = arith.addf %gather3A_597, %gather3A_598 : vector<16xf32>
        %add3A_608 = arith.addf %gather3A_597, %gather3A_602 : vector<16xf32>
        %add3A_609 = arith.addf %gather3A_597, %gather3A_606 : vector<16xf32>
        %gt3A = arith.constant 0.000000e+00 : f32
        %gt3A_610 = vector.broadcast %gt3A : f32 to vector<16xf32>
        %gt3A_611 = arith.cmpf ogt, %add3A_607, %gt3A_610 : vector<16xf32>
        %mul3A_612 = arith.constant 2.000000e-01 : f32
        %mul3A_613 = vector.broadcast %mul3A_612 : f32 to vector<16xf32>
        %mul3A_614 = arith.mulf %add3A_607, %mul3A_613 : vector<16xf32>
        %select_n3A = arith.select %gt3A_611, %add3A_607, %mul3A_614 : vector<16xi1>, vector<16xf32>
        %gt3A_615 = arith.constant 0.000000e+00 : f32
        %gt3A_616 = vector.broadcast %gt3A_615 : f32 to vector<16xf32>
        %gt3A_617 = arith.cmpf ogt, %add3A_608, %gt3A_616 : vector<16xf32>
        %mul3A_618 = arith.constant 2.000000e-01 : f32
        %mul3A_619 = vector.broadcast %mul3A_618 : f32 to vector<16xf32>
        %mul3A_620 = arith.mulf %add3A_608, %mul3A_619 : vector<16xf32>
        %select_n3A_621 = arith.select %gt3A_617, %add3A_608, %mul3A_620 : vector<16xi1>, vector<16xf32>
        %gt3A_622 = arith.constant 0.000000e+00 : f32
        %gt3A_623 = vector.broadcast %gt3A_622 : f32 to vector<16xf32>
        %gt3A_624 = arith.cmpf ogt, %add3A_609, %gt3A_623 : vector<16xf32>
        %mul3A_625 = arith.constant 2.000000e-01 : f32
        %mul3A_626 = vector.broadcast %mul3A_625 : f32 to vector<16xf32>
        %mul3A_627 = arith.mulf %add3A_609, %mul3A_626 : vector<16xf32>
        %select_n3A_628 = arith.select %gt3A_624, %add3A_609, %mul3A_627 : vector<16xi1>, vector<16xf32>
        %get3A_629 = arith.index_cast %scan3A_590 : i32 to index
        %get3A_630 = arith.constant 0 : index
        %get3A_631 = tpu.vector_load %arg22[%get3A_629, %get3A_630] {strides = array<i32>} : memref<129x16xf32, #tpu.memory_space<vmem>>, vector<16xf32>,
        %mul3A_632 = arith.mulf %select_n3A, %get3A_631 : vector<16xf32>
        %add3A_633 = arith.addf %scan3A_591, %mul3A_632 : vector<16xf32>
        %mul3A_634 = arith.mulf %select_n3A_621, %get3A_631 : vector<16xf32>
        %add3A_635 = arith.addf %scan3A_592, %mul3A_634 : vector<16xf32>
        %mul3A_636 = arith.mulf %select_n3A_628, %get3A_631 : vector<16xf32>
        %add3A_637 = arith.addf %scan3A_593, %mul3A_636 : vector<16xf32>
        scf.yield %add3A_633, %add3A_635, %add3A_637 : vector<16xf32>, vector<16xf32>, vector<16xf32>
      }
      %scan3A_200 = arith.constant 128 : i32
      %add3A_201 = arith.addf %scan3A_199#0, %get3A_149 : vector<16xf32>
      %add3A_202 = arith.addf %scan3A_199#1, %get3A_149 : vector<16xf32>
      %add3A_203 = arith.addf %scan3A_199#2, %get3A_149 : vector<16xf32>
      %get3A_204 = arith.constant 16 : index
      %get3A_205 = tpu.vector_load %arg13[%get3A_204] {strides = array<i32>} : memref<128xi32, #tpu.memory_space<vmem>>, vector<16xi32>,
      %get3A_206 = arith.constant 80 : index
      %get3A_207 = tpu.vector_load %arg13[%get3A_206] {strides = array<i32>} : memref<128xi32, #tpu.memory_space<vmem>>, vector<16xi32>,
      %gather3A_208 = tpu.vector_load_idx %arg20[%get3A_205] : memref<10240xf32, #tpu.memory_space<vmem>>[vector<16xi32>], vector<16xf32>,
      %gather3A_209 = tpu.vector_load_idx %arg21[%get3A_207] : memref<10240xf32, #tpu.memory_space<vmem>>[vector<16xi32>], vector<16xf32>,
      %add3A_210 = arith.addf %gather3A_208, %gather3A_209 : vector<16xf32>
      %neg3A_211 = arith.constant 0.000000e+00 : f32
      %neg3A_212 = vector.broadcast %neg3A_211 : f32 to vector<16xf32>
      %neg3A_213 = arith.subf %neg3A_212, %add3A_210 : vector<16xf32>
      %exp3A_214 = math.exp %neg3A_213 : vector<16xf32>
      %add3A_215 = arith.constant 1.000000e+00 : f32
      %add3A_216 = vector.broadcast %add3A_215 : f32 to vector<16xf32>
      %add3A_217 = arith.addf %add3A_216, %exp3A_214 : vector<16xf32>
      %div3A_218 = arith.constant 1.000000e+00 : f32
      %div3A_219 = vector.broadcast %div3A_218 : f32 to vector<16xf32>
      %div3A_220 = arith.divf %div3A_219, %add3A_217 : vector<16xf32>
      %add3A_221 = vector.broadcast %add3A_154 : i32 to vector<16xi32>
      %add3A_222 = arith.addi %add3A_194, %add3A_221 : vector<16xi32>
      %lt3A_223 = arith.constant 330000 : i32
      %lt3A_224 = vector.broadcast %lt3A_223 : i32 to vector<16xi32>
      %lt3A_225 = arith.cmpi slt, %add3A_222, %lt3A_224 : vector<16xi32>
      %mul3A_226 = arith.mulf %add3A_201, %div3A_220 : vector<16xf32>
      tpu.vector_store_idx %arg24[%get3A_205], %mul3A_226 masked %lt3A_225 {add = true} : memref<10240xf32, #tpu.memory_space<vmem>>[vector<16xi32>], vector<16xf32>, vector<16xi1>
      %swap3A_227 = arith.constant 16 : index
      %swap3A_228 = tpu.vector_load %arg18[%swap3A_227] {strides = array<i32>} : memref<192xf32, #tpu.memory_space<vmem>>, vector<16xf32>,
      tpu.vector_store %arg18[%swap3A_227], %add3A_201 {strides = array<i32>} : memref<192xf32, #tpu.memory_space<vmem>>, vector<16xf32>,
      %swap3A_229 = arith.constant 80 : index
      %swap3A_230 = tpu.vector_load %arg18[%swap3A_229] {strides = array<i32>} : memref<192xf32, #tpu.memory_space<vmem>>, vector<16xf32>,
      tpu.vector_store %arg18[%swap3A_229], %add3A_202 {strides = array<i32>} : memref<192xf32, #tpu.memory_space<vmem>>, vector<16xf32>,
      %swap3A_231 = arith.constant 144 : index
      %swap3A_232 = tpu.vector_load %arg18[%swap3A_231] {strides = array<i32>} : memref<192xf32, #tpu.memory_space<vmem>>, vector<16xf32>,
      tpu.vector_store %arg18[%swap3A_231], %add3A_203 {strides = array<i32>} : memref<192xf32, #tpu.memory_space<vmem>>, vector<16xf32>,
      %iota3A_233 = tpu.iota {dimensions = array<i32: 0>} : vector<16xi32>
      %add3A_234 = arith.constant 32 : i32
      %add3A_235 = vector.broadcast %add3A_234 : i32 to vector<16xi32>
      %add3A_236 = arith.addi %iota3A_233, %add3A_235 : vector<16xi32>
      %scan3A_237 = arith.constant 0 : i32
      %scan3A_238 = arith.constant 128 : i32
      %scan3A_239 = arith.addi %scan3A_237, %scan3A_238 : i32
      %scan3A_240 = arith.constant 1 : i32
      %scan3A_241:3 = scf.for %scan3A_590 = %scan3A_237 to %scan3A_239 step %scan3A_240 iter_args(%scan3A_591 = %broadcast_in_dim3A_3, %scan3A_592 = %broadcast_in_dim3A_3, %scan3A_593 = %broadcast_in_dim3A_3) -> (vector<16xf32>, vector<16xf32>, vector<16xf32>)  : i32 {
        %get3A_594 = arith.index_cast %scan3A_590 : i32 to index
        %get3A_595 = arith.constant 0 : index
        %get3A_596 = tpu.vector_load %arg23[%get3A_594, %get3A_595] {strides = array<i32>} : memref<128x16xi32, #tpu.memory_space<vmem>>, vector<16xi32>,
        %gather3A_597 = tpu.vector_load_idx %arg14[%add3A_236, %get3A_596] : memref<64x128xf32, #tpu.memory_space<vmem>>[vector<16xi32>, vector<16xi32>], vector<16xf32>,
        %gather3A_598 = tpu.vector_load_idx %arg16[%add3A_236, %get3A_596] : memref<192x128xf32, #tpu.memory_space<vmem>>[vector<16xi32>, vector<16xi32>], vector<16xf32>,
        %add3A_599 = arith.constant 64 : i32
        %add3A_600 = vector.broadcast %add3A_599 : i32 to vector<16xi32>
        %add3A_601 = arith.addi %add3A_236, %add3A_600 : vector<16xi32>
        %gather3A_602 = tpu.vector_load_idx %arg16[%add3A_601, %get3A_596] : memref<192x128xf32, #tpu.memory_space<vmem>>[vector<16xi32>, vector<16xi32>], vector<16xf32>,
        %add3A_603 = arith.constant 128 : i32
        %add3A_604 = vector.broadcast %add3A_603 : i32 to vector<16xi32>
        %add3A_605 = arith.addi %add3A_236, %add3A_604 : vector<16xi32>
        %gather3A_606 = tpu.vector_load_idx %arg16[%add3A_605, %get3A_596] : memref<192x128xf32, #tpu.memory_space<vmem>>[vector<16xi32>, vector<16xi32>], vector<16xf32>,
        %add3A_607 = arith.addf %gather3A_597, %gather3A_598 : vector<16xf32>
        %add3A_608 = arith.addf %gather3A_597, %gather3A_602 : vector<16xf32>
        %add3A_609 = arith.addf %gather3A_597, %gather3A_606 : vector<16xf32>
        %gt3A = arith.constant 0.000000e+00 : f32
        %gt3A_610 = vector.broadcast %gt3A : f32 to vector<16xf32>
        %gt3A_611 = arith.cmpf ogt, %add3A_607, %gt3A_610 : vector<16xf32>
        %mul3A_612 = arith.constant 2.000000e-01 : f32
        %mul3A_613 = vector.broadcast %mul3A_612 : f32 to vector<16xf32>
        %mul3A_614 = arith.mulf %add3A_607, %mul3A_613 : vector<16xf32>
        %select_n3A = arith.select %gt3A_611, %add3A_607, %mul3A_614 : vector<16xi1>, vector<16xf32>
        %gt3A_615 = arith.constant 0.000000e+00 : f32
        %gt3A_616 = vector.broadcast %gt3A_615 : f32 to vector<16xf32>
        %gt3A_617 = arith.cmpf ogt, %add3A_608, %gt3A_616 : vector<16xf32>
        %mul3A_618 = arith.constant 2.000000e-01 : f32
        %mul3A_619 = vector.broadcast %mul3A_618 : f32 to vector<16xf32>
        %mul3A_620 = arith.mulf %add3A_608, %mul3A_619 : vector<16xf32>
        %select_n3A_621 = arith.select %gt3A_617, %add3A_608, %mul3A_620 : vector<16xi1>, vector<16xf32>
        %gt3A_622 = arith.constant 0.000000e+00 : f32
        %gt3A_623 = vector.broadcast %gt3A_622 : f32 to vector<16xf32>
        %gt3A_624 = arith.cmpf ogt, %add3A_609, %gt3A_623 : vector<16xf32>
        %mul3A_625 = arith.constant 2.000000e-01 : f32
        %mul3A_626 = vector.broadcast %mul3A_625 : f32 to vector<16xf32>
        %mul3A_627 = arith.mulf %add3A_609, %mul3A_626 : vector<16xf32>
        %select_n3A_628 = arith.select %gt3A_624, %add3A_609, %mul3A_627 : vector<16xi1>, vector<16xf32>
        %get3A_629 = arith.index_cast %scan3A_590 : i32 to index
        %get3A_630 = arith.constant 0 : index
        %get3A_631 = tpu.vector_load %arg22[%get3A_629, %get3A_630] {strides = array<i32>} : memref<129x16xf32, #tpu.memory_space<vmem>>, vector<16xf32>,
        %mul3A_632 = arith.mulf %select_n3A, %get3A_631 : vector<16xf32>
        %add3A_633 = arith.addf %scan3A_591, %mul3A_632 : vector<16xf32>
        %mul3A_634 = arith.mulf %select_n3A_621, %get3A_631 : vector<16xf32>
        %add3A_635 = arith.addf %scan3A_592, %mul3A_634 : vector<16xf32>
        %mul3A_636 = arith.mulf %select_n3A_628, %get3A_631 : vector<16xf32>
        %add3A_637 = arith.addf %scan3A_593, %mul3A_636 : vector<16xf32>
        scf.yield %add3A_633, %add3A_635, %add3A_637 : vector<16xf32>, vector<16xf32>, vector<16xf32>
      }
      %scan3A_242 = arith.constant 128 : i32
      %add3A_243 = arith.addf %scan3A_241#0, %get3A_149 : vector<16xf32>
      %add3A_244 = arith.addf %scan3A_241#1, %get3A_149 : vector<16xf32>
      %add3A_245 = arith.addf %scan3A_241#2, %get3A_149 : vector<16xf32>
      %get3A_246 = arith.constant 32 : index
      %get3A_247 = tpu.vector_load %arg13[%get3A_246] {strides = array<i32>} : memref<128xi32, #tpu.memory_space<vmem>>, vector<16xi32>,
      %get3A_248 = arith.constant 96 : index
      %get3A_249 = tpu.vector_load %arg13[%get3A_248] {strides = array<i32>} : memref<128xi32, #tpu.memory_space<vmem>>, vector<16xi32>,
      %gather3A_250 = tpu.vector_load_idx %arg20[%get3A_247] : memref<10240xf32, #tpu.memory_space<vmem>>[vector<16xi32>], vector<16xf32>,
      %gather3A_251 = tpu.vector_load_idx %arg21[%get3A_249] : memref<10240xf32, #tpu.memory_space<vmem>>[vector<16xi32>], vector<16xf32>,
      %add3A_252 = arith.addf %gather3A_250, %gather3A_251 : vector<16xf32>
      %neg3A_253 = arith.constant 0.000000e+00 : f32
      %neg3A_254 = vector.broadcast %neg3A_253 : f32 to vector<16xf32>
      %neg3A_255 = arith.subf %neg3A_254, %add3A_252 : vector<16xf32>
      %exp3A_256 = math.exp %neg3A_255 : vector<16xf32>
      %add3A_257 = arith.constant 1.000000e+00 : f32
      %add3A_258 = vector.broadcast %add3A_257 : f32 to vector<16xf32>
      %add3A_259 = arith.addf %add3A_258, %exp3A_256 : vector<16xf32>
      %div3A_260 = arith.constant 1.000000e+00 : f32
      %div3A_261 = vector.broadcast %div3A_260 : f32 to vector<16xf32>
      %div3A_262 = arith.divf %div3A_261, %add3A_259 : vector<16xf32>
      %add3A_263 = vector.broadcast %add3A_154 : i32 to vector<16xi32>
      %add3A_264 = arith.addi %add3A_236, %add3A_263 : vector<16xi32>
      %lt3A_265 = arith.constant 330000 : i32
      %lt3A_266 = vector.broadcast %lt3A_265 : i32 to vector<16xi32>
      %lt3A_267 = arith.cmpi slt, %add3A_264, %lt3A_266 : vector<16xi32>
      %mul3A_268 = arith.mulf %add3A_243, %div3A_262 : vector<16xf32>
      tpu.vector_store_idx %arg24[%get3A_247], %mul3A_268 masked %lt3A_267 {add = true} : memref<10240xf32, #tpu.memory_space<vmem>>[vector<16xi32>], vector<16xf32>, vector<16xi1>
      %swap3A_269 = arith.constant 32 : index
      %swap3A_270 = tpu.vector_load %arg18[%swap3A_269] {strides = array<i32>} : memref<192xf32, #tpu.memory_space<vmem>>, vector<16xf32>,
      tpu.vector_store %arg18[%swap3A_269], %add3A_243 {strides = array<i32>} : memref<192xf32, #tpu.memory_space<vmem>>, vector<16xf32>,
      %swap3A_271 = arith.constant 96 : index
      %swap3A_272 = tpu.vector_load %arg18[%swap3A_271] {strides = array<i32>} : memref<192xf32, #tpu.memory_space<vmem>>, vector<16xf32>,
      tpu.vector_store %arg18[%swap3A_271], %add3A_244 {strides = array<i32>} : memref<192xf32, #tpu.memory_space<vmem>>, vector<16xf32>,
      %swap3A_273 = arith.constant 160 : index
      %swap3A_274 = tpu.vector_load %arg18[%swap3A_273] {strides = array<i32>} : memref<192xf32, #tpu.memory_space<vmem>>, vector<16xf32>,
      tpu.vector_store %arg18[%swap3A_273], %add3A_245 {strides = array<i32>} : memref<192xf32, #tpu.memory_space<vmem>>, vector<16xf32>,
      %iota3A_275 = tpu.iota {dimensions = array<i32: 0>} : vector<16xi32>
      %add3A_276 = arith.constant 48 : i32
      %add3A_277 = vector.broadcast %add3A_276 : i32 to vector<16xi32>
      %add3A_278 = arith.addi %iota3A_275, %add3A_277 : vector<16xi32>
      %scan3A_279 = arith.constant 0 : i32
      %scan3A_280 = arith.constant 128 : i32
      %scan3A_281 = arith.addi %scan3A_279, %scan3A_280 : i32
      %scan3A_282 = arith.constant 1 : i32
      %scan3A_283:3 = scf.for %scan3A_590 = %scan3A_279 to %scan3A_281 step %scan3A_282 iter_args(%scan3A_591 = %broadcast_in_dim3A_3, %scan3A_592 = %broadcast_in_dim3A_3, %scan3A_593 = %broadcast_in_dim3A_3) -> (vector<16xf32>, vector<16xf32>, vector<16xf32>)  : i32 {
        %get3A_594 = arith.index_cast %scan3A_590 : i32 to index
        %get3A_595 = arith.constant 0 : index
        %get3A_596 = tpu.vector_load %arg23[%get3A_594, %get3A_595] {strides = array<i32>} : memref<128x16xi32, #tpu.memory_space<vmem>>, vector<16xi32>,
        %gather3A_597 = tpu.vector_load_idx %arg14[%add3A_278, %get3A_596] : memref<64x128xf32, #tpu.memory_space<vmem>>[vector<16xi32>, vector<16xi32>], vector<16xf32>,
        %gather3A_598 = tpu.vector_load_idx %arg16[%add3A_278, %get3A_596] : memref<192x128xf32, #tpu.memory_space<vmem>>[vector<16xi32>, vector<16xi32>], vector<16xf32>,
        %add3A_599 = arith.constant 64 : i32
        %add3A_600 = vector.broadcast %add3A_599 : i32 to vector<16xi32>
        %add3A_601 = arith.addi %add3A_278, %add3A_600 : vector<16xi32>
        %gather3A_602 = tpu.vector_load_idx %arg16[%add3A_601, %get3A_596] : memref<192x128xf32, #tpu.memory_space<vmem>>[vector<16xi32>, vector<16xi32>], vector<16xf32>,
        %add3A_603 = arith.constant 128 : i32
        %add3A_604 = vector.broadcast %add3A_603 : i32 to vector<16xi32>
        %add3A_605 = arith.addi %add3A_278, %add3A_604 : vector<16xi32>
        %gather3A_606 = tpu.vector_load_idx %arg16[%add3A_605, %get3A_596] : memref<192x128xf32, #tpu.memory_space<vmem>>[vector<16xi32>, vector<16xi32>], vector<16xf32>,
        %add3A_607 = arith.addf %gather3A_597, %gather3A_598 : vector<16xf32>
        %add3A_608 = arith.addf %gather3A_597, %gather3A_602 : vector<16xf32>
        %add3A_609 = arith.addf %gather3A_597, %gather3A_606 : vector<16xf32>
        %gt3A = arith.constant 0.000000e+00 : f32
        %gt3A_610 = vector.broadcast %gt3A : f32 to vector<16xf32>
        %gt3A_611 = arith.cmpf ogt, %add3A_607, %gt3A_610 : vector<16xf32>
        %mul3A_612 = arith.constant 2.000000e-01 : f32
        %mul3A_613 = vector.broadcast %mul3A_612 : f32 to vector<16xf32>
        %mul3A_614 = arith.mulf %add3A_607, %mul3A_613 : vector<16xf32>
        %select_n3A = arith.select %gt3A_611, %add3A_607, %mul3A_614 : vector<16xi1>, vector<16xf32>
        %gt3A_615 = arith.constant 0.000000e+00 : f32
        %gt3A_616 = vector.broadcast %gt3A_615 : f32 to vector<16xf32>
        %gt3A_617 = arith.cmpf ogt, %add3A_608, %gt3A_616 : vector<16xf32>
        %mul3A_618 = arith.constant 2.000000e-01 : f32
        %mul3A_619 = vector.broadcast %mul3A_618 : f32 to vector<16xf32>
        %mul3A_620 = arith.mulf %add3A_608, %mul3A_619 : vector<16xf32>
        %select_n3A_621 = arith.select %gt3A_617, %add3A_608, %mul3A_620 : vector<16xi1>, vector<16xf32>
        %gt3A_622 = arith.constant 0.000000e+00 : f32
        %gt3A_623 = vector.broadcast %gt3A_622 : f32 to vector<16xf32>
        %gt3A_624 = arith.cmpf ogt, %add3A_609, %gt3A_623 : vector<16xf32>
        %mul3A_625 = arith.constant 2.000000e-01 : f32
        %mul3A_626 = vector.broadcast %mul3A_625 : f32 to vector<16xf32>
        %mul3A_627 = arith.mulf %add3A_609, %mul3A_626 : vector<16xf32>
        %select_n3A_628 = arith.select %gt3A_624, %add3A_609, %mul3A_627 : vector<16xi1>, vector<16xf32>
        %get3A_629 = arith.index_cast %scan3A_590 : i32 to index
        %get3A_630 = arith.constant 0 : index
        %get3A_631 = tpu.vector_load %arg22[%get3A_629, %get3A_630] {strides = array<i32>} : memref<129x16xf32, #tpu.memory_space<vmem>>, vector<16xf32>,
        %mul3A_632 = arith.mulf %select_n3A, %get3A_631 : vector<16xf32>
        %add3A_633 = arith.addf %scan3A_591, %mul3A_632 : vector<16xf32>
        %mul3A_634 = arith.mulf %select_n3A_621, %get3A_631 : vector<16xf32>
        %add3A_635 = arith.addf %scan3A_592, %mul3A_634 : vector<16xf32>
        %mul3A_636 = arith.mulf %select_n3A_628, %get3A_631 : vector<16xf32>
        %add3A_637 = arith.addf %scan3A_593, %mul3A_636 : vector<16xf32>
        scf.yield %add3A_633, %add3A_635, %add3A_637 : vector<16xf32>, vector<16xf32>, vector<16xf32>
      }
      %scan3A_284 = arith.constant 128 : i32
      %add3A_285 = arith.addf %scan3A_283#0, %get3A_149 : vector<16xf32>
      %add3A_286 = arith.addf %scan3A_283#1, %get3A_149 : vector<16xf32>
      %add3A_287 = arith.addf %scan3A_283#2, %get3A_149 : vector<16xf32>
      %get3A_288 = arith.constant 48 : index
      %get3A_289 = tpu.vector_load %arg13[%get3A_288] {strides = array<i32>} : memref<128xi32, #tpu.memory_space<vmem>>, vector<16xi32>,
      %get3A_290 = arith.constant 112 : index
      %get3A_291 = tpu.vector_load %arg13[%get3A_290] {strides = array<i32>} : memref<128xi32, #tpu.memory_space<vmem>>, vector<16xi32>,
      %gather3A_292 = tpu.vector_load_idx %arg20[%get3A_289] : memref<10240xf32, #tpu.memory_space<vmem>>[vector<16xi32>], vector<16xf32>,
      %gather3A_293 = tpu.vector_load_idx %arg21[%get3A_291] : memref<10240xf32, #tpu.memory_space<vmem>>[vector<16xi32>], vector<16xf32>,
      %add3A_294 = arith.addf %gather3A_292, %gather3A_293 : vector<16xf32>
      %neg3A_295 = arith.constant 0.000000e+00 : f32
      %neg3A_296 = vector.broadcast %neg3A_295 : f32 to vector<16xf32>
      %neg3A_297 = arith.subf %neg3A_296, %add3A_294 : vector<16xf32>
      %exp3A_298 = math.exp %neg3A_297 : vector<16xf32>
      %add3A_299 = arith.constant 1.000000e+00 : f32
      %add3A_300 = vector.broadcast %add3A_299 : f32 to vector<16xf32>
      %add3A_301 = arith.addf %add3A_300, %exp3A_298 : vector<16xf32>
      %div3A_302 = arith.constant 1.000000e+00 : f32
      %div3A_303 = vector.broadcast %div3A_302 : f32 to vector<16xf32>
      %div3A_304 = arith.divf %div3A_303, %add3A_301 : vector<16xf32>
      %add3A_305 = vector.broadcast %add3A_154 : i32 to vector<16xi32>
      %add3A_306 = arith.addi %add3A_278, %add3A_305 : vector<16xi32>
      %lt3A_307 = arith.constant 330000 : i32
      %lt3A_308 = vector.broadcast %lt3A_307 : i32 to vector<16xi32>
      %lt3A_309 = arith.cmpi slt, %add3A_306, %lt3A_308 : vector<16xi32>
      %mul3A_310 = arith.mulf %add3A_285, %div3A_304 : vector<16xf32>
      tpu.vector_store_idx %arg24[%get3A_289], %mul3A_310 masked %lt3A_309 {add = true} : memref<10240xf32, #tpu.memory_space<vmem>>[vector<16xi32>], vector<16xf32>, vector<16xi1>
      %swap3A_311 = arith.constant 48 : index
      %swap3A_312 = tpu.vector_load %arg18[%swap3A_311] {strides = array<i32>} : memref<192xf32, #tpu.memory_space<vmem>>, vector<16xf32>,
      tpu.vector_store %arg18[%swap3A_311], %add3A_285 {strides = array<i32>} : memref<192xf32, #tpu.memory_space<vmem>>, vector<16xf32>,
      %swap3A_313 = arith.constant 112 : index
      %swap3A_314 = tpu.vector_load %arg18[%swap3A_313] {strides = array<i32>} : memref<192xf32, #tpu.memory_space<vmem>>, vector<16xf32>,
      tpu.vector_store %arg18[%swap3A_313], %add3A_286 {strides = array<i32>} : memref<192xf32, #tpu.memory_space<vmem>>, vector<16xf32>,
      %swap3A_315 = arith.constant 176 : index
      %swap3A_316 = tpu.vector_load %arg18[%swap3A_315] {strides = array<i32>} : memref<192xf32, #tpu.memory_space<vmem>>, vector<16xf32>,
      tpu.vector_store %arg18[%swap3A_315], %add3A_287 {strides = array<i32>} : memref<192xf32, #tpu.memory_space<vmem>>, vector<16xf32>,
      %add3A_317 = arith.addi %mul3A_2, %mul3A_70 : i32
      %dma_start3A_318 = arith.constant 0 : i32
      %dma_start3A_319 = tpu.memref_slice %arg9[%add3A_317, %dma_start3A_318] : memref<5248x192xf32, #tpu.memory_space<hbm>> -> memref<1x192xf32, #tpu.memory_space<hbm>>
      %dma_start3A_320 = tpu.memref_squeeze %dma_start3A_319 : memref<1x192xf32, #tpu.memory_space<hbm>> -> memref<192xf32, #tpu.memory_space<hbm>>
      %dma_start3A_321 = arith.constant 0 : i32
      %dma_start3A_322 = tpu.memref_slice %arg9[%add3A_317, %dma_start3A_321] : memref<5248x192xf32, #tpu.memory_space<hbm>> -> memref<1x192xf32, #tpu.memory_space<hbm>>
      %dma_start3A_323 = tpu.memref_squeeze %dma_start3A_322 : memref<1x192xf32, #tpu.memory_space<hbm>> -> memref<192xf32, #tpu.memory_space<hbm>>
      tpu.enqueue_dma source(%arg18 : memref<192xf32, #tpu.memory_space<vmem>>) target(%dma_start3A_323 : memref<192xf32, #tpu.memory_space<hbm>>) target_semaphore(%arg27 : memref<!tpu.dma_semaphore, #tpu.memory_space<semaphore_mem>>)
      %mul3A_324 = arith.constant 2 : i32
      %mul3A_325 = arith.muli %mul3A_324, %scan3A_67 : i32
      %add3A_326 = arith.constant 1 : i32
      %add3A_327 = arith.addi %mul3A_325, %add3A_326 : i32
      %dma_wait3A_328 = arith.constant 0 : i32
      %dma_wait3A_329 = arith.constant 0 : i32
      %dma_wait3A_330 = tpu.memref_slice %arg2[%dma_wait3A_328, %dma_wait3A_329] : memref<10240x128xf32, #tpu.memory_space<hbm>> -> memref<64x128xf32, #tpu.memory_space<hbm>>
      %dma_wait3A_331 = arith.constant 0 : i32
      %dma_wait3A_332 = arith.constant 0 : i32
      %dma_wait3A_333 = tpu.memref_slice %arg2[%dma_wait3A_331, %dma_wait3A_332] : memref<10240x128xf32, #tpu.memory_space<hbm>> -> memref<64x128xf32, #tpu.memory_space<hbm>>
      tpu.wait_dma2 semaphore(%arg25 : memref<!tpu.dma_semaphore, #tpu.memory_space<semaphore_mem>>) src(%dma_wait3A_333 : memref<64x128xf32, #tpu.memory_space<hbm>>) dst(%arg15 : memref<64x128xf32, #tpu.memory_space<vmem>>)
      %dma_wait3A_334 = arith.constant 0 : i32
      %dma_wait3A_335 = arith.constant 0 : i32
      %dma_wait3A_336 = tpu.memref_slice %arg3[%dma_wait3A_334, %dma_wait3A_335] : memref<10240x128xf32, #tpu.memory_space<hbm>> -> memref<192x128xf32, #tpu.memory_space<hbm>>
      %dma_wait3A_337 = arith.constant 0 : i32
      %dma_wait3A_338 = arith.constant 0 : i32
      %dma_wait3A_339 = tpu.memref_slice %arg3[%dma_wait3A_337, %dma_wait3A_338] : memref<10240x128xf32, #tpu.memory_space<hbm>> -> memref<192x128xf32, #tpu.memory_space<hbm>>
      tpu.wait_dma2 semaphore(%arg25 : memref<!tpu.dma_semaphore, #tpu.memory_space<semaphore_mem>>) src(%dma_wait3A_339 : memref<192x128xf32, #tpu.memory_space<hbm>>) dst(%arg17 : memref<192x128xf32, #tpu.memory_space<vmem>>)
      %get3A_340 = arith.constant 0 : index
      %get3A_341 = tpu.vector_load %arg12[%get3A_340] {strides = array<i32>} : memref<256xi32, #tpu.memory_space<vmem>>, vector<16xi32>,
      %swap3A_342 = arith.constant 0 : index
      %swap3A_343 = tpu.vector_load %arg13[%swap3A_342] {strides = array<i32>} : memref<128xi32, #tpu.memory_space<vmem>>, vector<16xi32>,
      tpu.vector_store %arg13[%swap3A_342], %get3A_341 {strides = array<i32>} : memref<128xi32, #tpu.memory_space<vmem>>, vector<16xi32>,
      %get3A_344 = arith.constant 16 : index
      %get3A_345 = tpu.vector_load %arg12[%get3A_344] {strides = array<i32>} : memref<256xi32, #tpu.memory_space<vmem>>, vector<16xi32>,
      %swap3A_346 = arith.constant 16 : index
      %swap3A_347 = tpu.vector_load %arg13[%swap3A_346] {strides = array<i32>} : memref<128xi32, #tpu.memory_space<vmem>>, vector<16xi32>,
      tpu.vector_store %arg13[%swap3A_346], %get3A_345 {strides = array<i32>} : memref<128xi32, #tpu.memory_space<vmem>>, vector<16xi32>,
      %get3A_348 = arith.constant 32 : index
      %get3A_349 = tpu.vector_load %arg12[%get3A_348] {strides = array<i32>} : memref<256xi32, #tpu.memory_space<vmem>>, vector<16xi32>,
      %swap3A_350 = arith.constant 32 : index
      %swap3A_351 = tpu.vector_load %arg13[%swap3A_350] {strides = array<i32>} : memref<128xi32, #tpu.memory_space<vmem>>, vector<16xi32>,
      tpu.vector_store %arg13[%swap3A_350], %get3A_349 {strides = array<i32>} : memref<128xi32, #tpu.memory_space<vmem>>, vector<16xi32>,
      %get3A_352 = arith.constant 48 : index
      %get3A_353 = tpu.vector_load %arg12[%get3A_352] {strides = array<i32>} : memref<256xi32, #tpu.memory_space<vmem>>, vector<16xi32>,
      %swap3A_354 = arith.constant 48 : index
      %swap3A_355 = tpu.vector_load %arg13[%swap3A_354] {strides = array<i32>} : memref<128xi32, #tpu.memory_space<vmem>>, vector<16xi32>,
      tpu.vector_store %arg13[%swap3A_354], %get3A_353 {strides = array<i32>} : memref<128xi32, #tpu.memory_space<vmem>>, vector<16xi32>,
      %get3A_356 = arith.constant 64 : index
      %get3A_357 = tpu.vector_load %arg12[%get3A_356] {strides = array<i32>} : memref<256xi32, #tpu.memory_space<vmem>>, vector<16xi32>,
      %swap3A_358 = arith.constant 64 : index
      %swap3A_359 = tpu.vector_load %arg13[%swap3A_358] {strides = array<i32>} : memref<128xi32, #tpu.memory_space<vmem>>, vector<16xi32>,
      tpu.vector_store %arg13[%swap3A_358], %get3A_357 {strides = array<i32>} : memref<128xi32, #tpu.memory_space<vmem>>, vector<16xi32>,
      %get3A_360 = arith.constant 80 : index
      %get3A_361 = tpu.vector_load %arg12[%get3A_360] {strides = array<i32>} : memref<256xi32, #tpu.memory_space<vmem>>, vector<16xi32>,
      %swap3A_362 = arith.constant 80 : index
      %swap3A_363 = tpu.vector_load %arg13[%swap3A_362] {strides = array<i32>} : memref<128xi32, #tpu.memory_space<vmem>>, vector<16xi32>,
      tpu.vector_store %arg13[%swap3A_362], %get3A_361 {strides = array<i32>} : memref<128xi32, #tpu.memory_space<vmem>>, vector<16xi32>,
      %get3A_364 = arith.constant 96 : index
      %get3A_365 = tpu.vector_load %arg12[%get3A_364] {strides = array<i32>} : memref<256xi32, #tpu.memory_space<vmem>>, vector<16xi32>,
      %swap3A_366 = arith.constant 96 : index
      %swap3A_367 = tpu.vector_load %arg13[%swap3A_366] {strides = array<i32>} : memref<128xi32, #tpu.memory_space<vmem>>, vector<16xi32>,
      tpu.vector_store %arg13[%swap3A_366], %get3A_365 {strides = array<i32>} : memref<128xi32, #tpu.memory_space<vmem>>, vector<16xi32>,
      %get3A_368 = arith.constant 112 : index
      %get3A_369 = tpu.vector_load %arg12[%get3A_368] {strides = array<i32>} : memref<256xi32, #tpu.memory_space<vmem>>, vector<16xi32>,
      %swap3A_370 = arith.constant 112 : index
      %swap3A_371 = tpu.vector_load %arg13[%swap3A_370] {strides = array<i32>} : memref<128xi32, #tpu.memory_space<vmem>>, vector<16xi32>,
      tpu.vector_store %arg13[%swap3A_370], %get3A_369 {strides = array<i32>} : memref<128xi32, #tpu.memory_space<vmem>>, vector<16xi32>,
      %add3A_372 = arith.addi %mul3A_2, %add3A_327 : i32
      %add3A_373 = arith.constant 2 : i32
      %add3A_374 = arith.addi %add3A_372, %add3A_373 : i32
      %dma_start3A_375 = arith.constant 0 : i32
      %dma_start3A_376 = tpu.memref_slice %arg6[%add3A_374, %dma_start3A_375] : memref<5248x256xi32, #tpu.memory_space<hbm>> -> memref<1x256xi32, #tpu.memory_space<hbm>>
      %dma_start3A_377 = tpu.memref_squeeze %dma_start3A_376 : memref<1x256xi32, #tpu.memory_space<hbm>> -> memref<256xi32, #tpu.memory_space<hbm>>
      %dma_start3A_378 = arith.constant 0 : i32
      %dma_start3A_379 = tpu.memref_slice %arg6[%add3A_374, %dma_start3A_378] : memref<5248x256xi32, #tpu.memory_space<hbm>> -> memref<1x256xi32, #tpu.memory_space<hbm>>
      %dma_start3A_380 = tpu.memref_squeeze %dma_start3A_379 : memref<1x256xi32, #tpu.memory_space<hbm>> -> memref<256xi32, #tpu.memory_space<hbm>>
      tpu.enqueue_dma source(%dma_start3A_380 : memref<256xi32, #tpu.memory_space<hbm>>) target(%arg12 : memref<256xi32, #tpu.memory_space<vmem>>) target_semaphore(%arg26 : memref<!tpu.dma_semaphore, #tpu.memory_space<semaphore_mem>>)
      %dma_wait3A_381 = arith.constant 0 : i32
      %dma_wait3A_382 = tpu.memref_slice %arg6[%mul3A_2, %dma_wait3A_381] : memref<5248x256xi32, #tpu.memory_space<hbm>> -> memref<1x256xi32, #tpu.memory_space<hbm>>
      %dma_wait3A_383 = tpu.memref_squeeze %dma_wait3A_382 : memref<1x256xi32, #tpu.memory_space<hbm>> -> memref<256xi32, #tpu.memory_space<hbm>>
      %dma_wait3A_384 = arith.constant 0 : i32
      %dma_wait3A_385 = tpu.memref_slice %arg6[%mul3A_2, %dma_wait3A_384] : memref<5248x256xi32, #tpu.memory_space<hbm>> -> memref<1x256xi32, #tpu.memory_space<hbm>>
      %dma_wait3A_386 = tpu.memref_squeeze %dma_wait3A_385 : memref<1x256xi32, #tpu.memory_space<hbm>> -> memref<256xi32, #tpu.memory_space<hbm>>
      tpu.wait_dma2 semaphore(%arg26 : memref<!tpu.dma_semaphore, #tpu.memory_space<semaphore_mem>>) src(%dma_wait3A_386 : memref<256xi32, #tpu.memory_space<hbm>>) dst(%arg11 : memref<256xi32, #tpu.memory_space<vmem>>)
      %dma_start3A_387 = arith.constant 0 : i32
      %dma_start3A_388 = tpu.memref_slice %arg11[%dma_start3A_387] : memref<256xi32, #tpu.memory_space<vmem>> -> memref<64xi32, #tpu.memory_space<vmem>>
      %dma_start3A_389 = arith.constant 0 : i32
      %dma_start3A_390 = arith.constant 0 : i32
      %dma_start3A_391 = tpu.memref_slice %arg2[%dma_start3A_389, %dma_start3A_390] : memref<10240x128xf32, #tpu.memory_space<hbm>> -> memref<10240x128xf32, #tpu.memory_space<hbm>>
      tpu.enqueue_indirect_dma source(%dma_start3A_391 : memref<10240x128xf32, #tpu.memory_space<hbm>>) target(%arg14 : memref<64x128xf32, #tpu.memory_space<vmem>>) offsets(%dma_start3A_388 : memref<64xi32, #tpu.memory_space<vmem>>) semaphore(%arg25 : memref<!tpu.dma_semaphore, #tpu.memory_space<semaphore_mem>>)
      %dma_start3A_392 = arith.constant 64 : i32
      %dma_start3A_393 = tpu.memref_slice %arg11[%dma_start3A_392] : memref<256xi32, #tpu.memory_space<vmem>> -> memref<192xi32, #tpu.memory_space<vmem>>
      %dma_start3A_394 = arith.constant 0 : i32
      %dma_start3A_395 = arith.constant 0 : i32
      %dma_start3A_396 = tpu.memref_slice %arg3[%dma_start3A_394, %dma_start3A_395] : memref<10240x128xf32, #tpu.memory_space<hbm>> -> memref<10240x128xf32, #tpu.memory_space<hbm>>
      tpu.enqueue_indirect_dma source(%dma_start3A_396 : memref<10240x128xf32, #tpu.memory_space<hbm>>) target(%arg16 : memref<192x128xf32, #tpu.memory_space<vmem>>) offsets(%dma_start3A_393 : memref<192xi32, #tpu.memory_space<vmem>>) semaphore(%arg25 : memref<!tpu.dma_semaphore, #tpu.memory_space<semaphore_mem>>)
      %add3A_397 = arith.constant 162 : i32
      %add3A_398 = arith.addi %mul3A_2, %add3A_397 : i32
      %dma_wait3A_399 = arith.constant 0 : i32
      %dma_wait3A_400 = tpu.memref_slice %arg9[%add3A_398, %dma_wait3A_399] : memref<5248x192xf32, #tpu.memory_space<hbm>> -> memref<1x192xf32, #tpu.memory_space<hbm>>
      %dma_wait3A_401 = tpu.memref_squeeze %dma_wait3A_400 : memref<1x192xf32, #tpu.memory_space<hbm>> -> memref<192xf32, #tpu.memory_space<hbm>>
      %dma_wait3A_402 = arith.constant 0 : i32
      %dma_wait3A_403 = tpu.memref_slice %arg9[%add3A_398, %dma_wait3A_402] : memref<5248x192xf32, #tpu.memory_space<hbm>> -> memref<1x192xf32, #tpu.memory_space<hbm>>
      %dma_wait3A_404 = tpu.memref_squeeze %dma_wait3A_403 : memref<1x192xf32, #tpu.memory_space<hbm>> -> memref<192xf32, #tpu.memory_space<hbm>>
      tpu.wait_dma2 semaphore(%arg27 : memref<!tpu.dma_semaphore, #tpu.memory_space<semaphore_mem>>) src(%arg19 : memref<192xf32, #tpu.memory_space<vmem>>) dst(%dma_wait3A_404 : memref<192xf32, #tpu.memory_space<hbm>>)
      %get3A_405 = arith.constant 128 : i32
      %get3A_406 = arith.index_cast %get3A_405 : i32 to index
      %get3A_407 = arith.constant 0 : index
      %get3A_408 = tpu.vector_load %arg22[%get3A_406, %get3A_407] {strides = array<i32>} : memref<129x16xf32, #tpu.memory_space<vmem>>, vector<16xf32>,
      %mul3A_409 = arith.constant 10368 : i32
      %mul3A_410 = arith.muli %add3A, %mul3A_409 : i32
      %mul3A_411 = arith.constant 64 : i32
      %mul3A_412 = arith.muli %add3A_327, %mul3A_411 : i32
      %add3A_413 = arith.addi %mul3A_410, %mul3A_412 : i32
      %iota3A_414 = tpu.iota {dimensions = array<i32: 0>} : vector<16xi32>
      %add3A_415 = arith.constant 0 : i32
      %add3A_416 = vector.broadcast %add3A_415 : i32 to vector<16xi32>
      %add3A_417 = arith.addi %iota3A_414, %add3A_416 : vector<16xi32>
      %scan3A_418 = arith.constant 0 : i32
      %scan3A_419 = arith.constant 128 : i32
      %scan3A_420 = arith.addi %scan3A_418, %scan3A_419 : i32
      %scan3A_421 = arith.constant 1 : i32
      %scan3A_422:3 = scf.for %scan3A_590 = %scan3A_418 to %scan3A_420 step %scan3A_421 iter_args(%scan3A_591 = %broadcast_in_dim3A_3, %scan3A_592 = %broadcast_in_dim3A_3, %scan3A_593 = %broadcast_in_dim3A_3) -> (vector<16xf32>, vector<16xf32>, vector<16xf32>)  : i32 {
        %get3A_594 = arith.index_cast %scan3A_590 : i32 to index
        %get3A_595 = arith.constant 0 : index
        %get3A_596 = tpu.vector_load %arg23[%get3A_594, %get3A_595] {strides = array<i32>} : memref<128x16xi32, #tpu.memory_space<vmem>>, vector<16xi32>,
        %gather3A_597 = tpu.vector_load_idx %arg15[%add3A_417, %get3A_596] : memref<64x128xf32, #tpu.memory_space<vmem>>[vector<16xi32>, vector<16xi32>], vector<16xf32>,
        %gather3A_598 = tpu.vector_load_idx %arg17[%add3A_417, %get3A_596] : memref<192x128xf32, #tpu.memory_space<vmem>>[vector<16xi32>, vector<16xi32>], vector<16xf32>,
        %add3A_599 = arith.constant 64 : i32
        %add3A_600 = vector.broadcast %add3A_599 : i32 to vector<16xi32>
        %add3A_601 = arith.addi %add3A_417, %add3A_600 : vector<16xi32>
        %gather3A_602 = tpu.vector_load_idx %arg17[%add3A_601, %get3A_596] : memref<192x128xf32, #tpu.memory_space<vmem>>[vector<16xi32>, vector<16xi32>], vector<16xf32>,
        %add3A_603 = arith.constant 128 : i32
        %add3A_604 = vector.broadcast %add3A_603 : i32 to vector<16xi32>
        %add3A_605 = arith.addi %add3A_417, %add3A_604 : vector<16xi32>
        %gather3A_606 = tpu.vector_load_idx %arg17[%add3A_605, %get3A_596] : memref<192x128xf32, #tpu.memory_space<vmem>>[vector<16xi32>, vector<16xi32>], vector<16xf32>,
        %add3A_607 = arith.addf %gather3A_597, %gather3A_598 : vector<16xf32>
        %add3A_608 = arith.addf %gather3A_597, %gather3A_602 : vector<16xf32>
        %add3A_609 = arith.addf %gather3A_597, %gather3A_606 : vector<16xf32>
        %gt3A = arith.constant 0.000000e+00 : f32
        %gt3A_610 = vector.broadcast %gt3A : f32 to vector<16xf32>
        %gt3A_611 = arith.cmpf ogt, %add3A_607, %gt3A_610 : vector<16xf32>
        %mul3A_612 = arith.constant 2.000000e-01 : f32
        %mul3A_613 = vector.broadcast %mul3A_612 : f32 to vector<16xf32>
        %mul3A_614 = arith.mulf %add3A_607, %mul3A_613 : vector<16xf32>
        %select_n3A = arith.select %gt3A_611, %add3A_607, %mul3A_614 : vector<16xi1>, vector<16xf32>
        %gt3A_615 = arith.constant 0.000000e+00 : f32
        %gt3A_616 = vector.broadcast %gt3A_615 : f32 to vector<16xf32>
        %gt3A_617 = arith.cmpf ogt, %add3A_608, %gt3A_616 : vector<16xf32>
        %mul3A_618 = arith.constant 2.000000e-01 : f32
        %mul3A_619 = vector.broadcast %mul3A_618 : f32 to vector<16xf32>
        %mul3A_620 = arith.mulf %add3A_608, %mul3A_619 : vector<16xf32>
        %select_n3A_621 = arith.select %gt3A_617, %add3A_608, %mul3A_620 : vector<16xi1>, vector<16xf32>
        %gt3A_622 = arith.constant 0.000000e+00 : f32
        %gt3A_623 = vector.broadcast %gt3A_622 : f32 to vector<16xf32>
        %gt3A_624 = arith.cmpf ogt, %add3A_609, %gt3A_623 : vector<16xf32>
        %mul3A_625 = arith.constant 2.000000e-01 : f32
        %mul3A_626 = vector.broadcast %mul3A_625 : f32 to vector<16xf32>
        %mul3A_627 = arith.mulf %add3A_609, %mul3A_626 : vector<16xf32>
        %select_n3A_628 = arith.select %gt3A_624, %add3A_609, %mul3A_627 : vector<16xi1>, vector<16xf32>
        %get3A_629 = arith.index_cast %scan3A_590 : i32 to index
        %get3A_630 = arith.constant 0 : index
        %get3A_631 = tpu.vector_load %arg22[%get3A_629, %get3A_630] {strides = array<i32>} : memref<129x16xf32, #tpu.memory_space<vmem>>, vector<16xf32>,
        %mul3A_632 = arith.mulf %select_n3A, %get3A_631 : vector<16xf32>
        %add3A_633 = arith.addf %scan3A_591, %mul3A_632 : vector<16xf32>
        %mul3A_634 = arith.mulf %select_n3A_621, %get3A_631 : vector<16xf32>
        %add3A_635 = arith.addf %scan3A_592, %mul3A_634 : vector<16xf32>
        %mul3A_636 = arith.mulf %select_n3A_628, %get3A_631 : vector<16xf32>
        %add3A_637 = arith.addf %scan3A_593, %mul3A_636 : vector<16xf32>
        scf.yield %add3A_633, %add3A_635, %add3A_637 : vector<16xf32>, vector<16xf32>, vector<16xf32>
      }
      %scan3A_423 = arith.constant 128 : i32
      %add3A_424 = arith.addf %scan3A_422#0, %get3A_408 : vector<16xf32>
      %add3A_425 = arith.addf %scan3A_422#1, %get3A_408 : vector<16xf32>
      %add3A_426 = arith.addf %scan3A_422#2, %get3A_408 : vector<16xf32>
      %get3A_427 = arith.constant 0 : index
      %get3A_428 = tpu.vector_load %arg13[%get3A_427] {strides = array<i32>} : memref<128xi32, #tpu.memory_space<vmem>>, vector<16xi32>,
      %get3A_429 = arith.constant 64 : index
      %get3A_430 = tpu.vector_load %arg13[%get3A_429] {strides = array<i32>} : memref<128xi32, #tpu.memory_space<vmem>>, vector<16xi32>,
      %gather3A_431 = tpu.vector_load_idx %arg20[%get3A_428] : memref<10240xf32, #tpu.memory_space<vmem>>[vector<16xi32>], vector<16xf32>,
      %gather3A_432 = tpu.vector_load_idx %arg21[%get3A_430] : memref<10240xf32, #tpu.memory_space<vmem>>[vector<16xi32>], vector<16xf32>,
      %add3A_433 = arith.addf %gather3A_431, %gather3A_432 : vector<16xf32>
      %neg3A_434 = arith.constant 0.000000e+00 : f32
      %neg3A_435 = vector.broadcast %neg3A_434 : f32 to vector<16xf32>
      %neg3A_436 = arith.subf %neg3A_435, %add3A_433 : vector<16xf32>
      %exp3A_437 = math.exp %neg3A_436 : vector<16xf32>
      %add3A_438 = arith.constant 1.000000e+00 : f32
      %add3A_439 = vector.broadcast %add3A_438 : f32 to vector<16xf32>
      %add3A_440 = arith.addf %add3A_439, %exp3A_437 : vector<16xf32>
      %div3A_441 = arith.constant 1.000000e+00 : f32
      %div3A_442 = vector.broadcast %div3A_441 : f32 to vector<16xf32>
      %div3A_443 = arith.divf %div3A_442, %add3A_440 : vector<16xf32>
      %add3A_444 = vector.broadcast %add3A_413 : i32 to vector<16xi32>
      %add3A_445 = arith.addi %add3A_417, %add3A_444 : vector<16xi32>
      %lt3A_446 = arith.constant 330000 : i32
      %lt3A_447 = vector.broadcast %lt3A_446 : i32 to vector<16xi32>
      %lt3A_448 = arith.cmpi slt, %add3A_445, %lt3A_447 : vector<16xi32>
      %mul3A_449 = arith.mulf %add3A_424, %div3A_443 : vector<16xf32>
      tpu.vector_store_idx %arg24[%get3A_428], %mul3A_449 masked %lt3A_448 {add = true} : memref<10240xf32, #tpu.memory_space<vmem>>[vector<16xi32>], vector<16xf32>, vector<16xi1>
      %swap3A_450 = arith.constant 0 : index
      %swap3A_451 = tpu.vector_load %arg19[%swap3A_450] {strides = array<i32>} : memref<192xf32, #tpu.memory_space<vmem>>, vector<16xf32>,
      tpu.vector_store %arg19[%swap3A_450], %add3A_424 {strides = array<i32>} : memref<192xf32, #tpu.memory_space<vmem>>, vector<16xf32>,
      %swap3A_452 = arith.constant 64 : index
      %swap3A_453 = tpu.vector_load %arg19[%swap3A_452] {strides = array<i32>} : memref<192xf32, #tpu.memory_space<vmem>>, vector<16xf32>,
      tpu.vector_store %arg19[%swap3A_452], %add3A_425 {strides = array<i32>} : memref<192xf32, #tpu.memory_space<vmem>>, vector<16xf32>,
      %swap3A_454 = arith.constant 128 : index
      %swap3A_455 = tpu.vector_load %arg19[%swap3A_454] {strides = array<i32>} : memref<192xf32, #tpu.memory_space<vmem>>, vector<16xf32>,
      tpu.vector_store %arg19[%swap3A_454], %add3A_426 {strides = array<i32>} : memref<192xf32, #tpu.memory_space<vmem>>, vector<16xf32>,
      %iota3A_456 = tpu.iota {dimensions = array<i32: 0>} : vector<16xi32>
      %add3A_457 = arith.constant 16 : i32
      %add3A_458 = vector.broadcast %add3A_457 : i32 to vector<16xi32>
      %add3A_459 = arith.addi %iota3A_456, %add3A_458 : vector<16xi32>
      %scan3A_460 = arith.constant 0 : i32
      %scan3A_461 = arith.constant 128 : i32
      %scan3A_462 = arith.addi %scan3A_460, %scan3A_461 : i32
      %scan3A_463 = arith.constant 1 : i32
      %scan3A_464:3 = scf.for %scan3A_590 = %scan3A_460 to %scan3A_462 step %scan3A_463 iter_args(%scan3A_591 = %broadcast_in_dim3A_3, %scan3A_592 = %broadcast_in_dim3A_3, %scan3A_593 = %broadcast_in_dim3A_3) -> (vector<16xf32>, vector<16xf32>, vector<16xf32>)  : i32 {
        %get3A_594 = arith.index_cast %scan3A_590 : i32 to index
        %get3A_595 = arith.constant 0 : index
        %get3A_596 = tpu.vector_load %arg23[%get3A_594, %get3A_595] {strides = array<i32>} : memref<128x16xi32, #tpu.memory_space<vmem>>, vector<16xi32>,
        %gather3A_597 = tpu.vector_load_idx %arg15[%add3A_459, %get3A_596] : memref<64x128xf32, #tpu.memory_space<vmem>>[vector<16xi32>, vector<16xi32>], vector<16xf32>,
        %gather3A_598 = tpu.vector_load_idx %arg17[%add3A_459, %get3A_596] : memref<192x128xf32, #tpu.memory_space<vmem>>[vector<16xi32>, vector<16xi32>], vector<16xf32>,
        %add3A_599 = arith.constant 64 : i32
        %add3A_600 = vector.broadcast %add3A_599 : i32 to vector<16xi32>
        %add3A_601 = arith.addi %add3A_459, %add3A_600 : vector<16xi32>
        %gather3A_602 = tpu.vector_load_idx %arg17[%add3A_601, %get3A_596] : memref<192x128xf32, #tpu.memory_space<vmem>>[vector<16xi32>, vector<16xi32>], vector<16xf32>,
        %add3A_603 = arith.constant 128 : i32
        %add3A_604 = vector.broadcast %add3A_603 : i32 to vector<16xi32>
        %add3A_605 = arith.addi %add3A_459, %add3A_604 : vector<16xi32>
        %gather3A_606 = tpu.vector_load_idx %arg17[%add3A_605, %get3A_596] : memref<192x128xf32, #tpu.memory_space<vmem>>[vector<16xi32>, vector<16xi32>], vector<16xf32>,
        %add3A_607 = arith.addf %gather3A_597, %gather3A_598 : vector<16xf32>
        %add3A_608 = arith.addf %gather3A_597, %gather3A_602 : vector<16xf32>
        %add3A_609 = arith.addf %gather3A_597, %gather3A_606 : vector<16xf32>
        %gt3A = arith.constant 0.000000e+00 : f32
        %gt3A_610 = vector.broadcast %gt3A : f32 to vector<16xf32>
        %gt3A_611 = arith.cmpf ogt, %add3A_607, %gt3A_610 : vector<16xf32>
        %mul3A_612 = arith.constant 2.000000e-01 : f32
        %mul3A_613 = vector.broadcast %mul3A_612 : f32 to vector<16xf32>
        %mul3A_614 = arith.mulf %add3A_607, %mul3A_613 : vector<16xf32>
        %select_n3A = arith.select %gt3A_611, %add3A_607, %mul3A_614 : vector<16xi1>, vector<16xf32>
        %gt3A_615 = arith.constant 0.000000e+00 : f32
        %gt3A_616 = vector.broadcast %gt3A_615 : f32 to vector<16xf32>
        %gt3A_617 = arith.cmpf ogt, %add3A_608, %gt3A_616 : vector<16xf32>
        %mul3A_618 = arith.constant 2.000000e-01 : f32
        %mul3A_619 = vector.broadcast %mul3A_618 : f32 to vector<16xf32>
        %mul3A_620 = arith.mulf %add3A_608, %mul3A_619 : vector<16xf32>
        %select_n3A_621 = arith.select %gt3A_617, %add3A_608, %mul3A_620 : vector<16xi1>, vector<16xf32>
        %gt3A_622 = arith.constant 0.000000e+00 : f32
        %gt3A_623 = vector.broadcast %gt3A_622 : f32 to vector<16xf32>
        %gt3A_624 = arith.cmpf ogt, %add3A_609, %gt3A_623 : vector<16xf32>
        %mul3A_625 = arith.constant 2.000000e-01 : f32
        %mul3A_626 = vector.broadcast %mul3A_625 : f32 to vector<16xf32>
        %mul3A_627 = arith.mulf %add3A_609, %mul3A_626 : vector<16xf32>
        %select_n3A_628 = arith.select %gt3A_624, %add3A_609, %mul3A_627 : vector<16xi1>, vector<16xf32>
        %get3A_629 = arith.index_cast %scan3A_590 : i32 to index
        %get3A_630 = arith.constant 0 : index
        %get3A_631 = tpu.vector_load %arg22[%get3A_629, %get3A_630] {strides = array<i32>} : memref<129x16xf32, #tpu.memory_space<vmem>>, vector<16xf32>,
        %mul3A_632 = arith.mulf %select_n3A, %get3A_631 : vector<16xf32>
        %add3A_633 = arith.addf %scan3A_591, %mul3A_632 : vector<16xf32>
        %mul3A_634 = arith.mulf %select_n3A_621, %get3A_631 : vector<16xf32>
        %add3A_635 = arith.addf %scan3A_592, %mul3A_634 : vector<16xf32>
        %mul3A_636 = arith.mulf %select_n3A_628, %get3A_631 : vector<16xf32>
        %add3A_637 = arith.addf %scan3A_593, %mul3A_636 : vector<16xf32>
        scf.yield %add3A_633, %add3A_635, %add3A_637 : vector<16xf32>, vector<16xf32>, vector<16xf32>
      }
      %scan3A_465 = arith.constant 128 : i32
      %add3A_466 = arith.addf %scan3A_464#0, %get3A_408 : vector<16xf32>
      %add3A_467 = arith.addf %scan3A_464#1, %get3A_408 : vector<16xf32>
      %add3A_468 = arith.addf %scan3A_464#2, %get3A_408 : vector<16xf32>
      %get3A_469 = arith.constant 16 : index
      %get3A_470 = tpu.vector_load %arg13[%get3A_469] {strides = array<i32>} : memref<128xi32, #tpu.memory_space<vmem>>, vector<16xi32>,
      %get3A_471 = arith.constant 80 : index
      %get3A_472 = tpu.vector_load %arg13[%get3A_471] {strides = array<i32>} : memref<128xi32, #tpu.memory_space<vmem>>, vector<16xi32>,
      %gather3A_473 = tpu.vector_load_idx %arg20[%get3A_470] : memref<10240xf32, #tpu.memory_space<vmem>>[vector<16xi32>], vector<16xf32>,
      %gather3A_474 = tpu.vector_load_idx %arg21[%get3A_472] : memref<10240xf32, #tpu.memory_space<vmem>>[vector<16xi32>], vector<16xf32>,
      %add3A_475 = arith.addf %gather3A_473, %gather3A_474 : vector<16xf32>
      %neg3A_476 = arith.constant 0.000000e+00 : f32
      %neg3A_477 = vector.broadcast %neg3A_476 : f32 to vector<16xf32>
      %neg3A_478 = arith.subf %neg3A_477, %add3A_475 : vector<16xf32>
      %exp3A_479 = math.exp %neg3A_478 : vector<16xf32>
      %add3A_480 = arith.constant 1.000000e+00 : f32
      %add3A_481 = vector.broadcast %add3A_480 : f32 to vector<16xf32>
      %add3A_482 = arith.addf %add3A_481, %exp3A_479 : vector<16xf32>
      %div3A_483 = arith.constant 1.000000e+00 : f32
      %div3A_484 = vector.broadcast %div3A_483 : f32 to vector<16xf32>
      %div3A_485 = arith.divf %div3A_484, %add3A_482 : vector<16xf32>
      %add3A_486 = vector.broadcast %add3A_413 : i32 to vector<16xi32>
      %add3A_487 = arith.addi %add3A_459, %add3A_486 : vector<16xi32>
      %lt3A_488 = arith.constant 330000 : i32
      %lt3A_489 = vector.broadcast %lt3A_488 : i32 to vector<16xi32>
      %lt3A_490 = arith.cmpi slt, %add3A_487, %lt3A_489 : vector<16xi32>
      %mul3A_491 = arith.mulf %add3A_466, %div3A_485 : vector<16xf32>
      tpu.vector_store_idx %arg24[%get3A_470], %mul3A_491 masked %lt3A_490 {add = true} : memref<10240xf32, #tpu.memory_space<vmem>>[vector<16xi32>], vector<16xf32>, vector<16xi1>
      %swap3A_492 = arith.constant 16 : index
      %swap3A_493 = tpu.vector_load %arg19[%swap3A_492] {strides = array<i32>} : memref<192xf32, #tpu.memory_space<vmem>>, vector<16xf32>,
      tpu.vector_store %arg19[%swap3A_492], %add3A_466 {strides = array<i32>} : memref<192xf32, #tpu.memory_space<vmem>>, vector<16xf32>,
      %swap3A_494 = arith.constant 80 : index
      %swap3A_495 = tpu.vector_load %arg19[%swap3A_494] {strides = array<i32>} : memref<192xf32, #tpu.memory_space<vmem>>, vector<16xf32>,
      tpu.vector_store %arg19[%swap3A_494], %add3A_467 {strides = array<i32>} : memref<192xf32, #tpu.memory_space<vmem>>, vector<16xf32>,
      %swap3A_496 = arith.constant 144 : index
      %swap3A_497 = tpu.vector_load %arg19[%swap3A_496] {strides = array<i32>} : memref<192xf32, #tpu.memory_space<vmem>>, vector<16xf32>,
      tpu.vector_store %arg19[%swap3A_496], %add3A_468 {strides = array<i32>} : memref<192xf32, #tpu.memory_space<vmem>>, vector<16xf32>,
      %iota3A_498 = tpu.iota {dimensions = array<i32: 0>} : vector<16xi32>
      %add3A_499 = arith.constant 32 : i32
      %add3A_500 = vector.broadcast %add3A_499 : i32 to vector<16xi32>
      %add3A_501 = arith.addi %iota3A_498, %add3A_500 : vector<16xi32>
      %scan3A_502 = arith.constant 0 : i32
      %scan3A_503 = arith.constant 128 : i32
      %scan3A_504 = arith.addi %scan3A_502, %scan3A_503 : i32
      %scan3A_505 = arith.constant 1 : i32
      %scan3A_506:3 = scf.for %scan3A_590 = %scan3A_502 to %scan3A_504 step %scan3A_505 iter_args(%scan3A_591 = %broadcast_in_dim3A_3, %scan3A_592 = %broadcast_in_dim3A_3, %scan3A_593 = %broadcast_in_dim3A_3) -> (vector<16xf32>, vector<16xf32>, vector<16xf32>)  : i32 {
        %get3A_594 = arith.index_cast %scan3A_590 : i32 to index
        %get3A_595 = arith.constant 0 : index
        %get3A_596 = tpu.vector_load %arg23[%get3A_594, %get3A_595] {strides = array<i32>} : memref<128x16xi32, #tpu.memory_space<vmem>>, vector<16xi32>,
        %gather3A_597 = tpu.vector_load_idx %arg15[%add3A_501, %get3A_596] : memref<64x128xf32, #tpu.memory_space<vmem>>[vector<16xi32>, vector<16xi32>], vector<16xf32>,
        %gather3A_598 = tpu.vector_load_idx %arg17[%add3A_501, %get3A_596] : memref<192x128xf32, #tpu.memory_space<vmem>>[vector<16xi32>, vector<16xi32>], vector<16xf32>,
        %add3A_599 = arith.constant 64 : i32
        %add3A_600 = vector.broadcast %add3A_599 : i32 to vector<16xi32>
        %add3A_601 = arith.addi %add3A_501, %add3A_600 : vector<16xi32>
        %gather3A_602 = tpu.vector_load_idx %arg17[%add3A_601, %get3A_596] : memref<192x128xf32, #tpu.memory_space<vmem>>[vector<16xi32>, vector<16xi32>], vector<16xf32>,
        %add3A_603 = arith.constant 128 : i32
        %add3A_604 = vector.broadcast %add3A_603 : i32 to vector<16xi32>
        %add3A_605 = arith.addi %add3A_501, %add3A_604 : vector<16xi32>
        %gather3A_606 = tpu.vector_load_idx %arg17[%add3A_605, %get3A_596] : memref<192x128xf32, #tpu.memory_space<vmem>>[vector<16xi32>, vector<16xi32>], vector<16xf32>,
        %add3A_607 = arith.addf %gather3A_597, %gather3A_598 : vector<16xf32>
        %add3A_608 = arith.addf %gather3A_597, %gather3A_602 : vector<16xf32>
        %add3A_609 = arith.addf %gather3A_597, %gather3A_606 : vector<16xf32>
        %gt3A = arith.constant 0.000000e+00 : f32
        %gt3A_610 = vector.broadcast %gt3A : f32 to vector<16xf32>
        %gt3A_611 = arith.cmpf ogt, %add3A_607, %gt3A_610 : vector<16xf32>
        %mul3A_612 = arith.constant 2.000000e-01 : f32
        %mul3A_613 = vector.broadcast %mul3A_612 : f32 to vector<16xf32>
        %mul3A_614 = arith.mulf %add3A_607, %mul3A_613 : vector<16xf32>
        %select_n3A = arith.select %gt3A_611, %add3A_607, %mul3A_614 : vector<16xi1>, vector<16xf32>
        %gt3A_615 = arith.constant 0.000000e+00 : f32
        %gt3A_616 = vector.broadcast %gt3A_615 : f32 to vector<16xf32>
        %gt3A_617 = arith.cmpf ogt, %add3A_608, %gt3A_616 : vector<16xf32>
        %mul3A_618 = arith.constant 2.000000e-01 : f32
        %mul3A_619 = vector.broadcast %mul3A_618 : f32 to vector<16xf32>
        %mul3A_620 = arith.mulf %add3A_608, %mul3A_619 : vector<16xf32>
        %select_n3A_621 = arith.select %gt3A_617, %add3A_608, %mul3A_620 : vector<16xi1>, vector<16xf32>
        %gt3A_622 = arith.constant 0.000000e+00 : f32
        %gt3A_623 = vector.broadcast %gt3A_622 : f32 to vector<16xf32>
        %gt3A_624 = arith.cmpf ogt, %add3A_609, %gt3A_623 : vector<16xf32>
        %mul3A_625 = arith.constant 2.000000e-01 : f32
        %mul3A_626 = vector.broadcast %mul3A_625 : f32 to vector<16xf32>
        %mul3A_627 = arith.mulf %add3A_609, %mul3A_626 : vector<16xf32>
        %select_n3A_628 = arith.select %gt3A_624, %add3A_609, %mul3A_627 : vector<16xi1>, vector<16xf32>
        %get3A_629 = arith.index_cast %scan3A_590 : i32 to index
        %get3A_630 = arith.constant 0 : index
        %get3A_631 = tpu.vector_load %arg22[%get3A_629, %get3A_630] {strides = array<i32>} : memref<129x16xf32, #tpu.memory_space<vmem>>, vector<16xf32>,
        %mul3A_632 = arith.mulf %select_n3A, %get3A_631 : vector<16xf32>
        %add3A_633 = arith.addf %scan3A_591, %mul3A_632 : vector<16xf32>
        %mul3A_634 = arith.mulf %select_n3A_621, %get3A_631 : vector<16xf32>
        %add3A_635 = arith.addf %scan3A_592, %mul3A_634 : vector<16xf32>
        %mul3A_636 = arith.mulf %select_n3A_628, %get3A_631 : vector<16xf32>
        %add3A_637 = arith.addf %scan3A_593, %mul3A_636 : vector<16xf32>
        scf.yield %add3A_633, %add3A_635, %add3A_637 : vector<16xf32>, vector<16xf32>, vector<16xf32>
      }
      %scan3A_507 = arith.constant 128 : i32
      %add3A_508 = arith.addf %scan3A_506#0, %get3A_408 : vector<16xf32>
      %add3A_509 = arith.addf %scan3A_506#1, %get3A_408 : vector<16xf32>
      %add3A_510 = arith.addf %scan3A_506#2, %get3A_408 : vector<16xf32>
      %get3A_511 = arith.constant 32 : index
      %get3A_512 = tpu.vector_load %arg13[%get3A_511] {strides = array<i32>} : memref<128xi32, #tpu.memory_space<vmem>>, vector<16xi32>,
      %get3A_513 = arith.constant 96 : index
      %get3A_514 = tpu.vector_load %arg13[%get3A_513] {strides = array<i32>} : memref<128xi32, #tpu.memory_space<vmem>>, vector<16xi32>,
      %gather3A_515 = tpu.vector_load_idx %arg20[%get3A_512] : memref<10240xf32, #tpu.memory_space<vmem>>[vector<16xi32>], vector<16xf32>,
      %gather3A_516 = tpu.vector_load_idx %arg21[%get3A_514] : memref<10240xf32, #tpu.memory_space<vmem>>[vector<16xi32>], vector<16xf32>,
      %add3A_517 = arith.addf %gather3A_515, %gather3A_516 : vector<16xf32>
      %neg3A_518 = arith.constant 0.000000e+00 : f32
      %neg3A_519 = vector.broadcast %neg3A_518 : f32 to vector<16xf32>
      %neg3A_520 = arith.subf %neg3A_519, %add3A_517 : vector<16xf32>
      %exp3A_521 = math.exp %neg3A_520 : vector<16xf32>
      %add3A_522 = arith.constant 1.000000e+00 : f32
      %add3A_523 = vector.broadcast %add3A_522 : f32 to vector<16xf32>
      %add3A_524 = arith.addf %add3A_523, %exp3A_521 : vector<16xf32>
      %div3A_525 = arith.constant 1.000000e+00 : f32
      %div3A_526 = vector.broadcast %div3A_525 : f32 to vector<16xf32>
      %div3A_527 = arith.divf %div3A_526, %add3A_524 : vector<16xf32>
      %add3A_528 = vector.broadcast %add3A_413 : i32 to vector<16xi32>
      %add3A_529 = arith.addi %add3A_501, %add3A_528 : vector<16xi32>
      %lt3A_530 = arith.constant 330000 : i32
      %lt3A_531 = vector.broadcast %lt3A_530 : i32 to vector<16xi32>
      %lt3A_532 = arith.cmpi slt, %add3A_529, %lt3A_531 : vector<16xi32>
      %mul3A_533 = arith.mulf %add3A_508, %div3A_527 : vector<16xf32>
      tpu.vector_store_idx %arg24[%get3A_512], %mul3A_533 masked %lt3A_532 {add = true} : memref<10240xf32, #tpu.memory_space<vmem>>[vector<16xi32>], vector<16xf32>, vector<16xi1>
      %swap3A_534 = arith.constant 32 : index
      %swap3A_535 = tpu.vector_load %arg19[%swap3A_534] {strides = array<i32>} : memref<192xf32, #tpu.memory_space<vmem>>, vector<16xf32>,
      tpu.vector_store %arg19[%swap3A_534], %add3A_508 {strides = array<i32>} : memref<192xf32, #tpu.memory_space<vmem>>, vector<16xf32>,
      %swap3A_536 = arith.constant 96 : index
      %swap3A_537 = tpu.vector_load %arg19[%swap3A_536] {strides = array<i32>} : memref<192xf32, #tpu.memory_space<vmem>>, vector<16xf32>,
      tpu.vector_store %arg19[%swap3A_536], %add3A_509 {strides = array<i32>} : memref<192xf32, #tpu.memory_space<vmem>>, vector<16xf32>,
      %swap3A_538 = arith.constant 160 : index
      %swap3A_539 = tpu.vector_load %arg19[%swap3A_538] {strides = array<i32>} : memref<192xf32, #tpu.memory_space<vmem>>, vector<16xf32>,
      tpu.vector_store %arg19[%swap3A_538], %add3A_510 {strides = array<i32>} : memref<192xf32, #tpu.memory_space<vmem>>, vector<16xf32>,
      %iota3A_540 = tpu.iota {dimensions = array<i32: 0>} : vector<16xi32>
      %add3A_541 = arith.constant 48 : i32
      %add3A_542 = vector.broadcast %add3A_541 : i32 to vector<16xi32>
      %add3A_543 = arith.addi %iota3A_540, %add3A_542 : vector<16xi32>
      %scan3A_544 = arith.constant 0 : i32
      %scan3A_545 = arith.constant 128 : i32
      %scan3A_546 = arith.addi %scan3A_544, %scan3A_545 : i32
      %scan3A_547 = arith.constant 1 : i32
      %scan3A_548:3 = scf.for %scan3A_590 = %scan3A_544 to %scan3A_546 step %scan3A_547 iter_args(%scan3A_591 = %broadcast_in_dim3A_3, %scan3A_592 = %broadcast_in_dim3A_3, %scan3A_593 = %broadcast_in_dim3A_3) -> (vector<16xf32>, vector<16xf32>, vector<16xf32>)  : i32 {
        %get3A_594 = arith.index_cast %scan3A_590 : i32 to index
        %get3A_595 = arith.constant 0 : index
        %get3A_596 = tpu.vector_load %arg23[%get3A_594, %get3A_595] {strides = array<i32>} : memref<128x16xi32, #tpu.memory_space<vmem>>, vector<16xi32>,
        %gather3A_597 = tpu.vector_load_idx %arg15[%add3A_543, %get3A_596] : memref<64x128xf32, #tpu.memory_space<vmem>>[vector<16xi32>, vector<16xi32>], vector<16xf32>,
        %gather3A_598 = tpu.vector_load_idx %arg17[%add3A_543, %get3A_596] : memref<192x128xf32, #tpu.memory_space<vmem>>[vector<16xi32>, vector<16xi32>], vector<16xf32>,
        %add3A_599 = arith.constant 64 : i32
        %add3A_600 = vector.broadcast %add3A_599 : i32 to vector<16xi32>
        %add3A_601 = arith.addi %add3A_543, %add3A_600 : vector<16xi32>
        %gather3A_602 = tpu.vector_load_idx %arg17[%add3A_601, %get3A_596] : memref<192x128xf32, #tpu.memory_space<vmem>>[vector<16xi32>, vector<16xi32>], vector<16xf32>,
        %add3A_603 = arith.constant 128 : i32
        %add3A_604 = vector.broadcast %add3A_603 : i32 to vector<16xi32>
        %add3A_605 = arith.addi %add3A_543, %add3A_604 : vector<16xi32>
        %gather3A_606 = tpu.vector_load_idx %arg17[%add3A_605, %get3A_596] : memref<192x128xf32, #tpu.memory_space<vmem>>[vector<16xi32>, vector<16xi32>], vector<16xf32>,
        %add3A_607 = arith.addf %gather3A_597, %gather3A_598 : vector<16xf32>
        %add3A_608 = arith.addf %gather3A_597, %gather3A_602 : vector<16xf32>
        %add3A_609 = arith.addf %gather3A_597, %gather3A_606 : vector<16xf32>
        %gt3A = arith.constant 0.000000e+00 : f32
        %gt3A_610 = vector.broadcast %gt3A : f32 to vector<16xf32>
        %gt3A_611 = arith.cmpf ogt, %add3A_607, %gt3A_610 : vector<16xf32>
        %mul3A_612 = arith.constant 2.000000e-01 : f32
        %mul3A_613 = vector.broadcast %mul3A_612 : f32 to vector<16xf32>
        %mul3A_614 = arith.mulf %add3A_607, %mul3A_613 : vector<16xf32>
        %select_n3A = arith.select %gt3A_611, %add3A_607, %mul3A_614 : vector<16xi1>, vector<16xf32>
        %gt3A_615 = arith.constant 0.000000e+00 : f32
        %gt3A_616 = vector.broadcast %gt3A_615 : f32 to vector<16xf32>
        %gt3A_617 = arith.cmpf ogt, %add3A_608, %gt3A_616 : vector<16xf32>
        %mul3A_618 = arith.constant 2.000000e-01 : f32
        %mul3A_619 = vector.broadcast %mul3A_618 : f32 to vector<16xf32>
        %mul3A_620 = arith.mulf %add3A_608, %mul3A_619 : vector<16xf32>
        %select_n3A_621 = arith.select %gt3A_617, %add3A_608, %mul3A_620 : vector<16xi1>, vector<16xf32>
        %gt3A_622 = arith.constant 0.000000e+00 : f32
        %gt3A_623 = vector.broadcast %gt3A_622 : f32 to vector<16xf32>
        %gt3A_624 = arith.cmpf ogt, %add3A_609, %gt3A_623 : vector<16xf32>
        %mul3A_625 = arith.constant 2.000000e-01 : f32
        %mul3A_626 = vector.broadcast %mul3A_625 : f32 to vector<16xf32>
        %mul3A_627 = arith.mulf %add3A_609, %mul3A_626 : vector<16xf32>
        %select_n3A_628 = arith.select %gt3A_624, %add3A_609, %mul3A_627 : vector<16xi1>, vector<16xf32>
        %get3A_629 = arith.index_cast %scan3A_590 : i32 to index
        %get3A_630 = arith.constant 0 : index
        %get3A_631 = tpu.vector_load %arg22[%get3A_629, %get3A_630] {strides = array<i32>} : memref<129x16xf32, #tpu.memory_space<vmem>>, vector<16xf32>,
        %mul3A_632 = arith.mulf %select_n3A, %get3A_631 : vector<16xf32>
        %add3A_633 = arith.addf %scan3A_591, %mul3A_632 : vector<16xf32>
        %mul3A_634 = arith.mulf %select_n3A_621, %get3A_631 : vector<16xf32>
        %add3A_635 = arith.addf %scan3A_592, %mul3A_634 : vector<16xf32>
        %mul3A_636 = arith.mulf %select_n3A_628, %get3A_631 : vector<16xf32>
        %add3A_637 = arith.addf %scan3A_593, %mul3A_636 : vector<16xf32>
        scf.yield %add3A_633, %add3A_635, %add3A_637 : vector<16xf32>, vector<16xf32>, vector<16xf32>
      }
      %scan3A_549 = arith.constant 128 : i32
      %add3A_550 = arith.addf %scan3A_548#0, %get3A_408 : vector<16xf32>
      %add3A_551 = arith.addf %scan3A_548#1, %get3A_408 : vector<16xf32>
      %add3A_552 = arith.addf %scan3A_548#2, %get3A_408 : vector<16xf32>
      %get3A_553 = arith.constant 48 : index
      %get3A_554 = tpu.vector_load %arg13[%get3A_553] {strides = array<i32>} : memref<128xi32, #tpu.memory_space<vmem>>, vector<16xi32>,
      %get3A_555 = arith.constant 112 : index
      %get3A_556 = tpu.vector_load %arg13[%get3A_555] {strides = array<i32>} : memref<128xi32, #tpu.memory_space<vmem>>, vector<16xi32>,
      %gather3A_557 = tpu.vector_load_idx %arg20[%get3A_554] : memref<10240xf32, #tpu.memory_space<vmem>>[vector<16xi32>], vector<16xf32>,
      %gather3A_558 = tpu.vector_load_idx %arg21[%get3A_556] : memref<10240xf32, #tpu.memory_space<vmem>>[vector<16xi32>], vector<16xf32>,
      %add3A_559 = arith.addf %gather3A_557, %gather3A_558 : vector<16xf32>
      %neg3A_560 = arith.constant 0.000000e+00 : f32
      %neg3A_561 = vector.broadcast %neg3A_560 : f32 to vector<16xf32>
      %neg3A_562 = arith.subf %neg3A_561, %add3A_559 : vector<16xf32>
      %exp3A_563 = math.exp %neg3A_562 : vector<16xf32>
      %add3A_564 = arith.constant 1.000000e+00 : f32
      %add3A_565 = vector.broadcast %add3A_564 : f32 to vector<16xf32>
      %add3A_566 = arith.addf %add3A_565, %exp3A_563 : vector<16xf32>
      %div3A_567 = arith.constant 1.000000e+00 : f32
      %div3A_568 = vector.broadcast %div3A_567 : f32 to vector<16xf32>
      %div3A_569 = arith.divf %div3A_568, %add3A_566 : vector<16xf32>
      %add3A_570 = vector.broadcast %add3A_413 : i32 to vector<16xi32>
      %add3A_571 = arith.addi %add3A_543, %add3A_570 : vector<16xi32>
      %lt3A_572 = arith.constant 330000 : i32
      %lt3A_573 = vector.broadcast %lt3A_572 : i32 to vector<16xi32>
      %lt3A_574 = arith.cmpi slt, %add3A_571, %lt3A_573 : vector<16xi32>
      %mul3A_575 = arith.mulf %add3A_550, %div3A_569 : vector<16xf32>
      tpu.vector_store_idx %arg24[%get3A_554], %mul3A_575 masked %lt3A_574 {add = true} : memref<10240xf32, #tpu.memory_space<vmem>>[vector<16xi32>], vector<16xf32>, vector<16xi1>
      %swap3A_576 = arith.constant 48 : index
      %swap3A_577 = tpu.vector_load %arg19[%swap3A_576] {strides = array<i32>} : memref<192xf32, #tpu.memory_space<vmem>>, vector<16xf32>,
      tpu.vector_store %arg19[%swap3A_576], %add3A_550 {strides = array<i32>} : memref<192xf32, #tpu.memory_space<vmem>>, vector<16xf32>,
      %swap3A_578 = arith.constant 112 : index
      %swap3A_579 = tpu.vector_load %arg19[%swap3A_578] {strides = array<i32>} : memref<192xf32, #tpu.memory_space<vmem>>, vector<16xf32>,
      tpu.vector_store %arg19[%swap3A_578], %add3A_551 {strides = array<i32>} : memref<192xf32, #tpu.memory_space<vmem>>, vector<16xf32>,
      %swap3A_580 = arith.constant 176 : index
      %swap3A_581 = tpu.vector_load %arg19[%swap3A_580] {strides = array<i32>} : memref<192xf32, #tpu.memory_space<vmem>>, vector<16xf32>,
      tpu.vector_store %arg19[%swap3A_580], %add3A_552 {strides = array<i32>} : memref<192xf32, #tpu.memory_space<vmem>>, vector<16xf32>,
      %add3A_582 = arith.addi %mul3A_2, %add3A_327 : i32
      %dma_start3A_583 = arith.constant 0 : i32
      %dma_start3A_584 = tpu.memref_slice %arg9[%add3A_582, %dma_start3A_583] : memref<5248x192xf32, #tpu.memory_space<hbm>> -> memref<1x192xf32, #tpu.memory_space<hbm>>
      %dma_start3A_585 = tpu.memref_squeeze %dma_start3A_584 : memref<1x192xf32, #tpu.memory_space<hbm>> -> memref<192xf32, #tpu.memory_space<hbm>>
      %dma_start3A_586 = arith.constant 0 : i32
      %dma_start3A_587 = tpu.memref_slice %arg9[%add3A_582, %dma_start3A_586] : memref<5248x192xf32, #tpu.memory_space<hbm>> -> memref<1x192xf32, #tpu.memory_space<hbm>>
      %dma_start3A_588 = tpu.memref_squeeze %dma_start3A_587 : memref<1x192xf32, #tpu.memory_space<hbm>> -> memref<192xf32, #tpu.memory_space<hbm>>
      tpu.enqueue_dma source(%arg19 : memref<192xf32, #tpu.memory_space<vmem>>) target(%dma_start3A_588 : memref<192xf32, #tpu.memory_space<hbm>>) target_semaphore(%arg27 : memref<!tpu.dma_semaphore, #tpu.memory_space<semaphore_mem>>)
      %scan3A_589 = arith.constant 0 : i32
      scf.yield %scan3A_589 : i32
    }
    %scan3A_41 = arith.constant 81 : i32
    %dma_wait3A = arith.constant 0 : i32
    %dma_wait3A_42 = arith.constant 0 : i32
    %dma_wait3A_43 = tpu.memref_slice %arg2[%dma_wait3A, %dma_wait3A_42] : memref<10240x128xf32, #tpu.memory_space<hbm>> -> memref<64x128xf32, #tpu.memory_space<hbm>>
    %dma_wait3A_44 = arith.constant 0 : i32
    %dma_wait3A_45 = arith.constant 0 : i32
    %dma_wait3A_46 = tpu.memref_slice %arg2[%dma_wait3A_44, %dma_wait3A_45] : memref<10240x128xf32, #tpu.memory_space<hbm>> -> memref<64x128xf32, #tpu.memory_space<hbm>>
    tpu.wait_dma2 semaphore(%arg25 : memref<!tpu.dma_semaphore, #tpu.memory_space<semaphore_mem>>) src(%dma_wait3A_46 : memref<64x128xf32, #tpu.memory_space<hbm>>) dst(%arg14 : memref<64x128xf32, #tpu.memory_space<vmem>>)
    %dma_wait3A_47 = arith.constant 0 : i32
    %dma_wait3A_48 = arith.constant 0 : i32
    %dma_wait3A_49 = tpu.memref_slice %arg3[%dma_wait3A_47, %dma_wait3A_48] : memref<10240x128xf32, #tpu.memory_space<hbm>> -> memref<192x128xf32, #tpu.memory_space<hbm>>
    %dma_wait3A_50 = arith.constant 0 : i32
    %dma_wait3A_51 = arith.constant 0 : i32
    %dma_wait3A_52 = tpu.memref_slice %arg3[%dma_wait3A_50, %dma_wait3A_51] : memref<10240x128xf32, #tpu.memory_space<hbm>> -> memref<192x128xf32, #tpu.memory_space<hbm>>
    tpu.wait_dma2 semaphore(%arg25 : memref<!tpu.dma_semaphore, #tpu.memory_space<semaphore_mem>>) src(%dma_wait3A_52 : memref<192x128xf32, #tpu.memory_space<hbm>>) dst(%arg16 : memref<192x128xf32, #tpu.memory_space<vmem>>)
    %dma_wait3A_53 = arith.constant 0 : i32
    %dma_wait3A_54 = tpu.memref_slice %arg6[%mul3A_2, %dma_wait3A_53] : memref<5248x256xi32, #tpu.memory_space<hbm>> -> memref<1x256xi32, #tpu.memory_space<hbm>>
    %dma_wait3A_55 = tpu.memref_squeeze %dma_wait3A_54 : memref<1x256xi32, #tpu.memory_space<hbm>> -> memref<256xi32, #tpu.memory_space<hbm>>
    %dma_wait3A_56 = arith.constant 0 : i32
    %dma_wait3A_57 = tpu.memref_slice %arg6[%mul3A_2, %dma_wait3A_56] : memref<5248x256xi32, #tpu.memory_space<hbm>> -> memref<1x256xi32, #tpu.memory_space<hbm>>
    %dma_wait3A_58 = tpu.memref_squeeze %dma_wait3A_57 : memref<1x256xi32, #tpu.memory_space<hbm>> -> memref<256xi32, #tpu.memory_space<hbm>>
    tpu.wait_dma2 semaphore(%arg26 : memref<!tpu.dma_semaphore, #tpu.memory_space<semaphore_mem>>) src(%dma_wait3A_58 : memref<256xi32, #tpu.memory_space<hbm>>) dst(%arg11 : memref<256xi32, #tpu.memory_space<vmem>>)
    %add3A_59 = arith.constant 162 : i32
    %add3A_60 = arith.addi %mul3A_2, %add3A_59 : i32
    %dma_wait3A_61 = arith.constant 0 : i32
    %dma_wait3A_62 = tpu.memref_slice %arg9[%add3A_60, %dma_wait3A_61] : memref<5248x192xf32, #tpu.memory_space<hbm>> -> memref<1x192xf32, #tpu.memory_space<hbm>>
    %dma_wait3A_63 = tpu.memref_squeeze %dma_wait3A_62 : memref<1x192xf32, #tpu.memory_space<hbm>> -> memref<192xf32, #tpu.memory_space<hbm>>
    %dma_wait3A_64 = arith.constant 0 : i32
    %dma_wait3A_65 = tpu.memref_slice %arg9[%add3A_60, %dma_wait3A_64] : memref<5248x192xf32, #tpu.memory_space<hbm>> -> memref<1x192xf32, #tpu.memory_space<hbm>>
    %dma_wait3A_66 = tpu.memref_squeeze %dma_wait3A_65 : memref<1x192xf32, #tpu.memory_space<hbm>> -> memref<192xf32, #tpu.memory_space<hbm>>
    tpu.wait_dma2 semaphore(%arg27 : memref<!tpu.dma_semaphore, #tpu.memory_space<semaphore_mem>>) src(%arg18 : memref<192xf32, #tpu.memory_space<vmem>>) dst(%dma_wait3A_66 : memref<192xf32, #tpu.memory_space<hbm>>)
    "tpu.region"() ({
      %run_scoped3A = tpu.sem_alloc : memref<!tpu.dma_semaphore, #tpu.memory_space<semaphore_mem>>
      %dma_start3A_67 = arith.constant 0 : i32
      %dma_start3A_68 = tpu.memref_slice %arg10[%add3A, %dma_start3A_67] : memref<32x10240xf32, #tpu.memory_space<hbm>> -> memref<1x10240xf32, #tpu.memory_space<hbm>>
      %dma_start3A_69 = tpu.memref_squeeze %dma_start3A_68 : memref<1x10240xf32, #tpu.memory_space<hbm>> -> memref<10240xf32, #tpu.memory_space<hbm>>
      %dma_start3A_70 = arith.constant 0 : i32
      %dma_start3A_71 = tpu.memref_slice %arg10[%add3A, %dma_start3A_70] : memref<32x10240xf32, #tpu.memory_space<hbm>> -> memref<1x10240xf32, #tpu.memory_space<hbm>>
      %dma_start3A_72 = tpu.memref_squeeze %dma_start3A_71 : memref<1x10240xf32, #tpu.memory_space<hbm>> -> memref<10240xf32, #tpu.memory_space<hbm>>
      tpu.enqueue_dma source(%arg24 : memref<10240xf32, #tpu.memory_space<vmem>>) target(%dma_start3A_72 : memref<10240xf32, #tpu.memory_space<hbm>>) target_semaphore(%run_scoped3A : memref<!tpu.dma_semaphore, #tpu.memory_space<semaphore_mem>>)
      %dma_wait3A_73 = arith.constant 0 : i32
      %dma_wait3A_74 = tpu.memref_slice %arg10[%add3A, %dma_wait3A_73] : memref<32x10240xf32, #tpu.memory_space<hbm>> -> memref<1x10240xf32, #tpu.memory_space<hbm>>
      %dma_wait3A_75 = tpu.memref_squeeze %dma_wait3A_74 : memref<1x10240xf32, #tpu.memory_space<hbm>> -> memref<10240xf32, #tpu.memory_space<hbm>>
      %dma_wait3A_76 = arith.constant 0 : i32
      %dma_wait3A_77 = tpu.memref_slice %arg10[%add3A, %dma_wait3A_76] : memref<32x10240xf32, #tpu.memory_space<hbm>> -> memref<1x10240xf32, #tpu.memory_space<hbm>>
      %dma_wait3A_78 = tpu.memref_squeeze %dma_wait3A_77 : memref<1x10240xf32, #tpu.memory_space<hbm>> -> memref<10240xf32, #tpu.memory_space<hbm>>
      tpu.wait_dma2 semaphore(%run_scoped3A : memref<!tpu.dma_semaphore, #tpu.memory_space<semaphore_mem>>) src(%arg24 : memref<10240xf32, #tpu.memory_space<vmem>>) dst(%dma_wait3A_78 : memref<10240xf32, #tpu.memory_space<hbm>>)
      tpu.yield
    }) : () -> ()
    return
  }
}

module attributes {stable_mosaic.version = 14 : i64} {
  func.func @_proj_body(%arg0: i32, %arg1: memref<128x128xf32, #tpu.memory_space<vmem>>, %arg2: memref<128x128xf32, #tpu.memory_space<vmem>>, %arg3: memref<128x128xf32, #tpu.memory_space<vmem>>, %arg4: memref<1x128xf32, #tpu.memory_space<vmem>>, %arg5: memref<128x1xf32, #tpu.memory_space<vmem>>, %arg6: memref<128x1xf32, #tpu.memory_space<vmem>>, %arg7: memref<128x128xf32, #tpu.memory_space<vmem>>, %arg8: memref<128x128xf32, #tpu.memory_space<vmem>>, %arg9: memref<128x1xf32, #tpu.memory_space<vmem>>, %arg10: memref<128x1xf32, #tpu.memory_space<vmem>>) attributes {dimension_semantics = [#tpu.dimension_semantics<arbitrary>], iteration_bounds = array<i64: 80>, scalar_prefetch = 0 : i64, scratch_operands = 0 : i64, tpu.core_type = #tpu.core_type<tc>, window_params = [{transform_indices = @transform_0, window_bounds = array<i64: 128, 128>}, {pipeline_mode = #tpu.pipeline_mode<synchronous>, transform_indices = @transform_1, window_bounds = array<i64: 128, 128>}, {pipeline_mode = #tpu.pipeline_mode<synchronous>, transform_indices = @transform_2, window_bounds = array<i64: 128, 128>}, {pipeline_mode = #tpu.pipeline_mode<synchronous>, transform_indices = @transform_3, window_bounds = array<i64: 1, 128>}, {pipeline_mode = #tpu.pipeline_mode<synchronous>, transform_indices = @transform_4, window_bounds = array<i64: 128, 1>}, {pipeline_mode = #tpu.pipeline_mode<synchronous>, transform_indices = @transform_5, window_bounds = array<i64: 128, 1>}, {transform_indices = @transform_6, window_bounds = array<i64: 128, 128>}, {transform_indices = @transform_7, window_bounds = array<i64: 128, 128>}, {transform_indices = @transform_8, window_bounds = array<i64: 128, 1>}, {transform_indices = @transform_9, window_bounds = array<i64: 128, 1>}]} {
    %get3A = arith.constant 0 : index
    %get3A_0 = arith.constant 0 : index
    %get3A_1 = vector.load %arg1[%get3A, %get3A_0] : memref<128x128xf32, #tpu.memory_space<vmem>>, vector<128x128xf32>
    %get3A_2 = arith.constant 0 : index
    %get3A_3 = arith.constant 0 : index
    %get3A_4 = vector.load %arg2[%get3A_2, %get3A_3] : memref<128x128xf32, #tpu.memory_space<vmem>>, vector<128x128xf32>
    %dot_general3A = arith.constant dense<0.000000e+00> : vector<128x128xf32>
    %dot_general3A_5 = tpu.matmul %get3A_1, %get3A_4, %dot_general3A {dimension_numbers = #tpu.dot_dimension_numbers<[1], [0], [0], [1], [0, 0, 1, 1], [], []>, transpose_lhs_hint = false} : vector<128x128xf32>, vector<128x128xf32>, vector<128x128xf32> -> vector<128x128xf32>
    %get3A_6 = arith.constant 0 : index
    %get3A_7 = arith.constant 0 : index
    %get3A_8 = vector.load %arg4[%get3A_6, %get3A_7] : memref<1x128xf32, #tpu.memory_space<vmem>>, vector<1x128xf32>
    %add3A = vector.broadcast %get3A_8 : vector<1x128xf32> to vector<128x128xf32>
    %add3A_9 = arith.addf %dot_general3A_5, %add3A : vector<128x128xf32>
    %swap3A = arith.constant 0 : index
    %swap3A_10 = arith.constant 0 : index
    %swap3A_11 = vector.load %arg7[%swap3A, %swap3A_10] : memref<128x128xf32, #tpu.memory_space<vmem>>, vector<128x128xf32>
    tpu.vector_store %arg7[%swap3A, %swap3A_10], %add3A_9 {strides = array<i32>} : memref<128x128xf32, #tpu.memory_space<vmem>>, vector<128x128xf32>,
    %get3A_12 = arith.constant 0 : index
    %get3A_13 = arith.constant 0 : index
    %get3A_14 = vector.load %arg3[%get3A_12, %get3A_13] : memref<128x128xf32, #tpu.memory_space<vmem>>, vector<128x128xf32>
    %dot_general3A_15 = arith.constant dense<0.000000e+00> : vector<128x128xf32>
    %dot_general3A_16 = tpu.matmul %get3A_1, %get3A_14, %dot_general3A_15 {dimension_numbers = #tpu.dot_dimension_numbers<[1], [0], [0], [1], [0, 0, 1, 1], [], []>, transpose_lhs_hint = false} : vector<128x128xf32>, vector<128x128xf32>, vector<128x128xf32> -> vector<128x128xf32>
    %swap3A_17 = arith.constant 0 : index
    %swap3A_18 = arith.constant 0 : index
    %swap3A_19 = vector.load %arg8[%swap3A_17, %swap3A_18] : memref<128x128xf32, #tpu.memory_space<vmem>>, vector<128x128xf32>
    tpu.vector_store %arg8[%swap3A_17, %swap3A_18], %dot_general3A_16 {strides = array<i32>} : memref<128x128xf32, #tpu.memory_space<vmem>>, vector<128x128xf32>,
    %get3A_20 = arith.constant 0 : index
    %get3A_21 = arith.constant 0 : index
    %get3A_22 = vector.load %arg5[%get3A_20, %get3A_21] : memref<128x1xf32, #tpu.memory_space<vmem>>, vector<128x1xf32>
    %dot_general3A_23 = arith.constant dense<0.000000e+00> : vector<128x1xf32>
    %dot_general3A_24 = tpu.matmul %get3A_1, %get3A_22, %dot_general3A_23 {dimension_numbers = #tpu.dot_dimension_numbers<[1], [0], [0], [1], [0, 0, 1, 1], [], []>, transpose_lhs_hint = false} : vector<128x128xf32>, vector<128x1xf32>, vector<128x1xf32> -> vector<128x1xf32>
    %swap3A_25 = arith.constant 0 : index
    %swap3A_26 = arith.constant 0 : index
    %swap3A_27 = vector.load %arg9[%swap3A_25, %swap3A_26] : memref<128x1xf32, #tpu.memory_space<vmem>>, vector<128x1xf32>
    tpu.vector_store %arg9[%swap3A_25, %swap3A_26], %dot_general3A_24 {strides = array<i32>} : memref<128x1xf32, #tpu.memory_space<vmem>>, vector<128x1xf32>,
    %get3A_28 = arith.constant 0 : index
    %get3A_29 = arith.constant 0 : index
    %get3A_30 = vector.load %arg6[%get3A_28, %get3A_29] : memref<128x1xf32, #tpu.memory_space<vmem>>, vector<128x1xf32>
    %dot_general3A_31 = arith.constant dense<0.000000e+00> : vector<128x1xf32>
    %dot_general3A_32 = tpu.matmul %get3A_1, %get3A_30, %dot_general3A_31 {dimension_numbers = #tpu.dot_dimension_numbers<[1], [0], [0], [1], [0, 0, 1, 1], [], []>, transpose_lhs_hint = false} : vector<128x128xf32>, vector<128x1xf32>, vector<128x1xf32> -> vector<128x1xf32>
    %swap3A_33 = arith.constant 0 : index
    %swap3A_34 = arith.constant 0 : index
    %swap3A_35 = vector.load %arg10[%swap3A_33, %swap3A_34] : memref<128x1xf32, #tpu.memory_space<vmem>>, vector<128x1xf32>
    tpu.vector_store %arg10[%swap3A_33, %swap3A_34], %dot_general3A_32 {strides = array<i32>} : memref<128x1xf32, #tpu.memory_space<vmem>>, vector<128x1xf32>,
    return
  }
  func.func @transform_0(%arg0: i32) -> (i32, i32) {
    %c0_i32 = arith.constant 0 : i32
    %c0_i32_0 = arith.constant 0 : i32
    return %arg0, %c0_i32 : i32, i32
  }
  func.func @transform_1(%arg0: i32) -> (i32, i32) {
    %c0_i32 = arith.constant 0 : i32
    %c0_i32_0 = arith.constant 0 : i32
    %c0_i32_1 = arith.constant 0 : i32
    return %c0_i32, %c0_i32_0 : i32, i32
  }
  func.func @transform_2(%arg0: i32) -> (i32, i32) {
    %c0_i32 = arith.constant 0 : i32
    %c0_i32_0 = arith.constant 0 : i32
    %c0_i32_1 = arith.constant 0 : i32
    return %c0_i32, %c0_i32_0 : i32, i32
  }
  func.func @transform_3(%arg0: i32) -> (i32, i32) {
    %c0_i32 = arith.constant 0 : i32
    %c0_i32_0 = arith.constant 0 : i32
    %c0_i32_1 = arith.constant 0 : i32
    return %c0_i32, %c0_i32_0 : i32, i32
  }
  func.func @transform_4(%arg0: i32) -> (i32, i32) {
    %c0_i32 = arith.constant 0 : i32
    %c0_i32_0 = arith.constant 0 : i32
    %c0_i32_1 = arith.constant 0 : i32
    return %c0_i32, %c0_i32_0 : i32, i32
  }
  func.func @transform_5(%arg0: i32) -> (i32, i32) {
    %c0_i32 = arith.constant 0 : i32
    %c0_i32_0 = arith.constant 0 : i32
    %c0_i32_1 = arith.constant 0 : i32
    return %c0_i32, %c0_i32_0 : i32, i32
  }
  func.func @transform_6(%arg0: i32) -> (i32, i32) {
    %c0_i32 = arith.constant 0 : i32
    %c0_i32_0 = arith.constant 0 : i32
    return %arg0, %c0_i32 : i32, i32
  }
  func.func @transform_7(%arg0: i32) -> (i32, i32) {
    %c0_i32 = arith.constant 0 : i32
    %c0_i32_0 = arith.constant 0 : i32
    return %arg0, %c0_i32 : i32, i32
  }
  func.func @transform_8(%arg0: i32) -> (i32, i32) {
    %c0_i32 = arith.constant 0 : i32
    %c0_i32_0 = arith.constant 0 : i32
    return %arg0, %c0_i32 : i32, i32
  }
  func.func @transform_9(%arg0: i32) -> (i32, i32) {
    %c0_i32 = arith.constant 0 : i32
    %c0_i32_0 = arith.constant 0 : i32
    return %arg0, %c0_i32 : i32, i32
  }
}

module attributes {stable_mosaic.version = 14 : i64} {
  func.func @_red_body(%arg0: memref<2592x128xf32, #tpu.memory_space<vmem>>, %arg1: memref<2592x128xf32, #tpu.memory_space<vmem>>, %arg2: memref<2592x128xf32, #tpu.memory_space<vmem>>, %arg3: memref<32x10240xf32, #tpu.memory_space<vmem>>, %arg4: memref<10240xf32, #tpu.memory_space<vmem>>, %arg5: memref<8x128xf32, #tpu.memory_space<vmem>>) attributes {dimension_semantics = [], scalar_prefetch = 0 : i64, scratch_operands = 0 : i64, tpu.core_type = #tpu.core_type<tc>} {
    %iota3A = tpu.iota {dimensions = array<i32: 0>} : vector<2592x128xi32>
    %mul3A = arith.constant 128 : i32
    %mul3A_0 = vector.broadcast %mul3A : i32 to vector<2592x128xi32>
    %mul3A_1 = arith.muli %iota3A, %mul3A_0 : vector<2592x128xi32>
    %iota3A_2 = tpu.iota {dimensions = array<i32: 1>} : vector<2592x128xi32>
    %add3A = arith.addi %mul3A_1, %iota3A_2 : vector<2592x128xi32>
    %lt3A = arith.constant 330000 : i32
    %lt3A_3 = vector.broadcast %lt3A : i32 to vector<2592x128xi32>
    %lt3A_4 = arith.cmpi slt, %add3A, %lt3A_3 : vector<2592x128xi32>
    %get3A = arith.constant 0 : index
    %get3A_5 = arith.constant 0 : index
    %get3A_6 = vector.load %arg0[%get3A, %get3A_5] : memref<2592x128xf32, #tpu.memory_space<vmem>>, vector<2592x128xf32>
    %neg3A = arith.constant 0.000000e+00 : f32
    %neg3A_7 = vector.broadcast %neg3A : f32 to vector<2592x128xf32>
    %neg3A_8 = arith.subf %neg3A_7, %get3A_6 : vector<2592x128xf32>
    %max3A = arith.constant 0.000000e+00 : f32
    %max3A_9 = vector.broadcast %max3A : f32 to vector<2592x128xf32>
    %max3A_10 = arith.maximumf %neg3A_8, %max3A_9 : vector<2592x128xf32>
    %abs3A = math.absf %neg3A_8 : vector<2592x128xf32>
    %neg3A_11 = arith.constant 0.000000e+00 : f32
    %neg3A_12 = vector.broadcast %neg3A_11 : f32 to vector<2592x128xf32>
    %neg3A_13 = arith.subf %neg3A_12, %abs3A : vector<2592x128xf32>
    %exp3A = math.exp %neg3A_13 : vector<2592x128xf32>
    %add3A_14 = arith.constant 1.000000e+00 : f32
    %add3A_15 = vector.broadcast %add3A_14 : f32 to vector<2592x128xf32>
    %add3A_16 = arith.addf %add3A_15, %exp3A : vector<2592x128xf32>
    %log3A = math.log %add3A_16 : vector<2592x128xf32>
    %add3A_17 = arith.addf %max3A_10, %log3A : vector<2592x128xf32>
    %jit3A = arith.constant 0.000000e+00 : f32
    %broadcast_in_dim3A = vector.broadcast %jit3A : f32 to vector<2592x128xf32>
    %select_n3A = arith.select %lt3A_4, %add3A_17, %broadcast_in_dim3A : vector<2592x128xi1>, vector<2592x128xf32>
    %reduce_sum3A = vector.shape_cast %select_n3A : vector<2592x128xf32> to vector<1x2592x128xf32>
    %reduce_sum3A_18 = arith.constant dense<0.000000e+00> : vector<1xf32>
    %reduce_sum3A_19 = vector.multi_reduction <add>, %reduce_sum3A, %reduce_sum3A_18 [1, 2] : vector<1x2592x128xf32> to vector<1xf32>
    %reduce_sum3A_20 = vector.shape_cast %reduce_sum3A_19 : vector<1xf32> to vector<1x1x1xf32>
    %reduce_sum3A_21 = vector.extract %reduce_sum3A_20[0, 0, 0] : f32 from vector<1x1x1xf32>
    %get3A_22 = arith.constant 0 : index
    %get3A_23 = arith.constant 0 : index
    %get3A_24 = vector.load %arg1[%get3A_22, %get3A_23] : memref<2592x128xf32, #tpu.memory_space<vmem>>, vector<2592x128xf32>
    %max3A_25 = arith.constant 0.000000e+00 : f32
    %max3A_26 = vector.broadcast %max3A_25 : f32 to vector<2592x128xf32>
    %max3A_27 = arith.maximumf %get3A_24, %max3A_26 : vector<2592x128xf32>
    %abs3A_28 = math.absf %get3A_24 : vector<2592x128xf32>
    %neg3A_29 = arith.constant 0.000000e+00 : f32
    %neg3A_30 = vector.broadcast %neg3A_29 : f32 to vector<2592x128xf32>
    %neg3A_31 = arith.subf %neg3A_30, %abs3A_28 : vector<2592x128xf32>
    %exp3A_32 = math.exp %neg3A_31 : vector<2592x128xf32>
    %add3A_33 = arith.constant 1.000000e+00 : f32
    %add3A_34 = vector.broadcast %add3A_33 : f32 to vector<2592x128xf32>
    %add3A_35 = arith.addf %add3A_34, %exp3A_32 : vector<2592x128xf32>
    %log3A_36 = math.log %add3A_35 : vector<2592x128xf32>
    %add3A_37 = arith.addf %max3A_27, %log3A_36 : vector<2592x128xf32>
    %jit3A_38 = arith.constant 0.000000e+00 : f32
    %broadcast_in_dim3A_39 = vector.broadcast %jit3A_38 : f32 to vector<2592x128xf32>
    %select_n3A_40 = arith.select %lt3A_4, %add3A_37, %broadcast_in_dim3A_39 : vector<2592x128xi1>, vector<2592x128xf32>
    %reduce_sum3A_41 = vector.shape_cast %select_n3A_40 : vector<2592x128xf32> to vector<1x2592x128xf32>
    %reduce_sum3A_42 = arith.constant dense<0.000000e+00> : vector<1xf32>
    %reduce_sum3A_43 = vector.multi_reduction <add>, %reduce_sum3A_41, %reduce_sum3A_42 [1, 2] : vector<1x2592x128xf32> to vector<1xf32>
    %reduce_sum3A_44 = vector.shape_cast %reduce_sum3A_43 : vector<1xf32> to vector<1x1x1xf32>
    %reduce_sum3A_45 = vector.extract %reduce_sum3A_44[0, 0, 0] : f32 from vector<1x1x1xf32>
    %get3A_46 = arith.constant 0 : index
    %get3A_47 = arith.constant 0 : index
    %get3A_48 = vector.load %arg2[%get3A_46, %get3A_47] : memref<2592x128xf32, #tpu.memory_space<vmem>>, vector<2592x128xf32>
    %max3A_49 = arith.constant 0.000000e+00 : f32
    %max3A_50 = vector.broadcast %max3A_49 : f32 to vector<2592x128xf32>
    %max3A_51 = arith.maximumf %get3A_48, %max3A_50 : vector<2592x128xf32>
    %abs3A_52 = math.absf %get3A_48 : vector<2592x128xf32>
    %neg3A_53 = arith.constant 0.000000e+00 : f32
    %neg3A_54 = vector.broadcast %neg3A_53 : f32 to vector<2592x128xf32>
    %neg3A_55 = arith.subf %neg3A_54, %abs3A_52 : vector<2592x128xf32>
    %exp3A_56 = math.exp %neg3A_55 : vector<2592x128xf32>
    %add3A_57 = arith.constant 1.000000e+00 : f32
    %add3A_58 = vector.broadcast %add3A_57 : f32 to vector<2592x128xf32>
    %add3A_59 = arith.addf %add3A_58, %exp3A_56 : vector<2592x128xf32>
    %log3A_60 = math.log %add3A_59 : vector<2592x128xf32>
    %add3A_61 = arith.addf %max3A_51, %log3A_60 : vector<2592x128xf32>
    %jit3A_62 = arith.constant 0.000000e+00 : f32
    %broadcast_in_dim3A_63 = vector.broadcast %jit3A_62 : f32 to vector<2592x128xf32>
    %select_n3A_64 = arith.select %lt3A_4, %add3A_61, %broadcast_in_dim3A_63 : vector<2592x128xi1>, vector<2592x128xf32>
    %reduce_sum3A_65 = vector.shape_cast %select_n3A_64 : vector<2592x128xf32> to vector<1x2592x128xf32>
    %reduce_sum3A_66 = arith.constant dense<0.000000e+00> : vector<1xf32>
    %reduce_sum3A_67 = vector.multi_reduction <add>, %reduce_sum3A_65, %reduce_sum3A_66 [1, 2] : vector<1x2592x128xf32> to vector<1xf32>
    %reduce_sum3A_68 = vector.shape_cast %reduce_sum3A_67 : vector<1xf32> to vector<1x1x1xf32>
    %reduce_sum3A_69 = vector.extract %reduce_sum3A_68[0, 0, 0] : f32 from vector<1x1x1xf32>
    %add3A_70 = arith.addf %reduce_sum3A_45, %reduce_sum3A_69 : f32
    %div3A = arith.constant 3.300000e+05 : f32
    %div3A_71 = arith.divf %reduce_sum3A_21, %div3A : f32
    %div3A_72 = arith.constant 6.600000e+05 : f32
    %div3A_73 = arith.divf %add3A_70, %div3A_72 : f32
    %add3A_74 = arith.addf %div3A_71, %div3A_73 : f32
    %broadcast_in_dim3A_75 = vector.broadcast %add3A_74 : f32 to vector<8x128xf32>
    %swap3A = arith.constant 0 : index
    %swap3A_76 = arith.constant 0 : index
    %swap3A_77 = vector.load %arg5[%swap3A, %swap3A_76] : memref<8x128xf32, #tpu.memory_space<vmem>>, vector<8x128xf32>
    tpu.vector_store %arg5[%swap3A, %swap3A_76], %broadcast_in_dim3A_75 {strides = array<i32>} : memref<8x128xf32, #tpu.memory_space<vmem>>, vector<8x128xf32>,
    %get3A_78 = arith.constant 0 : index
    %get3A_79 = arith.constant 0 : index
    %get3A_80 = vector.load %arg3[%get3A_78, %get3A_79] : memref<32x10240xf32, #tpu.memory_space<vmem>>, vector<32x10240xf32>
    %reduce_sum3A_81 = arith.constant dense<0.000000e+00> : vector<10240xf32>
    %reduce_sum3A_82 = vector.multi_reduction <add>, %get3A_80, %reduce_sum3A_81 [0] : vector<32x10240xf32> to vector<10240xf32>
    %neg3A_83 = arith.constant 0.000000e+00 : f32
    %neg3A_84 = vector.broadcast %neg3A_83 : f32 to vector<10240xf32>
    %neg3A_85 = arith.subf %neg3A_84, %reduce_sum3A_82 : vector<10240xf32>
    %exp3A_86 = math.exp %neg3A_85 : vector<10240xf32>
    %add3A_87 = arith.constant 1.000000e+00 : f32
    %add3A_88 = vector.broadcast %add3A_87 : f32 to vector<10240xf32>
    %add3A_89 = arith.addf %add3A_88, %exp3A_86 : vector<10240xf32>
    %div3A_90 = arith.constant 1.000000e+00 : f32
    %div3A_91 = vector.broadcast %div3A_90 : f32 to vector<10240xf32>
    %div3A_92 = arith.divf %div3A_91, %add3A_89 : vector<10240xf32>
    %swap3A_93 = arith.constant 0 : index
    %swap3A_94 = vector.load %arg4[%swap3A_93] : memref<10240xf32, #tpu.memory_space<vmem>>, vector<10240xf32>
    tpu.vector_store %arg4[%swap3A_93], %div3A_92 {strides = array<i32>} : memref<10240xf32, #tpu.memory_space<vmem>>, vector<10240xf32>,
    return
  }
}

</mosaic_0001>

<sc_bundles>
// kernel: kernel.5.cloned.1.call-start
scs
__scs_entry_jumppad:
0x0: {  	(pc) =	sbr.rel $0x88, $3  }
0x1: {  	(tag) =	ssettag $0x0;
	lr =	simm.s32 $0x1  }
0x2: {  	[smem:$0x3F9A] =	sst lr;
	_ =	strace $0xD0000000  }
0x3: {  	_ = 	snop  }
0x4: {  	_ = 	snop  }
0x5: {  	_ = 	snop  }
0x6: {  	_ = 	snop  }
0x7: {  	_ = 	snop  }
__scs_overlays_trampoline_lowered:
0x8: {  	[smem:$0x3FA9] =	sst s0  }
0x9: {  	[smem:$0x3FAA] =	sst s1  }
0xa: {  	[smem:$0x3FAB] =	sst s2  }
0xb: {  	[smem:$0x3FAC] =	sst s3  }
0xc: {  	[smem:$0x3FAD] =	sst s4  }
0xd: {  	[smem:$0x3FAE] =	sst s5  }
0xe: {  	[smem:$0x3FAF] =	sst s6  }
0xf: {  	[smem:$0x3FB0] =	sst s7  }
0x10: {  	[smem:$0x3FB1] =	sst s8  }
0x11: {  	[smem:$0x3FB2] =	sst s9;
	s0 =	simm.s32 @!p0 $0x0  }
0x12: {  	s1 =	sld [smem:$0x3F98];
	s0 =	simm.s32 @p0 $0x1  }
0x13: {  	[smem:$0x3FB3] =	sst s0;
	s0 =	simm.s32 @!p1 $0x0  }
0x14: {  	s2 =	sld [smem:$0x3F97];
	s0 =	simm.s32 @p1 $0x1  }
0x15: {  	[smem:$0x3FB4] =	sst s0;
	s0 =	simm.s32 @!p2 $0x0  }
0x16: {  	s3 =	sld [smem:$0x3FDB];
	s0 =	simm.s32 @p2 $0x1  }
0x17: {  	s4 =	simm.s32 $0x1BF5;
	[smem:$0x3FB6] =	sst s0  }
0x18: {  	s0 =	sld [smem:$0x3F99];
	_ =	swait.ge [sflag:s4], $0x0  }
0x19: {  	s7 =	sld [smem:$0x3F9A]  }
0x1a: {  	s8 =	sadd.s32 $0xFFFFE003, lr  }
0x1b: {  	s9 =	sadd.s32 $0xFFFFFEF7, lr;
	s5 =	simm.s32 $0xFFFFFFFF;
	p2 =	slt.u32 s8, $0xFFFFF086  }
0x1c: {  	p1 =	slt.u32 s9, $0xF7A;
	s5 =	simm.s32 @!p2 $0x0  }
0x1d: {  	s5 =	simm.s32 @p1 $0x1;
	p0 =	seq.s32 s7, s2  }
0x1e: {  	s7 =	smul.u32 @!p0 $0xF7A, s2;
	p2 =	seq.s32 @!p0 s5, $0x0  }
0x1f: {  	s9 =	smul.u32 $0xF7A, s1;
	s8 =	simm.s32 @!p0 $0x1BF5;
	p2 =	por !p2, p0  }
0x20: {  	[sflag:s8] =	ssyncset.s32 @!p0 $0xFFFFF086;
	s6 =	sadd.s32 @!p0 s3, s7;
	s7 =	simm.s32 @!p0 $0x108  }
0x21: {  	s3 =	sadd.s32 s3, s9;
	s6 =	sadd.s32 @!p0 $0x88, s6;
	s7 =	simm.s32 @p2 $0x1082  }
0x22: {  	[simem:s7], [sflag:s8] =	dma.local @!p0 [hbm:s6], $0xF7A  }
0x23: {  	s9 =	sor.u32 $0xD0000000, s2;
	s6 =	simm.s32 $0x108;
	_ =	swait.ge @!p0 [sflag:s8], $0x0  }
0x24: {  	s3 =	sadd.s32 $0x88, s3;
	s6 =	simm.s32 @!p1 $0x1082;
	[sflag:s4] =	ssyncset.s32 $0xFFFFF086  }
0x25: {  	[simem:s6], [sflag:s4] =	dma.local [hbm:s3], $0xF7A  }
0x26: {  	[smem:$0x3F9A] =	sst s1;
	(tag) =	ssettag s2;
	_ =	strace s9  }
0x27: {  	s1 =	sld [smem:$0x3FAA]  }
0x28: {  	s2 =	sld [smem:$0x3FAB]  }
0x29: {  	s4 =	sld [smem:$0x3FAD]  }
0x2a: {  	p0 =	seq.s32 s5, $0x0;
	s5 =	sld [smem:$0x3FAE]  }
0x2b: {  	s6 =	sld [smem:$0x3FAF]  }
0x2c: {  	s7 =	sld [smem:$0x3FB0]  }
0x2d: {  	s3 =	simm.s32 $0x108;
	s8 =	sld [smem:$0x3FB1]  }
0x2e: {  	s3 =	simm.s32 @!p0 $0x1082;
	s9 =	sld [smem:$0x3FB2]  }
0x2f: {  	lr =	sadd.s32 s0, s3;
	s0 =	sld [smem:$0x3FA9]  }
0x30: {  	s3 =	sld [smem:$0x3FAC]  }
0x31: {  	[smem:$0x3FB5] =	sst s10  }
0x32: {  	s10 =	sld [smem:$0x3FB3];
	_ =	sdelay $0x3  }
0x33: {  	p0 =	seq.s32 s10, $0x1;
	s10 =	sld [smem:$0x3FB5];
	_ =	sdelay $0x3  }
0x34: {  	[smem:$0x3FB5] =	sst s10  }
0x35: {  	s10 =	sld [smem:$0x3FB4];
	_ =	sdelay $0x3  }
0x36: {  	p1 =	seq.s32 s10, $0x1;
	s10 =	sld [smem:$0x3FB5];
	_ =	sdelay $0x3  }
0x37: {  	[smem:$0x3FB5] =	sst s10  }
0x38: {  	s10 =	sld [smem:$0x3FB6]  }
0x39: {  	_ = 	snop;
	(pc) =	sbr.ind lr, $3  }
0x3a: {  	_ = 	snop  }
0x3b: {  	_ = 	snop  }
0x3c: {  	p2 =	seq.s32 s10, $0x1;
	s10 =	sld [smem:$0x3FB5]  }
0x3d: {  	_ =	shalt  }
0x3e: {  	_ =	shalt  }
0x3f: {  	_ =	shalt  }
0x40: {  	_ =	shalt  }
0x41: {  	_ =	shalt  }
0x42: {  	_ =	shalt  }
0x43: {  	_ =	shalt  }
0x44: {  	_ =	shalt  }
0x45: {  	_ =	shalt  }
0x46: {  	_ =	shalt  }
0x47: {  	_ =	shalt  }
0x48: {  	_ =	shalt  }
0x49: {  	_ =	shalt  }
0x4a: {  	_ =	shalt  }
0x4b: {  	_ =	shalt  }
0x4c: {  	_ =	shalt  }
0x4d: {  	_ =	shalt  }
0x4e: {  	_ =	shalt  }
0x4f: {  	_ =	shalt  }
0x50: {  	_ =	shalt  }
0x51: {  	_ =	shalt  }
0x52: {  	_ =	shalt  }
0x53: {  	_ =	shalt  }
0x54: {  	_ =	shalt  }
0x55: {  	_ =	shalt  }
0x56: {  	_ =	shalt  }
0x57: {  	_ =	shalt  }
0x58: {  	_ =	shalt  }
0x59: {  	_ =	shalt  }
0x5a: {  	_ =	shalt  }
0x5b: {  	_ =	shalt  }
0x5c: {  	_ =	shalt  }
0x5d: {  	_ =	shalt  }
0x5e: {  	_ =	shalt  }
0x5f: {  	_ =	shalt  }
0x60: {  	_ =	shalt  }
0x61: {  	_ =	shalt  }
0x62: {  	_ =	shalt  }
0x63: {  	_ =	shalt  }
0x64: {  	_ =	shalt  }
0x65: {  	_ =	shalt  }
0x66: {  	_ =	shalt  }
0x67: {  	_ =	shalt  }
0x68: {  	_ =	shalt  }
0x69: {  	_ =	shalt  }
0x6a: {  	_ =	shalt  }
0x6b: {  	_ =	shalt  }
0x6c: {  	_ =	shalt  }
0x6d: {  	_ =	shalt  }
0x6e: {  	_ =	shalt  }
0x6f: {  	_ =	shalt  }
0x70: {  	_ =	shalt  }
0x71: {  	_ =	shalt  }
0x72: {  	_ =	shalt  }
0x73: {  	_ =	shalt  }
0x74: {  	_ =	shalt  }
0x75: {  	_ =	shalt  }
0x76: {  	_ =	shalt  }
0x77: {  	_ =	shalt  }
0x78: {  	_ =	shalt  }
0x79: {  	_ =	shalt  }
0x7a: {  	_ =	shalt  }
0x7b: {  	_ =	shalt  }
0x7c: {  	_ =	shalt  }
0x7d: {  	_ =	shalt  }
0x7e: {  	_ =	shalt  }
0x7f: {  	_ =	shalt  }
0x80: {  	_ =	shalt  }
0x81: {  	_ =	shalt  }
0x82: {  	_ =	shalt  }
0x83: {  	_ =	shalt  }
0x84: {  	_ =	shalt  }
0x85: {  	_ =	shalt  }
0x86: {  	_ =	shalt  }
0x87: {  	_ =	shalt  }
.Lfunc_end0:
.L_simem_size_0:
called_computation_lowered:
.L_overlay_start_0:
0x88: {  	s2 =	sld [smem:$0x3FD9]  }
0x89: {  	s3 =	sld [smem:$0x3FFE];
	_ =	sdelay $0x1  }
0x8a: {  	s1 =	srdreg.scid  }
0x8b: {  	s0 =	sand.u32 $0x1, s1  }
0x8c: {  	s14 =	sshll.u32 s0, $0xA;
	s2 =	sadd.s32 s3, s2  }
0x8d: {  	s2 =	sadd.s32 s2, s14  }
0x8e: {  	[smem:$0x3FC1] =	sst s2  }
0x8f: {  	_ = 	snop  }
0x90: {  	s2 =	sld [smem:$0x3FD0];
	_ =	sdelay $0x2  }
0x91: {  	s15 =	simm.s32 $0xA;
	s4 =	simm.s32 $0x10  }
0x92: {  	[smem:s4], [sflag:s15] =	dma.local [hbm:s2], $0x1  }
0x93: {  	_ =	swait.eq [sflag:s15], $0x1  }
0x94: {  	[sflag:s15] =	ssyncset.done $0x0  }
0x95: {  	[sflag:s15] =	ssyncadd.s32 $0xFFFFFFFF  }
0x96: {  	s16 =	sld [smem:$0x10];
	(tm) =	ssettm $0x1  }
0x97: {  	s17 =	sld [smem:$0x3FFB];
	_ =	sdelay $0x3  }
0x98: {  	_ =	strace s17  }
0x99: {  	s3 =	sld [smem:$0x3FFC];
	_ =	sdelay $0x3  }
0x9a: {  	_ =	strace s3  }
0x9b: {  	s3 =	sld [smem:$0x3FFD];
	_ =	sdelay $0x3  }
0x9c: {  	_ =	strace s3  }
0x9d: {  	_ =	strace $0x8FFFFFFF  }
0x9e: {  	s18 =	sld [smem:$0x3FDB];
	_ =	sdelay $0x1  }
0x9f: {  	s19 =	simm.s32 $_scs_section_size  }
0xa0: {  	s5 =	simm.s32 $_size__tile_overlayer_lowered;
	s6 =	simm.s32 $_tile_overlayer_lowered  }
0xa1: {  	s22 =	simm.s32 $0x1BFF;
	s21 =	sshll.u32 s6, $0x1;
	s3 =	sadd.s32 s19, s18  }
0xa2: {  	s7 =	simm.s32 $0x0;
	s20 =	sshll.u32 s5, $0x1;
	s5 =	sadd.s32 s21, s3  }
0xa3: {  	[timem:s7], [sflag:s22] =	dma.local [hbm:s5], s20  }
0xa4: {  	_ =	swait.ge [sflag:s22], s20  }
0xa5: {  	s4 =	ssub.s32 $0x0, s20;
	[sflag:s22] =	ssyncset.done $0x0  }
0xa6: {  	[sflag:s22] =	ssyncadd.s32 s4;
	_ =	sdelay $0x1  }
0xa7: {  	s23 =	simm.s32 $0x1B8B  }
0xa8: {  	_ =	swait.ge [sflag:s23], $0x1  }
0xa9: {  	[sflag:s23] =	ssyncset.done $0x0  }
0xaa: {  	s25 =	simm.s32 $0x1B8E;
	s24 =	sld [smem:$0x3FFE];
	[sflag:s23] =	ssyncadd.s32 $0xFFFFFFFF  }
0xab: {  	s26 =	simm.s32 $execute0_lowered;
	[smem:$0x3FD2] =	sst s25  }
0xac: {  	s5 =	sshll.u32 s26, $0x1;
	_ =	strace $0x80000046;
	[dreg:$0x1] =	wrdreg $0xFFFFFFFF  }
0xad: {  	s28 =	simm.s32 $_size_execute0_lowered;
	s3 =	sadd.s32 s3, s5;
	[dreg:$0x0] =	wrdreg $0x0  }
0xae: {  	s5 =	sshll.u32 s28, $0x1;
	[dreg:$0x2] =	wrdreg s3  }
0xaf: {  	[dreg:$0x3] =	wrdreg s5  }
0xb0: {  	[dreg:$0x4] =	wrdreg $0xC0  }
0xb1: {  	_ =	task [dreg:s7], $0x5FFFF  }
0xb2: {  	[dreg:$0x1] =	wrdreg $0xFFFFFFFF  }
0xb3: {  	[dreg:$0x0] =	wrdreg $0x60  }
0xb4: {  	[dreg:$0x2] =	wrdreg s24  }
0xb5: {  	[dreg:$0x3] =	wrdreg s16  }
0xb6: {  	[dreg:$0x4] =	wrdreg $0x9  }
0xb7: {  	_ =	task.clear_ibuf [dreg:s7], $0x5FFFF;
	_ =	strace $0x90000046  }
0xb8: {  	s29 =	simm.s32 $0x9;
	_ =	strace $0x80000048  }
0xb9: {  	_ =	swait.ge [sflag:s29], $0x1  }
0xba: {  	[sflag:s29] =	ssyncadd.s32 $0xFFFFFFFF  }
0xbb: {  	_ =	strace $0x90000048  }
0xbc: {  	_ =	sfence  }
0xbd: {  	s30 =	sld [smem:$0x0];
	_ =	sdelay $0x2  }
0xbe: {  	s31 =	sshll.u32 s1, $0xD;
	s1 =	sshrl.u32 s1, $0x2  }
0xbf: {  	s3 =	sand.u32 $0x4000, s31;
	s1 =	sadd.s32 s1, s30  }
0xc0: {  	s0 =	sor.u32 s3, s0;
	s1 =	sshll.u32 s1, $0x11  }
0xc1: {  	s0 =	sor.u32 s1, s0  }
0xc2: {  	s0 =	sadd.s32 $0x8F2B, s0  }
0xc3: {  	[sflag:s0] =	ssyncadd.remote.s32 $0x1  }
0xc4: {  	_ =	sfence.sel $0xFFFF  }
0xc5: {  	[dreg:$0x0] =	wrdreg $0xFFFFFFFF;
	(pc) =	sbr.abs _section_cstart, $3  }
0xc6: {  	[dreg:$0x1] =	wrdreg $0xFFFFFFFF  }
0xc7: {  	_ =	task.clear_ibuf [dreg:s7], $0x2FFFF;
	_ =	strace $0x9FFFFFFF  }
0xc8: {  	(tm) =	ssettm $0x7FFFFFFF  }
0xc9: {  	_ =	shalt  }
tec
execute0_lowered:
.L_overlay_start_1:
0x0: {  	(tag) =	ssettag $0x1  }
0x1: {  	s0 =	rddreg [dreg:$0x0];
	s1 =	srdreg.scid  }
0x2: {  	s2 =	stileid.u32;
	s3 =	simm.s32 $0x0;
	s18 =	simm.s32 $0x10400  }
0x3: {  	s20 =	simm.s32 $0x12C00;
	s28 =	simm.s32 $0x4280;
	s29 =	simm.s32 $0x10280  }
0x4: {  	s30 =	simm.s32 $0x1;
	s31 =	simm.s32 $0x2;
	s21 =	simm.s32 $0x3  }
0x5: {  	s1 =	sand.u32 $0x1, s1;
	s2 =	sshll.u32 s2, $0x1;
	[smem:$0x7FF] =	sst s3  }
0x6: {  	s4 =	sadd.s32 $0x53A00, s0;
	s5 =	sadd.s32 $0x2BA00, s0;
	s7 =	sadd.s32 $0x7C000, s0  }
0x7: {  	s8 =	sadd.s32 $0x7BA00, s0;
	s9 =	sadd.s32 $0x7C600, s0;
	s2 =	sor.u32 s1, s2  }
0x8: {  	_ =	strace $0x80000047;
	[dreg:$0x3] =	wrdreg s7;
	s6 =	smul.u32 $0x1480, s2  }
0x9: {  	s14 =	sadd.s32 $0x2A40, s0;
	[dreg:$0x4] =	wrdreg s8;
	s22 =	smul.u32 $0x500, s2  }
0xa: {  	[dreg:$0x5] =	wrdreg s9;
	s1 =	ssub.s32 $0x2, s1;
	s23 =	smul.u32 $0x7B00, s2  }
0xb: {  	s9 =	sadd.s32 $0x7C800, s0;
	s10 =	sshrl.u32 s1, $0x1;
	s15 =	smul.u32 $0x2880, s2  }
0xc: {  	s1 =	ssub.s32 s1, s10;
	s10 =	smul.u32 $0xA4, s2;
	s2 =	simm.s32 $0xA280  }
0xd: {  	v4 =	vlaneseq.u32;
	s6 =	sadd.s32 s6, s0;
	s7 =	sadd.s32 s22, s0;
	s8 =	sshrl.u32 s23, $0x3  }
0xe: {  	v0 =	vmul.u32 $0x80, v4;
	s26 =	smax.u32 s1, $0x1;
	s23 =	simm.s32 $0x100;
	s0 =	simm.s32 $0x2280  }
0xf: {  	v1 =	vimm.f32 $0.0e+00;
	s1 =	simm.s32 $0x140;
	s11 =	sadd.s32 $0x2A00, s6;
	[dreg:$0xa] =	wrdreg s26  }
0x10: {  	v15 =	vmul.u32 $0xFFFFFFFF, v4;
	v2 =	vor.u32 $0x2000, v0;
	v3 =	vor.u32 $0x4000, v0;
	s22 =	simm.s32 $0x16410;
	s6 =	sadd.s32 $0x2A20, s6;
	[dreg:$0x6] =	wrdreg s11  }
0x11: {  	v4 =	vor.u32 $0x800, v0;
	v5 =	vor.u32 $0x2800, v0;
	v6 =	vor.u32 $0x4800, v0;
	s8 =	sadd.s32 s9, s8;
	s25 =	sadd.s32 $0x9B400, s7;
	[dreg:$0x7] =	wrdreg s6  }
0x12: {  	v7 =	vadd.s32 $0x50900, v15;
	v8 =	vor.u32 $0x1000, v0;
	v9 =	vor.u32 $0x3000, v0;
	s26 =	simm.s32 $0xC0;
	s24 =	sadd.s32 $0xF30, s8;
	[dreg:$0x9] =	wrdreg s25  }
0x13: {  	v10 =	vor.u32 $0x5000, v0;
	v11 =	vadd.s32 $0x508F0, v15;
	v12 =	vor.u32 $0x1800, v0;
	s11 =	simm.s32 $0x4;
	s25 =	simm.s32 $0x280;
	s6 =	simm.s32 $0x10340  }
0x14: {  	v13 =	vor.u32 $0x3800, v0;
	v14 =	vor.u32 $0x5800, v0;
	v15 =	vadd.s32 $0x508E0, v15;
	s8 =	simm.s32 $0x0;
	[dreg:$0x8] =	wrdreg s24;
	s24 =	simm.s32 $0x40  }
.LBB2_1:
0x15: {  	[dreg:$0xb] =	wrdreg s8  }
0x16: {  	s7 =	rddreg [dreg:$0x3]  }
0x17: {  	[tilespmem:s18], [sflag:$0x4] =	stream.linear.gather [hbm4b:s7+s3], $0x2800, $0x38;
	[tilespmem:$0x18C10] =	vst v63  }
0x18: {  	_ =	swait.ge [sflag:s11], $0x2800  }
0x19: {  	[sflag:s11] =	ssyncset.done $0x0  }
0x1a: {  	s12 =	rddreg [dreg:$0x4];
	[sflag:s11] =	ssyncadd.s32 $0xFFFFD800  }
0x1b: {  	[tilespmem:s20], [sflag:$0x4] =	stream.linear.gather [hbm4b:s12+s3], $0x2800, $0x38;
	[tilespmem:$0x18C10] =	vst v63  }
0x1c: {  	_ =	swait.ge [sflag:s11], $0x2800  }
0x1d: {  	[sflag:s11] =	ssyncset.done $0x0  }
0x1e: {  	[sflag:s11] =	ssyncadd.s32 $0xFFFFD800  }
0x1f: {  	s16 =	simm.s32 $0x15400;
	s13 =	rddreg [dreg:$0x1]  }
0x20: {  	[tilespmem:s16], [sflag:$0x4] =	stream.linear.gather [hbm4b:s13+s3], $0x810, $0x38;
	[tilespmem:$0x18C10] =	vst v63  }
0x21: {  	_ =	swait.ge [sflag:s11], $0x810  }
0x22: {  	[sflag:s11] =	ssyncset.done $0x0  }
0x23: {  	s19 =	simm.s32 $0x15C10;
	s17 =	rddreg [dreg:$0x5];
	[sflag:s11] =	ssyncadd.s32 $0xFFFFF7F0  }
0x24: {  	[tilespmem:s19], [sflag:$0x4] =	stream.linear.gather [hbm4b:s17+s3], $0x800, $0x38;
	[tilespmem:$0x18C10] =	vst v63  }
0x25: {  	_ =	swait.ge [sflag:s11], $0x800  }
0x26: {  	[sflag:s11] =	ssyncset.done $0x0  }
0x27: {  	s8 =	simm.s32 $0x0;
	s7 =	simm.s32 $0x40;
	[sflag:s11] =	ssyncadd.s32 $0xFFFFF800  }
.LBB2_2:
0x28: {  	p0 =	sne.s32 s7, $0x9FC0;
	[tilespmem:s8+$0x16410] =	vst v1;
	s8 =	smov.u32 s7;
	s7 =	sadd.s32 $0x40, s7  }
.Ltmp0:
0x29: {  	(pc) =	sbr.rel @p0 .LBB2_2-.Ltmp0, $2  }
0x2a: {  	_ =	sdelay $0x2  }
0x2b: {  	s8 =	sshra.s32 s8, $0x2  }
0x2c: {  	[tilespmem:s8+$0x16410] =	vst v1;
	s8 =	simm.s32 $0x0;
	s7 =	rddreg [dreg:$0x6]  }
0x2d: {  	[tilespmem:s8], [sflag:$0x4] =	stream.linear.gather [hbm4b:s7+s8], $0x100, $0x38;
	[tilespmem:$0x18C10] =	vst v63  }
0x2e: {  	_ =	swait.ge [sflag:s11], $0x100  }
0x2f: {  	[sflag:s11] =	ssyncset.done $0x0  }
0x30: {  	s17 =	rddreg [dreg:$0x7];
	[sflag:s11] =	ssyncadd.s32 $0xFFFFFF00  }
0x31: {  	[tilespmem:s23], [sflag:$0x2] =	stream.linear.gather [hbm4b:s17+s8], $0x100, $0x38;
	[tilespmem:$0x18C10] =	vst v63  }
0x32: {  	_ = 	snop  }
0x33: {  	[tilespmem:s25], [sflag:$0x1] =	stream.indirect.gather [hbm4b:s4+s24], $0x80, s8, s24, $0xb8;
	[tilespmem:$0x18C10] =	vst v63  }
0x34: {  	_ = 	snop  }
0x35: {  	[tilespmem:s28], [sflag:$0x1] =	stream.indirect.gather [hbm4b:s5+s26], $0x80, s24, s26, $0xb8;
	[tilespmem:$0x18C10] =	vst v63  }
0x36: {  	s19 =	rddreg [dreg:$0x8];
	s11 =	simm.s32 $0x0  }
0x37: {  	[hbm4b:s19+s8] =	stream.linear.scatter [tilespmem:s29], [sflag:$0x3], $0xC0, $0x38;
	[tilespmem:$0x18C10] =	vst v63  }
.LBB2_4:
0x38: {  	_ =	swait.ge [sflag:s30], $0x2000  }
0x39: {  	[sflag:s30] =	ssyncset.done $0x0  }
0x3a: {  	[sflag:s30] =	ssyncadd.s32 $0xFFFFE000  }
0x3b: {  	_ =	swait.ge [sflag:s30], $0x6000  }
0x3c: {  	[sflag:s30] =	ssyncset.done $0x0  }
0x3d: {  	[sflag:s30] =	ssyncadd.s32 $0xFFFFA000  }
0x3e: {  	v16 =	vld [tilespmem:$0x0]  }
0x3f: {  	v17 =	vld [tilespmem:$0x10]  }
0x40: {  	v18 =	vld [tilespmem:$0x20]  }
0x41: {  	v19 =	vld [tilespmem:$0x30]  }
0x42: {  	v20 =	vld [tilespmem:$0x40]  }
0x43: {  	[tilespmem:$0x200] =	vst v16;
	v16 =	vld [tilespmem:$0x50]  }
0x44: {  	[tilespmem:$0x210] =	vst v17;
	v17 =	vld [tilespmem:$0x60]  }
0x45: {  	[tilespmem:$0x220] =	vst v18;
	v18 =	vld [tilespmem:$0x70]  }
0x46: {  	[tilespmem:$0x230] =	vst v19  }
0x47: {  	s12 =	sshll.u32 s11, $0x1;
	[tilespmem:$0x240] =	vst v20  }
0x48: {  	s13 =	sadd.s32 s10, s12;
	[tilespmem:$0x250] =	vst v16  }
0x49: {  	s7 =	sshll.u32 s13, $0x5;
	[tilespmem:$0x260] =	vst v17  }
0x4a: {  	s7 =	sadd.s32 s7, s14;
	[tilespmem:$0x270] =	vst v18  }
0x4b: {  	[tilespmem:s8], [sflag:$0x2] =	stream.linear.gather [hbm4b:s7+s8], $0x100, $0x38;
	[tilespmem:$0x18C10] =	vst v63  }
0x4c: {  	_ =	swait.ge [sflag:s31], $0x100  }
0x4d: {  	[sflag:s31] =	ssyncset.done $0x0  }
0x4e: {  	[sflag:s31] =	ssyncadd.s32 $0xFFFFFF00  }
0x4f: {  	[tilespmem:s0], [sflag:$0x1] =	stream.indirect.gather [hbm4b:s4+s24], $0x80, s23, s24, $0xb8;
	[tilespmem:$0x18C10] =	vst v63  }
0x50: {  	_ = 	snop  }
0x51: {  	[tilespmem:s2], [sflag:$0x1] =	stream.indirect.gather [hbm4b:s5+s26], $0x80, s1, s26, $0xb8;
	[tilespmem:$0x18C10] =	vst v63  }
0x52: {  	_ =	swait.ge [sflag:s21], $0xC0  }
0x53: {  	[sflag:s21] =	ssyncset.done $0x0  }
0x54: {  	s16 =	simm.s32 $0x0;
	[sflag:s21] =	ssyncadd.s32 $0xFFFFFF40  }
0x55: {  	v16 =	vld [tilespmem:s16+$0x15C10];
	_ =	sdelay $0x2  }
0x56: {  	s19 =	simm.s32 $0x10  }
0x57: {  	v19 =	vld [tilespmem:s19+$0x15C10]  }
0x58: {  	v17 =	vadd.s32 v0, v16  }
0x59: {  	v18 =	vadd.s32 v3, v16;
	_ =	sdelay $0x1  }
0x5a: {  	s17 =	simm.s32 $0x20;
	v16 =	vadd.s32 v2, v16  }
0x5b: {  	v24 =	vld [tilespmem:s17+$0x15C10];
	v21 =	vadd.s32 v0, v19  }
0x5c: {  	v23 =	vadd.s32 v3, v19;
	v20 =	vld.idx.msk [tilespmem:v17+s25+$0x0], $0xffff  }
0x5d: {  	v18 =	vld.idx.msk [tilespmem:v18+s28+$0x0], $0xffff  }
0x5e: {  	v22 =	vld.idx.msk [tilespmem:v17+s28+$0x0], $0xffff  }
0x5f: {  	v16 =	vld.idx.msk [tilespmem:v16+s28+$0x0], $0xffff  }
0x60: {  	v30 =	vld.idx.msk [tilespmem:v21+s25+$0x0], $0xffff  }
0x61: {  	v25 =	vld.idx.msk [tilespmem:v23+s28+$0x0], $0xffff  }
0x62: {  	v19 =	vadd.s32 v2, v19;
	v28 =	vld.idx.msk [tilespmem:v21+s28+$0x0], $0xffff;
	_ =	sdelay $0x1  }
0x63: {  	v26 =	vld [tilespmem:s16+$0x15400];
	s16 =	simm.s32 $0x30;
	v27 =	vadd.s32 v0, v24;
	v29 =	vadd.s32 v3, v24  }
0x64: {  	v32 =	vld [tilespmem:s16+$0x15C10];
	v33 =	vadd.s32 v2, v24;
	v18 =	vadd.f32 v18, v20;
	v22 =	vadd.f32 v22, v20  }
0x65: {  	v17 =	vimm.f32 $0.0e+00;
	v20 =	vadd.f32 v16, v20;
	v35 =	vadd.f32 v25, v30  }
0x66: {  	v34 =	vld.idx.msk [tilespmem:v19+s28+$0x0], $0xffff;
	v31 =	vadd.f32 v28, v30;
	v21 =	vmul.f32 $2.000000030e-01, v18;
	vm0 =	vgt.f32 v18, $0.0e+00  }
0x67: {  	v23 =	vld [tilespmem:s19+$0x15400];
	v24 =	vmul.f32 $2.000000030e-01, v22;
	v19 =	vmul.f32 $2.000000030e-01, v20;
	vm1 =	vgt.f32 v20, $0.0e+00  }
0x68: {  	v16 =	vld [tilespmem:$0x15C00];
	v36 =	vmul.f32 $2.000000030e-01, v35;
	v18 =	vsel vm0, v18, v21;
	vm0 =	vgt.f32 v22, $0.0e+00  }
0x69: {  	v25 =	vld.idx.msk [tilespmem:v29+s28+$0x0], $0xffff;
	v19 =	vsel vm1, v20, v19;
	v20 =	vadd.s32 v0, v32;
	vm1 =	vgt.f32 v35, $0.0e+00  }
0x6a: {  	v21 =	vmul.f32 v18, v26;
	v22 =	vsel vm0, v22, v24;
	v18 =	vld.idx.msk [tilespmem:v27+s25+$0x0], $0xffff;
	v28 =	vmul.f32 v19, v26  }
0x6b: {  	v19 =	vadd.s32 v2, v32;
	v24 =	vld.idx.msk [tilespmem:v27+s28+$0x0], $0xffff;
	v27 =	vadd.s32 v3, v32;
	v32 =	vadd.f32 v34, v30  }
0x6c: {  	s7 =	simm.s32 $0x40;
	vm0 =	vgt.f32 v31, $0.0e+00;
	v34 =	vsel vm1, v35, v36;
	v29 =	vmul.f32 v26, v22;
	v22 =	vld.idx.msk [tilespmem:v33+s28+$0x0], $0xffff  }
0x6d: {  	s19 =	simm.s32 $0x140;
	v30 =	vimm.f32 $0.0e+00;
	v26 =	vld [tilespmem:s7+$0x15C10];
	v33 =	vmul.f32 $2.000000030e-01, v31;
	v21 =	vadd.f32 v21, v17  }
.LBB2_5:
0x6e: {  	p0 =	sne.s32 s19, $0x1FC0;
	vm1 =	vgt.f32 v32, $0.0e+00;
	v35 =	vmul.f32 $2.000000030e-01, v32;
	v34 =	vmul.f32 v34, v23  }
0x6f: {  	v17 =	vadd.f32 v29, v17;
	v30 =	vadd.f32 v28, v30;
	v37 =	vmovc v18;
	v36 =	vld [tilespmem:s17+$0x15400];
	v33 =	vsel vm0, v31, v33;
	s17 =	smov.u32 s16;
	s16 =	smov.u32 s7  }
.Ltmp1:
0x70: {  	v38 =	vadd.f32 v25, v37;
	v18 =	vld.idx.msk [tilespmem:v20+s25+$0x0], $0xffff;
	v28 =	vsel vm1, v32, v35;
	v21 =	vadd.f32 v34, v21;
	(pc) =	sbr.rel @p0 .LBB2_5-.Ltmp1, $4  }
0x71: {  	v31 =	vadd.f32 v24, v37;
	v29 =	vmul.f32 v23, v33;
	v25 =	vld.idx.msk [tilespmem:v27+s28+$0x0], $0xffff;
	v28 =	vmul.f32 v28, v23  }
0x72: {  	v34 =	vmul.f32 $2.000000030e-01, v38;
	v35 =	vadd.s32 v2, v26;
	v24 =	vld.idx.msk [tilespmem:v20+s28+$0x0], $0xffff;
	v20 =	vadd.s32 v0, v26  }
0x73: {  	s7 =	sshra.s32 s19, $0x2;
	v32 =	vadd.f32 v22, v37;
	vm1 =	vgt.f32 v38, $0.0e+00;
	v27 =	vadd.s32 v3, v26;
	v22 =	vld.idx.msk [tilespmem:v19+s28+$0x0], $0xffff;
	v19 =	vmovc v35  }
0x74: {  	s19 =	sadd.s32 $0x40, s19;
	vm0 =	vgt.f32 v31, $0.0e+00;
	v33 =	vmul.f32 $2.000000030e-01, v31;
	v34 =	vsel vm1, v38, v34;
	v26 =	vld [tilespmem:s7+$0x15C10];
	v23 =	vmovc v36  }
0x75: {  	v35 =	vld [tilespmem:$0x200]  }
0x76: {  	v36 =	vld [tilespmem:$0x240];
	_ =	sdelay $0x6  }
0x77: {  	v37 =	vld.idx.msk [tilespmem:v35+s18+$0x0], $0xffff  }
0x78: {  	v36 =	vld.idx.msk [tilespmem:v36+s20+$0x0], $0xffff;
	_ =	sdelay $0x4  }
0x79: {  	v36 =	vadd.f32 v36, v37;
	_ =	sdelay $0x1  }
0x7a: {  	vm1 =	vgt.f32 v32, $0.0e+00;
	v53 =	vld.idx.msk [tilespmem:v20+s25+$0x0], $0xffff;
	v36 =	vsub.f32 $0.0e+00, v36  }
0x7b: {  	v51 =	vmul.f32 $2.000000030e-01, v32;
	v34 =	vmul.f32 v34, v23;
	v17 =	vadd.f32 v29, v17;
	v20 =	vld.idx.msk [tilespmem:v20+s28+$0x0], $0xffff  }
0x7c: {  	v28 =	vadd.f32 v28, v30;
	v31 =	vsel vm0, v31, v33;
	v29 =	vmul.f32 $1.442695020e+00, v36  }
0x7d: {  	v19 =	vld.idx.msk [tilespmem:v19+s28+$0x0], $0xffff;
	v25 =	vadd.f32 v25, v18;
	v30 =	vsel vm1, v32, v51;
	v54 =	vadd.s32 v0, v26  }
0x7e: {  	v27 =	vld.idx.msk [tilespmem:v27+s28+$0x0], $0xffff;
	v21 =	vadd.f32 v34, v21;
	v24 =	vadd.f32 v24, v18;
	(erf) = vpow2.f32 v29  }
0x7f: {  	v18 =	vadd.f32 v22, v18;
	vm0 =	vgt.f32 v25, $0.0e+00;
	v22 =	vadd.s32 v3, v26  }
0x80: {  	vm1 =	vgt.f32 v24, $0.0e+00;
	v20 =	vadd.f32 v20, v53;
	v29 =	vmul.f32 v23, v31  }
0x81: {  	v52 =	vld [tilespmem:s17+$0x15400];
	v23 =	vmul.f32 v30, v23;
	v30 =	vadd.s32 v2, v26;
	v26 =	vmul.f32 $2.000000030e-01, v24  }
0x82: {  	v19 =	vadd.f32 v19, v53;
	v31 =	vmul.f32 $2.000000030e-01, v25;
	v17 =	vadd.f32 v29, v17;
	v29 =	vld.idx.msk [tilespmem:v54+s25+$0x0], $0xffff  }
0x83: {  	v55 =	vmul.f32 $2.000000030e-01, v20;
	v24 =	vsel vm1, v24, v26;
	v26 =	vadd.f32 v27, v53;
	v27 =	vld.idx.msk [tilespmem:v54+s28+$0x0], $0xffff  }
0x84: {  	v57 =	vmul.f32 $2.000000030e-01, v19;
	v25 =	vsel vm0, v25, v31;
	v31 =	vmul.f32 $2.000000030e-01, v18  }
0x85: {  	v22 =	vld.idx.msk [tilespmem:v22+s28+$0x0], $0xffff;
	vm0 =	vgt.f32 v18, $0.0e+00;
	v23 =	vadd.f32 v23, v28;
	vm1 =	vgt.f32 v20, $0.0e+00  }
0x86: {  	v24 =	vmul.f32 v52, v24;
	v18 =	vsel vm0, v18, v31;
	v28 =	vmul.f32 $2.000000030e-01, v26;
	v31 =	vld [tilespmem:s16+$0x15400]  }
0x87: {  	v58 =	vld [tilespmem:s7+$0x15400];
	v20 =	vsel vm1, v20, v55;
	vm0 =	vgt.f32 v26, $0.0e+00;
	v18 =	vmul.f32 v18, v52;
	v56 =	vpop (erf)  }
0x88: {  	v30 =	vld.idx.msk [tilespmem:v30+s28+$0x0], $0xffff;
	v26 =	vsel vm0, v26, v28;
	v27 =	vadd.f32 v27, v29;
	v28 =	vadd.f32 $1.000000000e+00, v56  }
0x89: {  	v17 =	vadd.f32 v24, v17;
	vm0 =	vgt.f32 v19, $0.0e+00;
	v18 =	vadd.f32 v18, v23  }
0x8a: {  	v22 =	vadd.f32 v22, v29;
	v23 =	vmul.f32 $2.000000030e-01, v27;
	(erf) = vrcp.f32 v28  }
0x8b: {  	v19 =	vsel vm0, v19, v57;
	v20 =	vmul.f32 v31, v20;
	vm0 =	vgt.f32 v27, $0.0e+00  }
0x8c: {  	s19 =	sshll.u32 s11, $0x7;
	v24 =	vmul.f32 $2.000000030e-01, v22;
	v23 =	vsel vm0, v27, v23;
	vm0 =	vgt.f32 v22, $0.0e+00  }
0x8d: {  	s7 =	sadd.s32 s15, s19;
	v20 =	vadd.f32 v20, v17;
	v28 =	vadd.f32 v30, v29;
	v23 =	vmul.f32 v58, v23  }
0x8e: {  	v25 =	vmul.f32 v25, v52;
	v17 =	vmov s7;
	v22 =	vsel vm0, v22, v24  }
0x8f: {  	v24 =	vmul.f32 $2.000000030e-01, v28;
	v20 =	vadd.f32 v23, v20;
	v23 =	vmul.f32 v26, v31  }
0x90: {  	v19 =	vmul.f32 v19, v31;
	vm1 =	vlt.u32 v17, $0x50910;
	vm0 =	vgt.f32 v28, $0.0e+00  }
0x91: {  	v21 =	vadd.f32 v25, v21;
	v24 =	vsel vm0, v28, v24  }
0x92: {  	v18 =	vadd.f32 v19, v18;
	v20 =	vadd.f32 v20, v16;
	v19 =	vmul.f32 v24, v58  }
0x93: {  	v22 =	vmul.f32 v22, v58;
	v21 =	vadd.f32 v23, v21;
	v23 =	vpop (erf)  }
0x94: {  	v18 =	vadd.f32 v19, v18;
	v19 =	vmul.f32 v23, v20  }
0x95: {  	v21 =	vadd.f32 v22, v21  }
0x96: {  	v18 =	vadd.f32 v18, v16;
	[tilespmem:v35+s22+$0x0] =	vst.idx.add.f32.msk vm1, v19  }
0x97: {  	v19 =	vadd.f32 v21, v16;
	[tilespmem:$0x10280] =	vst v20  }
0x98: {  	[tilespmem:$0x102C0] =	vst v18  }
0x99: {  	s16 =	simm.s32 $0x0;
	[tilespmem:$0x10300] =	vst v19  }
0x9a: {  	v18 =	vld [tilespmem:s16+$0x15C10];
	_ =	sdelay $0x2  }
0x9b: {  	s19 =	simm.s32 $0x10  }
0x9c: {  	v21 =	vld [tilespmem:s19+$0x15C10]  }
0x9d: {  	v19 =	vadd.s32 v4, v18  }
0x9e: {  	s17 =	simm.s32 $0x20;
	v20 =	vadd.s32 v6, v18  }
0x9f: {  	v25 =	vld [tilespmem:s17+$0x15C10]  }
0xa0: {  	v27 =	vld [tilespmem:s16+$0x15400];
	s16 =	simm.s32 $0x30;
	v18 =	vadd.s32 v5, v18  }
0xa1: {  	v60 =	vld [tilespmem:s16+$0x15C10];
	v23 =	vadd.s32 v4, v21  }
0xa2: {  	v24 =	vadd.s32 v6, v21;
	v22 =	vld.idx.msk [tilespmem:v19+s25+$0x0], $0xffff  }
0xa3: {  	v20 =	vld.idx.msk [tilespmem:v20+s28+$0x0], $0xffff  }
0xa4: {  	v21 =	vadd.s32 v5, v21;
	v19 =	vld.idx.msk [tilespmem:v19+s28+$0x0], $0xffff  }
0xa5: {  	v26 =	vld.idx.msk [tilespmem:v18+s28+$0x0], $0xffff  }
0xa6: {  	v31 =	vld.idx.msk [tilespmem:v23+s25+$0x0], $0xffff  }
0xa7: {  	v28 =	vld.idx.msk [tilespmem:v24+s28+$0x0], $0xffff  }
0xa8: {  	v23 =	vld.idx.msk [tilespmem:v23+s28+$0x0], $0xffff  }
0xa9: {  	v62 =	vld.idx.msk [tilespmem:v21+s28+$0x0], $0xffff;
	_ =	sdelay $0x1  }
0xaa: {  	v59 =	vadd.s32 v4, v25;
	v30 =	vadd.s32 v6, v25  }
0xab: {  	v61 =	vadd.s32 v5, v25;
	v20 =	vadd.f32 v20, v22;
	v19 =	vadd.f32 v19, v22  }
0xac: {  	v18 =	vimm.f32 $0.0e+00;
	v22 =	vadd.f32 v26, v22;
	v63 =	vadd.f32 v28, v31  }
0xad: {  	v29 =	vadd.f32 v23, v31;
	v28 =	vadd.s32 v6, v60;
	v33 =	vadd.f32 v62, v31  }
0xae: {  	v31 =	vimm.f32 $0.0e+00;
	v24 =	vmul.f32 $2.000000030e-01, v20;
	vm0 =	vgt.f32 v20, $0.0e+00  }
0xaf: {  	v26 =	vld.idx.msk [tilespmem:v30+s28+$0x0], $0xffff;
	v25 =	vmul.f32 $2.000000030e-01, v19;
	v21 =	vmul.f32 $2.000000030e-01, v22;
	vm1 =	vgt.f32 v22, $0.0e+00  }
0xb0: {  	v38 =	vmul.f32 $2.000000030e-01, v63;
	v20 =	vsel vm0, v20, v24;
	vm0 =	vgt.f32 v19, $0.0e+00;
	v24 =	vld [tilespmem:s19+$0x15400]  }
0xb1: {  	v34 =	vmul.f32 $2.000000030e-01, v29;
	v21 =	vsel vm1, v22, v21;
	v25 =	vsel vm0, v19, v25;
	v19 =	vld.idx.msk [tilespmem:v59+s25+$0x0], $0xffff  }
0xb2: {  	v23 =	vld.idx.msk [tilespmem:v61+s28+$0x0], $0xffff;
	v20 =	vmul.f32 v20, v27;
	v30 =	vmul.f32 v21, v27;
	v21 =	vadd.s32 v4, v60  }
0xb3: {  	s7 =	simm.s32 $0x40;
	vm1 =	vgt.f32 v63, $0.0e+00;
	vm0 =	vgt.f32 v29, $0.0e+00;
	v32 =	vmul.f32 v27, v25;
	v25 =	vld.idx.msk [tilespmem:v59+s28+$0x0], $0xffff  }
0xb4: {  	s19 =	simm.s32 $0x140;
	v35 =	vsel vm1, v63, v38;
	v27 =	vld [tilespmem:s7+$0x15C10];
	v22 =	vadd.f32 v20, v18;
	v20 =	vadd.s32 v5, v60  }
.LBB2_7:
0xb5: {  	p0 =	sne.s32 s19, $0x1FC0;
	vm1 =	vgt.f32 v33, $0.0e+00;
	v36 =	vmul.f32 $2.000000030e-01, v33;
	v35 =	vmul.f32 v35, v24  }
0xb6: {  	v18 =	vadd.f32 v32, v18;
	v31 =	vadd.f32 v30, v31;
	v38 =	vmovc v19;
	v37 =	vld [tilespmem:s17+$0x15400];
	v34 =	vsel vm0, v29, v34;
	s17 =	smov.u32 s16;
	s16 =	smov.u32 s7  }
.Ltmp2:
0xb7: {  	v39 =	vadd.f32 v26, v38;
	v19 =	vld.idx.msk [tilespmem:v21+s25+$0x0], $0xffff;
	v30 =	vsel vm1, v33, v36;
	v22 =	vadd.f32 v35, v22;
	(pc) =	sbr.rel @p0 .LBB2_7-.Ltmp2, $4  }
0xb8: {  	v29 =	vadd.f32 v25, v38;
	v32 =	vmul.f32 v24, v34;
	v26 =	vld.idx.msk [tilespmem:v28+s28+$0x0], $0xffff;
	v30 =	vmul.f32 v30, v24  }
0xb9: {  	v35 =	vmul.f32 $2.000000030e-01, v39;
	v36 =	vadd.s32 v5, v27;
	v25 =	vld.idx.msk [tilespmem:v21+s28+$0x0], $0xffff;
	v21 =	vadd.s32 v4, v27  }
0xba: {  	s7 =	sshra.s32 s19, $0x2;
	v33 =	vadd.f32 v23, v38;
	vm1 =	vgt.f32 v39, $0.0e+00;
	v28 =	vadd.s32 v6, v27;
	v23 =	vld.idx.msk [tilespmem:v20+s28+$0x0], $0xffff;
	v20 =	vmovc v36  }
0xbb: {  	s19 =	sadd.s32 $0x40, s19;
	vm0 =	vgt.f32 v29, $0.0e+00;
	v34 =	vmul.f32 $2.000000030e-01, v29;
	v35 =	vsel vm1, v39, v35;
	v27 =	vld [tilespmem:s7+$0x15C10];
	v24 =	vmovc v37  }
0xbc: {  	v36 =	vld [tilespmem:$0x210]  }
0xbd: {  	v37 =	vld [tilespmem:$0x250];
	_ =	sdelay $0x6  }
0xbe: {  	v38 =	vld.idx.msk [tilespmem:v36+s18+$0x0], $0xffff  }
0xbf: {  	v37 =	vld.idx.msk [tilespmem:v37+s20+$0x0], $0xffff;
	_ =	sdelay $0x4  }
0xc0: {  	v37 =	vadd.f32 v37, v38;
	_ =	sdelay $0x1  }
0xc1: {  	v37 =	vsub.f32 $0.0e+00, v37  }
0xc2: {  	v18 =	vadd.f32 v32, v18;
	v50 =	vmul.f32 $2.000000030e-01, v33  }
0xc3: {  	vm1 =	vgt.f32 v33, $0.0e+00;
	v35 =	vmul.f32 v35, v24;
	v51 =	vld [tilespmem:s17+$0x15400];
	v37 =	vmul.f32 $1.442695020e+00, v37  }
0xc4: {  	v30 =	vadd.f32 v30, v31;
	v31 =	vld.idx.msk [tilespmem:v21+s25+$0x0], $0xffff;
	v29 =	vsel vm0, v29, v34;
	v26 =	vadd.f32 v26, v19  }
0xc5: {  	v28 =	vld.idx.msk [tilespmem:v28+s28+$0x0], $0xffff;
	v32 =	vsel vm1, v33, v50;
	v52 =	vadd.s32 v4, v27;
	(erf) = vpow2.f32 v37  }
0xc6: {  	v21 =	vld.idx.msk [tilespmem:v21+s28+$0x0], $0xffff;
	v22 =	vadd.f32 v35, v22;
	v25 =	vadd.f32 v25, v19;
	v29 =	vmul.f32 v24, v29  }
0xc7: {  	v20 =	vld.idx.msk [tilespmem:v20+s28+$0x0], $0xffff;
	v24 =	vmul.f32 v32, v24;
	v54 =	vmul.f32 $2.000000030e-01, v26;
	v19 =	vadd.f32 v23, v19  }
0xc8: {  	vm0 =	vgt.f32 v26, $0.0e+00;
	v53 =	vadd.s32 v5, v27;
	v27 =	vadd.s32 v6, v27  }
0xc9: {  	vm1 =	vgt.f32 v25, $0.0e+00;
	v23 =	vmul.f32 $2.000000030e-01, v25;
	v18 =	vadd.f32 v29, v18  }
0xca: {  	v26 =	vsel vm0, v26, v54;
	vm0 =	vgt.f32 v19, $0.0e+00;
	v55 =	vmul.f32 $2.000000030e-01, v19;
	v56 =	vld.idx.msk [tilespmem:v52+s25+$0x0], $0xffff  }
0xcb: {  	v21 =	vadd.f32 v21, v31;
	v23 =	vsel vm1, v25, v23;
	v25 =	vadd.f32 v28, v31;
	v28 =	vld.idx.msk [tilespmem:v52+s28+$0x0], $0xffff  }
0xcc: {  	v24 =	vadd.f32 v24, v30;
	v20 =	vadd.f32 v20, v31;
	v26 =	vmul.f32 v26, v51  }
0xcd: {  	v30 =	vld [tilespmem:s16+$0x15400];
	v19 =	vsel vm0, v19, v55;
	v23 =	vmul.f32 v51, v23;
	v29 =	vmul.f32 $2.000000030e-01, v25  }
0xce: {  	vm1 =	vgt.f32 v21, $0.0e+00;
	v57 =	vmul.f32 $2.000000030e-01, v21;
	vm0 =	vgt.f32 v25, $0.0e+00;
	v27 =	vld.idx.msk [tilespmem:v27+s28+$0x0], $0xffff;
	v31 =	vpop (erf)  }
0xcf: {  	v19 =	vmul.f32 v19, v51;
	v32 =	vld.idx.msk [tilespmem:v53+s28+$0x0], $0xffff;
	v25 =	vsel vm0, v25, v29;
	v29 =	vadd.f32 $1.000000000e+00, v31  }
0xd0: {  	v58 =	vld [tilespmem:s7+$0x15400];
	v21 =	vsel vm1, v21, v57;
	v18 =	vadd.f32 v23, v18;
	v28 =	vadd.f32 v28, v56  }
0xd1: {  	vm0 =	vgt.f32 v20, $0.0e+00;
	v31 =	vmul.f32 $2.000000030e-01, v20;
	(erf) = vrcp.f32 v29  }
0xd2: {  	v19 =	vadd.f32 v19, v24;
	v21 =	vmul.f32 v30, v21;
	v24 =	vmul.f32 $2.000000030e-01, v28  }
0xd3: {  	v23 =	vadd.f32 v27, v56;
	v20 =	vsel vm0, v20, v31;
	vm0 =	vgt.f32 v28, $0.0e+00  }
0xd4: {  	vm1 =	vlt.u32 v17, v7;
	v29 =	vadd.f32 v32, v56;
	v24 =	vsel vm0, v28, v24  }
0xd5: {  	v18 =	vadd.f32 v21, v18;
	v27 =	vmul.f32 $2.000000030e-01, v23;
	v21 =	vmul.f32 v58, v24  }
0xd6: {  	vm0 =	vgt.f32 v23, $0.0e+00;
	v20 =	vmul.f32 v20, v30;
	v24 =	vmul.f32 $2.000000030e-01, v29  }
0xd7: {  	v23 =	vsel vm0, v23, v27;
	vm0 =	vgt.f32 v29, $0.0e+00;
	v18 =	vadd.f32 v21, v18  }
0xd8: {  	v21 =	vadd.f32 v26, v22;
	v22 =	vmul.f32 v25, v30;
	v24 =	vsel vm0, v29, v24  }
0xd9: {  	v19 =	vadd.f32 v20, v19;
	v20 =	vmul.f32 v24, v58;
	v18 =	vadd.f32 v18, v16  }
0xda: {  	v21 =	vadd.f32 v22, v21;
	v22 =	vmul.f32 v23, v58;
	v23 =	vpop (erf)  }
0xdb: {  	v19 =	vadd.f32 v20, v19;
	v20 =	vmul.f32 v23, v18  }
0xdc: {  	v21 =	vadd.f32 v22, v21  }
0xdd: {  	v19 =	vadd.f32 v19, v16;
	[tilespmem:v36+s22+$0x0] =	vst.idx.add.f32.msk vm1, v20  }
0xde: {  	v20 =	vadd.f32 v21, v16;
	[tilespmem:$0x10290] =	vst v18  }
0xdf: {  	[tilespmem:$0x102D0] =	vst v19  }
0xe0: {  	s16 =	simm.s32 $0x0;
	[tilespmem:$0x10310] =	vst v20  }
0xe1: {  	v18 =	vld [tilespmem:s16+$0x15C10];
	_ =	sdelay $0x2  }
0xe2: {  	s19 =	simm.s32 $0x10  }
0xe3: {  	v21 =	vld [tilespmem:s19+$0x15C10]  }
0xe4: {  	v19 =	vadd.s32 v8, v18  }
0xe5: {  	s17 =	simm.s32 $0x20;
	v20 =	vadd.s32 v10, v18  }
0xe6: {  	v25 =	vld [tilespmem:s17+$0x15C10]  }
0xe7: {  	v27 =	vld [tilespmem:s16+$0x15400];
	s16 =	simm.s32 $0x30;
	v18 =	vadd.s32 v9, v18  }
0xe8: {  	v60 =	vld [tilespmem:s16+$0x15C10];
	v23 =	vadd.s32 v8, v21  }
0xe9: {  	v24 =	vadd.s32 v10, v21;
	v22 =	vld.idx.msk [tilespmem:v19+s25+$0x0], $0xffff  }
0xea: {  	v20 =	vld.idx.msk [tilespmem:v20+s28+$0x0], $0xffff  }
0xeb: {  	v21 =	vadd.s32 v9, v21;
	v19 =	vld.idx.msk [tilespmem:v19+s28+$0x0], $0xffff  }
0xec: {  	v26 =	vld.idx.msk [tilespmem:v18+s28+$0x0], $0xffff  }
0xed: {  	v31 =	vld.idx.msk [tilespmem:v23+s25+$0x0], $0xffff  }
0xee: {  	v28 =	vld.idx.msk [tilespmem:v24+s28+$0x0], $0xffff  }
0xef: {  	v23 =	vld.idx.msk [tilespmem:v23+s28+$0x0], $0xffff  }
0xf0: {  	v36 =	vld.idx.msk [tilespmem:v21+s28+$0x0], $0xffff;
	_ =	sdelay $0x1  }
0xf1: {  	v59 =	vadd.s32 v8, v25;
	v30 =	vadd.s32 v10, v25  }
0xf2: {  	v61 =	vadd.s32 v9, v25;
	v20 =	vadd.f32 v20, v22;
	v19 =	vadd.f32 v19, v22  }
0xf3: {  	v18 =	vimm.f32 $0.0e+00;
	v22 =	vadd.f32 v26, v22;
	v62 =	vadd.f32 v28, v31  }
0xf4: {  	v29 =	vadd.f32 v23, v31;
	v28 =	vadd.s32 v10, v60;
	v33 =	vadd.f32 v36, v31  }
0xf5: {  	v31 =	vimm.f32 $0.0e+00;
	v24 =	vmul.f32 $2.000000030e-01, v20;
	vm0 =	vgt.f32 v20, $0.0e+00  }
0xf6: {  	v26 =	vld.idx.msk [tilespmem:v30+s28+$0x0], $0xffff;
	v25 =	vmul.f32 $2.000000030e-01, v19;
	v21 =	vmul.f32 $2.000000030e-01, v22;
	vm1 =	vgt.f32 v22, $0.0e+00  }
0xf7: {  	v63 =	vmul.f32 $2.000000030e-01, v62;
	v20 =	vsel vm0, v20, v24;
	vm0 =	vgt.f32 v19, $0.0e+00;
	v24 =	vld [tilespmem:s19+$0x15400]  }
0xf8: {  	v34 =	vmul.f32 $2.000000030e-01, v29;
	v21 =	vsel vm1, v22, v21;
	v25 =	vsel vm0, v19, v25;
	v19 =	vld.idx.msk [tilespmem:v59+s25+$0x0], $0xffff  }
0xf9: {  	v23 =	vld.idx.msk [tilespmem:v61+s28+$0x0], $0xffff;
	v20 =	vmul.f32 v20, v27;
	v30 =	vmul.f32 v21, v27;
	v21 =	vadd.s32 v8, v60  }
0xfa: {  	s7 =	simm.s32 $0x40;
	vm1 =	vgt.f32 v62, $0.0e+00;
	vm0 =	vgt.f32 v29, $0.0e+00;
	v32 =	vmul.f32 v27, v25;
	v25 =	vld.idx.msk [tilespmem:v59+s28+$0x0], $0xffff  }
0xfb: {  	s19 =	simm.s32 $0x140;
	v35 =	vsel vm1, v62, v63;
	v27 =	vld [tilespmem:s7+$0x15C10];
	v22 =	vadd.f32 v20, v18;
	v20 =	vadd.s32 v9, v60  }
.LBB2_9:
0xfc: {  	p0 =	sne.s32 s19, $0x1FC0;
	vm1 =	vgt.f32 v33, $0.0e+00;
	v36 =	vmul.f32 $2.000000030e-01, v33;
	v35 =	vmul.f32 v35, v24  }
0xfd: {  	v18 =	vadd.f32 v32, v18;
	v31 =	vadd.f32 v30, v31;
	v38 =	vmovc v19;
	v37 =	vld [tilespmem:s17+$0x15400];
	v34 =	vsel vm0, v29, v34;
	s17 =	smov.u32 s16;
	s16 =	smov.u32 s7  }
.Ltmp3:
0xfe: {  	v39 =	vadd.f32 v26, v38;
	v19 =	vld.idx.msk [tilespmem:v21+s25+$0x0], $0xffff;
	v30 =	vsel vm1, v33, v36;
	v22 =	vadd.f32 v35, v22;
	(pc) =	sbr.rel @p0 .LBB2_9-.Ltmp3, $4  }
0xff: {  	v29 =	vadd.f32 v25, v38;
	v32 =	vmul.f32 v24, v34;
	v26 =	vld.idx.msk [tilespmem:v28+s28+$0x0], $0xffff;
	v30 =	vmul.f32 v30, v24  }
0x100: {  	v35 =	vmul.f32 $2.000000030e-01, v39;
	v36 =	vadd.s32 v9, v27;
	v25 =	vld.idx.msk [tilespmem:v21+s28+$0x0], $0xffff;
	v21 =	vadd.s32 v8, v27  }
0x101: {  	s7 =	sshra.s32 s19, $0x2;
	v33 =	vadd.f32 v23, v38;
	vm1 =	vgt.f32 v39, $0.0e+00;
	v28 =	vadd.s32 v10, v27;
	v23 =	vld.idx.msk [tilespmem:v20+s28+$0x0], $0xffff;
	v20 =	vmovc v36  }
0x102: {  	s19 =	sadd.s32 $0x40, s19;
	vm0 =	vgt.f32 v29, $0.0e+00;
	v34 =	vmul.f32 $2.000000030e-01, v29;
	v35 =	vsel vm1, v39, v35;
	v27 =	vld [tilespmem:s7+$0x15C10];
	v24 =	vmovc v37  }
0x103: {  	v36 =	vld [tilespmem:$0x220]  }
0x104: {  	v37 =	vld [tilespmem:$0x260];
	_ =	sdelay $0x6  }
0x105: {  	v38 =	vld.idx.msk [tilespmem:v36+s18+$0x0], $0xffff  }
0x106: {  	v37 =	vld.idx.msk [tilespmem:v37+s20+$0x0], $0xffff;
	_ =	sdelay $0x4  }
0x107: {  	v37 =	vadd.f32 v37, v38;
	_ =	sdelay $0x1  }
0x108: {  	v37 =	vsub.f32 $0.0e+00, v37  }
0x109: {  	v18 =	vadd.f32 v32, v18;
	v50 =	vmul.f32 $2.000000030e-01, v33  }
0x10a: {  	vm1 =	vgt.f32 v33, $0.0e+00;
	v35 =	vmul.f32 v35, v24;
	v51 =	vld [tilespmem:s17+$0x15400];
	v37 =	vmul.f32 $1.442695020e+00, v37  }
0x10b: {  	v30 =	vadd.f32 v30, v31;
	v31 =	vld.idx.msk [tilespmem:v21+s25+$0x0], $0xffff;
	v29 =	vsel vm0, v29, v34;
	v26 =	vadd.f32 v26, v19  }
0x10c: {  	v28 =	vld.idx.msk [tilespmem:v28+s28+$0x0], $0xffff;
	v32 =	vsel vm1, v33, v50;
	v52 =	vadd.s32 v8, v27;
	(erf) = vpow2.f32 v37  }
0x10d: {  	v21 =	vld.idx.msk [tilespmem:v21+s28+$0x0], $0xffff;
	v22 =	vadd.f32 v35, v22;
	v25 =	vadd.f32 v25, v19;
	v29 =	vmul.f32 v24, v29  }
0x10e: {  	v20 =	vld.idx.msk [tilespmem:v20+s28+$0x0], $0xffff;
	v24 =	vmul.f32 v32, v24;
	v54 =	vmul.f32 $2.000000030e-01, v26;
	v19 =	vadd.f32 v23, v19  }
0x10f: {  	vm0 =	vgt.f32 v26, $0.0e+00;
	v53 =	vadd.s32 v9, v27;
	v27 =	vadd.s32 v10, v27  }
0x110: {  	vm1 =	vgt.f32 v25, $0.0e+00;
	v23 =	vmul.f32 $2.000000030e-01, v25;
	v18 =	vadd.f32 v29, v18  }
0x111: {  	v26 =	vsel vm0, v26, v54;
	vm0 =	vgt.f32 v19, $0.0e+00;
	v55 =	vmul.f32 $2.000000030e-01, v19;
	v56 =	vld.idx.msk [tilespmem:v52+s25+$0x0], $0xffff  }
0x112: {  	v21 =	vadd.f32 v21, v31;
	v23 =	vsel vm1, v25, v23;
	v25 =	vadd.f32 v28, v31;
	v28 =	vld.idx.msk [tilespmem:v52+s28+$0x0], $0xffff  }
0x113: {  	v24 =	vadd.f32 v24, v30;
	v20 =	vadd.f32 v20, v31;
	v26 =	vmul.f32 v26, v51  }
0x114: {  	v30 =	vld [tilespmem:s16+$0x15400];
	v19 =	vsel vm0, v19, v55;
	v23 =	vmul.f32 v51, v23;
	v29 =	vmul.f32 $2.000000030e-01, v25  }
0x115: {  	vm1 =	vgt.f32 v21, $0.0e+00;
	v57 =	vmul.f32 $2.000000030e-01, v21;
	vm0 =	vgt.f32 v25, $0.0e+00;
	v27 =	vld.idx.msk [tilespmem:v27+s28+$0x0], $0xffff;
	v31 =	vpop (erf)  }
0x116: {  	v19 =	vmul.f32 v19, v51;
	v32 =	vld.idx.msk [tilespmem:v53+s28+$0x0], $0xffff;
	v25 =	vsel vm0, v25, v29;
	v29 =	vadd.f32 $1.000000000e+00, v31  }
0x117: {  	v58 =	vld [tilespmem:s7+$0x15400];
	v21 =	vsel vm1, v21, v57;
	v18 =	vadd.f32 v23, v18;
	v28 =	vadd.f32 v28, v56  }
0x118: {  	vm0 =	vgt.f32 v20, $0.0e+00;
	v31 =	vmul.f32 $2.000000030e-01, v20;
	(erf) = vrcp.f32 v29  }
0x119: {  	v19 =	vadd.f32 v19, v24;
	v21 =	vmul.f32 v30, v21;
	v24 =	vmul.f32 $2.000000030e-01, v28  }
0x11a: {  	v23 =	vadd.f32 v27, v56;
	v20 =	vsel vm0, v20, v31;
	vm0 =	vgt.f32 v28, $0.0e+00  }
0x11b: {  	vm1 =	vlt.u32 v17, v11;
	v29 =	vadd.f32 v32, v56;
	v24 =	vsel vm0, v28, v24  }
0x11c: {  	v18 =	vadd.f32 v21, v18;
	v27 =	vmul.f32 $2.000000030e-01, v23;
	v21 =	vmul.f32 v58, v24  }
0x11d: {  	vm0 =	vgt.f32 v23, $0.0e+00;
	v20 =	vmul.f32 v20, v30;
	v24 =	vmul.f32 $2.000000030e-01, v29  }
0x11e: {  	v23 =	vsel vm0, v23, v27;
	vm0 =	vgt.f32 v29, $0.0e+00;
	v18 =	vadd.f32 v21, v18  }
0x11f: {  	v21 =	vadd.f32 v26, v22;
	v22 =	vmul.f32 v25, v30;
	v24 =	vsel vm0, v29, v24  }
0x120: {  	v19 =	vadd.f32 v20, v19;
	v20 =	vmul.f32 v24, v58;
	v18 =	vadd.f32 v18, v16  }
0x121: {  	v21 =	vadd.f32 v22, v21;
	v22 =	vmul.f32 v23, v58;
	v23 =	vpop (erf)  }
0x122: {  	v19 =	vadd.f32 v20, v19;
	v20 =	vmul.f32 v23, v18  }
0x123: {  	v21 =	vadd.f32 v22, v21  }
0x124: {  	v19 =	vadd.f32 v19, v16;
	[tilespmem:v36+s22+$0x0] =	vst.idx.add.f32.msk vm1, v20  }
0x125: {  	v20 =	vadd.f32 v21, v16;
	[tilespmem:$0x102A0] =	vst v18  }
0x126: {  	[tilespmem:$0x102E0] =	vst v19  }
0x127: {  	s16 =	simm.s32 $0x0;
	[tilespmem:$0x10320] =	vst v20  }
0x128: {  	v18 =	vld [tilespmem:s16+$0x15C10];
	_ =	sdelay $0x2  }
0x129: {  	s19 =	simm.s32 $0x10  }
0x12a: {  	v21 =	vld [tilespmem:s19+$0x15C10]  }
0x12b: {  	v19 =	vadd.s32 v12, v18  }
0x12c: {  	s17 =	simm.s32 $0x20;
	v20 =	vadd.s32 v14, v18  }
0x12d: {  	v25 =	vld [tilespmem:s17+$0x15C10]  }
0x12e: {  	v27 =	vld [tilespmem:s16+$0x15400];
	s16 =	simm.s32 $0x30;
	v18 =	vadd.s32 v13, v18  }
0x12f: {  	v60 =	vld [tilespmem:s16+$0x15C10];
	v23 =	vadd.s32 v12, v21  }
0x130: {  	v24 =	vadd.s32 v14, v21;
	v22 =	vld.idx.msk [tilespmem:v19+s25+$0x0], $0xffff  }
0x131: {  	v20 =	vld.idx.msk [tilespmem:v20+s28+$0x0], $0xffff  }
0x132: {  	v21 =	vadd.s32 v13, v21;
	v19 =	vld.idx.msk [tilespmem:v19+s28+$0x0], $0xffff  }
0x133: {  	v26 =	vld.idx.msk [tilespmem:v18+s28+$0x0], $0xffff  }
0x134: {  	v31 =	vld.idx.msk [tilespmem:v23+s25+$0x0], $0xffff  }
0x135: {  	v28 =	vld.idx.msk [tilespmem:v24+s28+$0x0], $0xffff  }
0x136: {  	v23 =	vld.idx.msk [tilespmem:v23+s28+$0x0], $0xffff  }
0x137: {  	v36 =	vld.idx.msk [tilespmem:v21+s28+$0x0], $0xffff;
	_ =	sdelay $0x1  }
0x138: {  	v59 =	vadd.s32 v12, v25;
	v30 =	vadd.s32 v14, v25  }
0x139: {  	v61 =	vadd.s32 v13, v25;
	v20 =	vadd.f32 v20, v22;
	v19 =	vadd.f32 v19, v22  }
0x13a: {  	v18 =	vimm.f32 $0.0e+00;
	v22 =	vadd.f32 v26, v22;
	v62 =	vadd.f32 v28, v31  }
0x13b: {  	v29 =	vadd.f32 v23, v31;
	v28 =	vadd.s32 v14, v60;
	v33 =	vadd.f32 v36, v31  }
0x13c: {  	v31 =	vimm.f32 $0.0e+00;
	v24 =	vmul.f32 $2.000000030e-01, v20;
	vm0 =	vgt.f32 v20, $0.0e+00  }
0x13d: {  	v26 =	vld.idx.msk [tilespmem:v30+s28+$0x0], $0xffff;
	v25 =	vmul.f32 $2.000000030e-01, v19;
	v21 =	vmul.f32 $2.000000030e-01, v22;
	vm1 =	vgt.f32 v22, $0.0e+00  }
0x13e: {  	v63 =	vmul.f32 $2.000000030e-01, v62;
	v20 =	vsel vm0, v20, v24;
	vm0 =	vgt.f32 v19, $0.0e+00;
	v24 =	vld [tilespmem:s19+$0x15400]  }
0x13f: {  	v34 =	vmul.f32 $2.000000030e-01, v29;
	v21 =	vsel vm1, v22, v21;
	v25 =	vsel vm0, v19, v25;
	v19 =	vld.idx.msk [tilespmem:v59+s25+$0x0], $0xffff  }
0x140: {  	v23 =	vld.idx.msk [tilespmem:v61+s28+$0x0], $0xffff;
	v20 =	vmul.f32 v20, v27;
	v30 =	vmul.f32 v21, v27;
	v21 =	vadd.s32 v12, v60  }
0x141: {  	s7 =	simm.s32 $0x40;
	vm1 =	vgt.f32 v62, $0.0e+00;
	vm0 =	vgt.f32 v29, $0.0e+00;
	v32 =	vmul.f32 v27, v25;
	v25 =	vld.idx.msk [tilespmem:v59+s28+$0x0], $0xffff  }
0x142: {  	s19 =	simm.s32 $0x140;
	v35 =	vsel vm1, v62, v63;
	v27 =	vld [tilespmem:s7+$0x15C10];
	v22 =	vadd.f32 v20, v18;
	v20 =	vadd.s32 v13, v60  }
.LBB2_11:
0x143: {  	p0 =	sne.s32 s19, $0x1FC0;
	vm1 =	vgt.f32 v33, $0.0e+00;
	v36 =	vmul.f32 $2.000000030e-01, v33;
	v35 =	vmul.f32 v35, v24  }
0x144: {  	v18 =	vadd.f32 v32, v18;
	v31 =	vadd.f32 v30, v31;
	v38 =	vmovc v19;
	v37 =	vld [tilespmem:s17+$0x15400];
	v34 =	vsel vm0, v29, v34;
	s17 =	smov.u32 s16;
	s16 =	smov.u32 s7  }
.Ltmp4:
0x145: {  	v39 =	vadd.f32 v26, v38;
	v19 =	vld.idx.msk [tilespmem:v21+s25+$0x0], $0xffff;
	v30 =	vsel vm1, v33, v36;
	v22 =	vadd.f32 v35, v22;
	(pc) =	sbr.rel @p0 .LBB2_11-.Ltmp4, $4  }
0x146: {  	v29 =	vadd.f32 v25, v38;
	v32 =	vmul.f32 v24, v34;
	v26 =	vld.idx.msk [tilespmem:v28+s28+$0x0], $0xffff;
	v30 =	vmul.f32 v30, v24  }
0x147: {  	v35 =	vmul.f32 $2.000000030e-01, v39;
	v36 =	vadd.s32 v13, v27;
	v25 =	vld.idx.msk [tilespmem:v21+s28+$0x0], $0xffff;
	v21 =	vadd.s32 v12, v27  }
0x148: {  	s7 =	sshra.s32 s19, $0x2;
	v33 =	vadd.f32 v23, v38;
	vm1 =	vgt.f32 v39, $0.0e+00;
	v28 =	vadd.s32 v14, v27;
	v23 =	vld.idx.msk [tilespmem:v20+s28+$0x0], $0xffff;
	v20 =	vmovc v36  }
0x149: {  	s19 =	sadd.s32 $0x40, s19;
	vm0 =	vgt.f32 v29, $0.0e+00;
	v34 =	vmul.f32 $2.000000030e-01, v29;
	v35 =	vsel vm1, v39, v35;
	v27 =	vld [tilespmem:s7+$0x15C10];
	v24 =	vmovc v37  }
0x14a: {  	v36 =	vld [tilespmem:$0x230]  }
0x14b: {  	v37 =	vld [tilespmem:$0x270];
	_ =	sdelay $0x6  }
0x14c: {  	v38 =	vld.idx.msk [tilespmem:v36+s18+$0x0], $0xffff  }
0x14d: {  	v37 =	vld.idx.msk [tilespmem:v37+s20+$0x0], $0xffff;
	_ =	sdelay $0x4  }
0x14e: {  	v37 =	vadd.f32 v37, v38;
	_ =	sdelay $0x1  }
0x14f: {  	v18 =	vadd.f32 v32, v18;
	v37 =	vsub.f32 $0.0e+00, v37  }
0x150: {  	v50 =	vmul.f32 $2.000000030e-01, v33;
	vm1 =	vgt.f32 v33, $0.0e+00;
	v35 =	vmul.f32 v35, v24  }
0x151: {  	v30 =	vadd.f32 v30, v31;
	v31 =	vld.idx.msk [tilespmem:v21+s25+$0x0], $0xffff;
	v29 =	vsel vm0, v29, v34;
	v37 =	vmul.f32 $1.442695020e+00, v37  }
0x152: {  	v28 =	vld.idx.msk [tilespmem:v28+s28+$0x0], $0xffff;
	v26 =	vadd.f32 v26, v19;
	v32 =	vsel vm1, v33, v50;
	v22 =	vadd.f32 v35, v22  }
0x153: {  	v21 =	vld.idx.msk [tilespmem:v21+s28+$0x0], $0xffff;
	v29 =	vmul.f32 v24, v29;
	v52 =	vadd.s32 v12, v27;
	(erf) = vpow2.f32 v37  }
0x154: {  	v20 =	vld.idx.msk [tilespmem:v20+s28+$0x0], $0xffff;
	v25 =	vadd.f32 v25, v19;
	v24 =	vmul.f32 v32, v24;
	v54 =	vmul.f32 $2.000000030e-01, v26  }
0x155: {  	v51 =	vld [tilespmem:s17+$0x15400];
	v19 =	vadd.f32 v23, v19;
	vm0 =	vgt.f32 v26, $0.0e+00;
	v53 =	vadd.s32 v13, v27  }
0x156: {  	v27 =	vadd.s32 v14, v27;
	vm1 =	vgt.f32 v25, $0.0e+00;
	v23 =	vmul.f32 $2.000000030e-01, v25  }
0x157: {  	v18 =	vadd.f32 v29, v18;
	v26 =	vsel vm0, v26, v54;
	vm0 =	vgt.f32 v19, $0.0e+00  }
0x158: {  	v55 =	vmul.f32 $2.000000030e-01, v19;
	v21 =	vadd.f32 v21, v31;
	v24 =	vadd.f32 v24, v30;
	v56 =	vld.idx.msk [tilespmem:v52+s25+$0x0], $0xffff  }
0x159: {  	v20 =	vadd.f32 v20, v31;
	v23 =	vsel vm1, v25, v23;
	v25 =	vadd.f32 v28, v31;
	v28 =	vld.idx.msk [tilespmem:v52+s28+$0x0], $0xffff  }
0x15a: {  	v30 =	vld [tilespmem:s16+$0x15400];
	v26 =	vmul.f32 v26, v51;
	v19 =	vsel vm0, v19, v55;
	v57 =	vmul.f32 $2.000000030e-01, v21  }
0x15b: {  	v23 =	vmul.f32 v51, v23;
	vm1 =	vgt.f32 v21, $0.0e+00;
	v29 =	vmul.f32 $2.000000030e-01, v25;
	v27 =	vld.idx.msk [tilespmem:v27+s28+$0x0], $0xffff  }
0x15c: {  	v19 =	vmul.f32 v19, v51;
	vm0 =	vgt.f32 v25, $0.0e+00;
	v32 =	vld.idx.msk [tilespmem:v53+s28+$0x0], $0xffff;
	v21 =	vsel vm1, v21, v57;
	v31 =	vpop (erf)  }
0x15d: {  	v18 =	vadd.f32 v23, v18;
	v25 =	vsel vm0, v25, v29;
	v29 =	vadd.f32 $1.000000000e+00, v31  }
0x15e: {  	v58 =	vld [tilespmem:s7+$0x15400];
	vm1 =	vlt.u32 v17, v15;
	vm0 =	vgt.f32 v20, $0.0e+00;
	v28 =	vadd.f32 v28, v56  }
0x15f: {  	v19 =	vadd.f32 v19, v24;
	v31 =	vmul.f32 $2.000000030e-01, v20;
	(erf) = vrcp.f32 v29  }
0x160: {  	v21 =	vmul.f32 v30, v21;
	v23 =	vadd.f32 v27, v56;
	v24 =	vmul.f32 $2.000000030e-01, v28  }
0x161: {  	v20 =	vsel vm0, v20, v31;
	vm0 =	vgt.f32 v28, $0.0e+00;
	v29 =	vadd.f32 v32, v56  }
0x162: {  	v18 =	vadd.f32 v21, v18;
	v27 =	vmul.f32 $2.000000030e-01, v23;
	v24 =	vsel vm0, v28, v24  }
0x163: {  	vm0 =	vgt.f32 v23, $0.0e+00;
	v21 =	vmul.f32 v58, v24;
	v24 =	vmul.f32 $2.000000030e-01, v29  }
0x164: {  	v17 =	vadd.f32 v26, v22;
	v23 =	vsel vm0, v23, v27;
	vm0 =	vgt.f32 v29, $0.0e+00  }
0x165: {  	v20 =	vmul.f32 v20, v30;
	v18 =	vadd.f32 v21, v18;
	v22 =	vsel vm0, v29, v24  }
0x166: {  	v21 =	vmul.f32 v25, v30  }
0x167: {  	v19 =	vadd.f32 v20, v19;
	v20 =	vmul.f32 v22, v58;
	v18 =	vadd.f32 v18, v16  }
0x168: {  	v17 =	vadd.f32 v21, v17;
	v21 =	vmul.f32 v23, v58;
	v22 =	vpop (erf)  }
0x169: {  	v19 =	vadd.f32 v20, v19;
	v20 =	vmul.f32 v22, v18  }
0x16a: {  	v17 =	vadd.f32 v21, v17  }
0x16b: {  	v19 =	vadd.f32 v19, v16;
	[tilespmem:v36+s22+$0x0] =	vst.idx.add.f32.msk vm1, v20  }
0x16c: {  	s16 =	smul.u32 $0x18, s13;
	v16 =	vadd.f32 v17, v16;
	[tilespmem:$0x102B0] =	vst v18  }
0x16d: {  	[tilespmem:$0x102F0] =	vst v19  }
0x16e: {  	s17 =	simm.s32 $0x0;
	s7 =	sadd.s32 s9, s16;
	[tilespmem:$0x10330] =	vst v16  }
0x16f: {  	[hbm4b:s7+s17] =	stream.linear.scatter [tilespmem:s29], [sflag:$0x3], $0xC0, $0x38;
	[tilespmem:$0x18C10] =	vst v63  }
0x170: {  	_ =	swait.ge [sflag:s30], $0x2000  }
0x171: {  	[sflag:s30] =	ssyncset.done $0x0  }
0x172: {  	[sflag:s30] =	ssyncadd.s32 $0xFFFFE000  }
0x173: {  	_ =	swait.ge [sflag:s30], $0x6000  }
0x174: {  	[sflag:s30] =	ssyncset.done $0x0  }
0x175: {  	[sflag:s30] =	ssyncadd.s32 $0xFFFFA000  }
0x176: {  	v16 =	vld [tilespmem:$0x100]  }
0x177: {  	v17 =	vld [tilespmem:$0x110]  }
0x178: {  	v18 =	vld [tilespmem:$0x120]  }
0x179: {  	v19 =	vld [tilespmem:$0x130]  }
0x17a: {  	v20 =	vld [tilespmem:$0x140]  }
0x17b: {  	[tilespmem:$0x200] =	vst v16;
	v16 =	vld [tilespmem:$0x150]  }
0x17c: {  	[tilespmem:$0x210] =	vst v17;
	v17 =	vld [tilespmem:$0x160]  }
0x17d: {  	[tilespmem:$0x220] =	vst v18;
	v18 =	vld [tilespmem:$0x170]  }
0x17e: {  	[tilespmem:$0x230] =	vst v19  }
0x17f: {  	s13 =	sor.u32 $0x1, s12;
	[tilespmem:$0x240] =	vst v20  }
0x180: {  	s12 =	sadd.s32 s10, s13;
	[tilespmem:$0x250] =	vst v16  }
0x181: {  	s19 =	sshll.u32 s12, $0x5;
	[tilespmem:$0x260] =	vst v17  }
0x182: {  	s7 =	sadd.s32 s19, s14;
	[tilespmem:$0x270] =	vst v18  }
0x183: {  	[tilespmem:s23], [sflag:$0x2] =	stream.linear.gather [hbm4b:s7+s17], $0x100, $0x38;
	[tilespmem:$0x18C10] =	vst v63  }
0x184: {  	_ =	swait.ge [sflag:s31], $0x100  }
0x185: {  	[sflag:s31] =	ssyncset.done $0x0  }
0x186: {  	[sflag:s31] =	ssyncadd.s32 $0xFFFFFF00  }
0x187: {  	[tilespmem:s25], [sflag:$0x1] =	stream.indirect.gather [hbm4b:s4+s24], $0x80, s17, s24, $0xb8;
	[tilespmem:$0x18C10] =	vst v63  }
0x188: {  	_ = 	snop  }
0x189: {  	[tilespmem:s28], [sflag:$0x1] =	stream.indirect.gather [hbm4b:s5+s26], $0x80, s24, s26, $0xb8;
	[tilespmem:$0x18C10] =	vst v63  }
0x18a: {  	_ =	swait.ge [sflag:s21], $0xC0  }
0x18b: {  	[sflag:s21] =	ssyncset.done $0x0  }
0x18c: {  	s16 =	simm.s32 $0x0;
	[sflag:s21] =	ssyncadd.s32 $0xFFFFFF40  }
0x18d: {  	v16 =	vld [tilespmem:s16+$0x15C10];
	_ =	sdelay $0x2  }
0x18e: {  	s19 =	simm.s32 $0x10  }
0x18f: {  	v19 =	vld [tilespmem:s19+$0x15C10]  }
0x190: {  	v17 =	vadd.s32 v0, v16  }
0x191: {  	v18 =	vadd.s32 v3, v16;
	_ =	sdelay $0x1  }
0x192: {  	s17 =	simm.s32 $0x20;
	v16 =	vadd.s32 v2, v16  }
0x193: {  	v24 =	vld [tilespmem:s17+$0x15C10];
	v21 =	vadd.s32 v0, v19  }
0x194: {  	v23 =	vadd.s32 v3, v19;
	v20 =	vld.idx.msk [tilespmem:v17+s0+$0x0], $0xffff  }
0x195: {  	v18 =	vld.idx.msk [tilespmem:v18+s2+$0x0], $0xffff  }
0x196: {  	v19 =	vadd.s32 v2, v19;
	v22 =	vld.idx.msk [tilespmem:v17+s2+$0x0], $0xffff  }
0x197: {  	v16 =	vld.idx.msk [tilespmem:v16+s2+$0x0], $0xffff  }
0x198: {  	v30 =	vld.idx.msk [tilespmem:v21+s0+$0x0], $0xffff  }
0x199: {  	v25 =	vld.idx.msk [tilespmem:v23+s2+$0x0], $0xffff  }
0x19a: {  	v28 =	vld.idx.msk [tilespmem:v21+s2+$0x0], $0xffff  }
0x19b: {  	v61 =	vld.idx.msk [tilespmem:v19+s2+$0x0], $0xffff;
	_ =	sdelay $0x1  }
0x19c: {  	v27 =	vadd.s32 v0, v24;
	v29 =	vadd.s32 v3, v24  }
0x19d: {  	v26 =	vld [tilespmem:s16+$0x15400];
	s16 =	simm.s32 $0x30;
	v60 =	vadd.s32 v2, v24;
	v18 =	vadd.f32 v18, v20;
	v22 =	vadd.f32 v22, v20  }
0x19e: {  	v59 =	vld [tilespmem:s16+$0x15C10];
	v17 =	vimm.f32 $0.0e+00;
	v20 =	vadd.f32 v16, v20;
	v62 =	vadd.f32 v25, v30  }
0x19f: {  	v31 =	vadd.f32 v28, v30;
	v32 =	vadd.f32 v61, v30;
	v30 =	vimm.f32 $0.0e+00  }
0x1a0: {  	v23 =	vld [tilespmem:s19+$0x15400];
	v21 =	vmul.f32 $2.000000030e-01, v18;
	vm0 =	vgt.f32 v18, $0.0e+00;
	v24 =	vmul.f32 $2.000000030e-01, v22  }
0x1a1: {  	v16 =	vld [tilespmem:$0x15C00];
	v19 =	vmul.f32 $2.000000030e-01, v20;
	vm1 =	vgt.f32 v20, $0.0e+00;
	v63 =	vmul.f32 $2.000000030e-01, v62  }
0x1a2: {  	v25 =	vld.idx.msk [tilespmem:v29+s2+$0x0], $0xffff;
	v33 =	vmul.f32 $2.000000030e-01, v31;
	v18 =	vsel vm0, v18, v21;
	vm0 =	vgt.f32 v22, $0.0e+00  }
0x1a3: {  	v19 =	vsel vm1, v20, v19;
	v20 =	vadd.s32 v0, v59;
	v21 =	vmul.f32 v18, v26;
	v18 =	vld.idx.msk [tilespmem:v27+s0+$0x0], $0xffff  }
0x1a4: {  	vm1 =	vgt.f32 v62, $0.0e+00;
	v22 =	vsel vm0, v22, v24;
	v28 =	vmul.f32 v19, v26;
	v24 =	vld.idx.msk [tilespmem:v27+s2+$0x0], $0xffff  }
0x1a5: {  	s7 =	simm.s32 $0x40;
	v19 =	vadd.s32 v2, v59;
	v27 =	vadd.s32 v3, v59;
	v29 =	vmul.f32 v26, v22;
	v22 =	vld.idx.msk [tilespmem:v60+s2+$0x0], $0xffff  }
0x1a6: {  	s19 =	simm.s32 $0x140;
	vm0 =	vgt.f32 v31, $0.0e+00;
	v34 =	vsel vm1, v62, v63;
	v26 =	vld [tilespmem:s7+$0x15C10];
	v21 =	vadd.f32 v21, v17  }
.LBB2_13:
0x1a7: {  	p0 =	sne.s32 s19, $0x1FC0;
	vm1 =	vgt.f32 v32, $0.0e+00;
	v35 =	vmul.f32 $2.000000030e-01, v32;
	v34 =	vmul.f32 v34, v23  }
0x1a8: {  	v17 =	vadd.f32 v29, v17;
	v30 =	vadd.f32 v28, v30;
	v37 =	vmovc v18;
	v36 =	vld [tilespmem:s17+$0x15400];
	v33 =	vsel vm0, v31, v33;
	s17 =	smov.u32 s16;
	s16 =	smov.u32 s7  }
.Ltmp5:
0x1a9: {  	v38 =	vadd.f32 v25, v37;
	v18 =	vld.idx.msk [tilespmem:v20+s0+$0x0], $0xffff;
	v28 =	vsel vm1, v32, v35;
	v21 =	vadd.f32 v34, v21;
	(pc) =	sbr.rel @p0 .LBB2_13-.Ltmp5, $4  }
0x1aa: {  	v31 =	vadd.f32 v24, v37;
	v29 =	vmul.f32 v23, v33;
	v25 =	vld.idx.msk [tilespmem:v27+s2+$0x0], $0xffff;
	v28 =	vmul.f32 v28, v23  }
0x1ab: {  	v34 =	vmul.f32 $2.000000030e-01, v38;
	v35 =	vadd.s32 v2, v26;
	v24 =	vld.idx.msk [tilespmem:v20+s2+$0x0], $0xffff;
	v20 =	vadd.s32 v0, v26  }
0x1ac: {  	s7 =	sshra.s32 s19, $0x2;
	v32 =	vadd.f32 v22, v37;
	vm1 =	vgt.f32 v38, $0.0e+00;
	v27 =	vadd.s32 v3, v26;
	v22 =	vld.idx.msk [tilespmem:v19+s2+$0x0], $0xffff;
	v19 =	vmovc v35  }
0x1ad: {  	s19 =	sadd.s32 $0x40, s19;
	vm0 =	vgt.f32 v31, $0.0e+00;
	v33 =	vmul.f32 $2.000000030e-01, v31;
	v34 =	vsel vm1, v38, v34;
	v26 =	vld [tilespmem:s7+$0x15C10];
	v23 =	vmovc v36  }
0x1ae: {  	v35 =	vld [tilespmem:$0x200]  }
0x1af: {  	v36 =	vld [tilespmem:$0x240];
	_ =	sdelay $0x6  }
0x1b0: {  	v37 =	vld.idx.msk [tilespmem:v35+s18+$0x0], $0xffff  }
0x1b1: {  	v36 =	vld.idx.msk [tilespmem:v36+s20+$0x0], $0xffff;
	_ =	sdelay $0x4  }
0x1b2: {  	v36 =	vadd.f32 v36, v37;
	_ =	sdelay $0x1  }
0x1b3: {  	vm1 =	vgt.f32 v32, $0.0e+00;
	v53 =	vld.idx.msk [tilespmem:v20+s0+$0x0], $0xffff;
	v36 =	vsub.f32 $0.0e+00, v36  }
0x1b4: {  	v51 =	vmul.f32 $2.000000030e-01, v32;
	v34 =	vmul.f32 v34, v23;
	v17 =	vadd.f32 v29, v17;
	v20 =	vld.idx.msk [tilespmem:v20+s2+$0x0], $0xffff  }
0x1b5: {  	v28 =	vadd.f32 v28, v30;
	v31 =	vsel vm0, v31, v33;
	v29 =	vmul.f32 $1.442695020e+00, v36  }
0x1b6: {  	v19 =	vld.idx.msk [tilespmem:v19+s2+$0x0], $0xffff;
	v25 =	vadd.f32 v25, v18;
	v30 =	vsel vm1, v32, v51;
	v54 =	vadd.s32 v0, v26  }
0x1b7: {  	v27 =	vld.idx.msk [tilespmem:v27+s2+$0x0], $0xffff;
	v21 =	vadd.f32 v34, v21;
	v24 =	vadd.f32 v24, v18;
	(erf) = vpow2.f32 v29  }
0x1b8: {  	v18 =	vadd.f32 v22, v18;
	vm0 =	vgt.f32 v25, $0.0e+00;
	v22 =	vadd.s32 v3, v26  }
0x1b9: {  	vm1 =	vgt.f32 v24, $0.0e+00;
	v20 =	vadd.f32 v20, v53;
	v29 =	vmul.f32 v23, v31  }
0x1ba: {  	v52 =	vld [tilespmem:s17+$0x15400];
	v23 =	vmul.f32 v30, v23;
	v30 =	vadd.s32 v2, v26;
	v26 =	vmul.f32 $2.000000030e-01, v24  }
0x1bb: {  	v19 =	vadd.f32 v19, v53;
	v31 =	vmul.f32 $2.000000030e-01, v25;
	v17 =	vadd.f32 v29, v17;
	v29 =	vld.idx.msk [tilespmem:v54+s0+$0x0], $0xffff  }
0x1bc: {  	v55 =	vmul.f32 $2.000000030e-01, v20;
	v24 =	vsel vm1, v24, v26;
	v26 =	vadd.f32 v27, v53;
	v27 =	vld.idx.msk [tilespmem:v54+s2+$0x0], $0xffff  }
0x1bd: {  	v57 =	vmul.f32 $2.000000030e-01, v19;
	v25 =	vsel vm0, v25, v31;
	v31 =	vmul.f32 $2.000000030e-01, v18  }
0x1be: {  	v22 =	vld.idx.msk [tilespmem:v22+s2+$0x0], $0xffff;
	vm0 =	vgt.f32 v18, $0.0e+00;
	v23 =	vadd.f32 v23, v28;
	vm1 =	vgt.f32 v20, $0.0e+00  }
0x1bf: {  	v24 =	vmul.f32 v52, v24;
	v18 =	vsel vm0, v18, v31;
	v28 =	vmul.f32 $2.000000030e-01, v26;
	v31 =	vld [tilespmem:s16+$0x15400]  }
0x1c0: {  	v58 =	vld [tilespmem:s7+$0x15400];
	v20 =	vsel vm1, v20, v55;
	vm0 =	vgt.f32 v26, $0.0e+00;
	v18 =	vmul.f32 v18, v52;
	v56 =	vpop (erf)  }
0x1c1: {  	v30 =	vld.idx.msk [tilespmem:v30+s2+$0x0], $0xffff;
	v26 =	vsel vm0, v26, v28;
	v27 =	vadd.f32 v27, v29;
	v28 =	vadd.f32 $1.000000000e+00, v56  }
0x1c2: {  	v17 =	vadd.f32 v24, v17;
	vm0 =	vgt.f32 v19, $0.0e+00;
	v18 =	vadd.f32 v18, v23  }
0x1c3: {  	v22 =	vadd.f32 v22, v29;
	v23 =	vmul.f32 $2.000000030e-01, v27;
	(erf) = vrcp.f32 v28  }
0x1c4: {  	v19 =	vsel vm0, v19, v57;
	v20 =	vmul.f32 v31, v20;
	vm0 =	vgt.f32 v27, $0.0e+00  }
0x1c5: {  	s16 =	sshll.u32 s13, $0x6;
	v24 =	vmul.f32 $2.000000030e-01, v22;
	v23 =	vsel vm0, v27, v23;
	vm0 =	vgt.f32 v22, $0.0e+00  }
0x1c6: {  	s7 =	sadd.s32 s15, s16;
	v20 =	vadd.f32 v20, v17;
	v28 =	vadd.f32 v30, v29;
	v23 =	vmul.f32 v58, v23  }
0x1c7: {  	v25 =	vmul.f32 v25, v52;
	v17 =	vmov s7;
	v22 =	vsel vm0, v22, v24  }
0x1c8: {  	v24 =	vmul.f32 $2.000000030e-01, v28;
	v20 =	vadd.f32 v23, v20;
	v23 =	vmul.f32 v26, v31  }
0x1c9: {  	v19 =	vmul.f32 v19, v31;
	vm1 =	vlt.u32 v17, $0x50910;
	vm0 =	vgt.f32 v28, $0.0e+00  }
0x1ca: {  	v21 =	vadd.f32 v25, v21;
	v24 =	vsel vm0, v28, v24  }
0x1cb: {  	v18 =	vadd.f32 v19, v18;
	v20 =	vadd.f32 v20, v16;
	v19 =	vmul.f32 v24, v58  }
0x1cc: {  	v22 =	vmul.f32 v22, v58;
	v21 =	vadd.f32 v23, v21;
	v23 =	vpop (erf)  }
0x1cd: {  	v18 =	vadd.f32 v19, v18;
	v19 =	vmul.f32 v23, v20  }
0x1ce: {  	v21 =	vadd.f32 v22, v21  }
0x1cf: {  	v18 =	vadd.f32 v18, v16;
	[tilespmem:v35+s22+$0x0] =	vst.idx.add.f32.msk vm1, v19  }
0x1d0: {  	v19 =	vadd.f32 v21, v16;
	[tilespmem:$0x10340] =	vst v20  }
0x1d1: {  	[tilespmem:$0x10380] =	vst v18  }
0x1d2: {  	s17 =	simm.s32 $0x0;
	[tilespmem:$0x103C0] =	vst v19  }
0x1d3: {  	v18 =	vld [tilespmem:s17+$0x15C10];
	_ =	sdelay $0x2  }
0x1d4: {  	s19 =	simm.s32 $0x10  }
0x1d5: {  	v21 =	vld [tilespmem:s19+$0x15C10]  }
0x1d6: {  	v19 =	vadd.s32 v4, v18  }
0x1d7: {  	v20 =	vadd.s32 v6, v18  }
0x1d8: {  	s16 =	simm.s32 $0x20  }
0x1d9: {  	s13 =	simm.s32 $0x30;
	v25 =	vld [tilespmem:s16+$0x15C10];
	v18 =	vadd.s32 v5, v18  }
0x1da: {  	v60 =	vld [tilespmem:s13+$0x15C10];
	v23 =	vadd.s32 v4, v21  }
0x1db: {  	v24 =	vadd.s32 v6, v21;
	v22 =	vld.idx.msk [tilespmem:v19+s0+$0x0], $0xffff  }
0x1dc: {  	v20 =	vld.idx.msk [tilespmem:v20+s2+$0x0], $0xffff  }
0x1dd: {  	v21 =	vadd.s32 v5, v21;
	v19 =	vld.idx.msk [tilespmem:v19+s2+$0x0], $0xffff  }
0x1de: {  	v26 =	vld.idx.msk [tilespmem:v18+s2+$0x0], $0xffff  }
0x1df: {  	v31 =	vld.idx.msk [tilespmem:v23+s0+$0x0], $0xffff  }
0x1e0: {  	v28 =	vld.idx.msk [tilespmem:v24+s2+$0x0], $0xffff  }
0x1e1: {  	v23 =	vld.idx.msk [tilespmem:v23+s2+$0x0], $0xffff  }
0x1e2: {  	v62 =	vld.idx.msk [tilespmem:v21+s2+$0x0], $0xffff;
	_ =	sdelay $0x1  }
0x1e3: {  	v59 =	vadd.s32 v4, v25;
	v30 =	vadd.s32 v6, v25  }
0x1e4: {  	v61 =	vadd.s32 v5, v25;
	v20 =	vadd.f32 v20, v22;
	v19 =	vadd.f32 v19, v22  }
0x1e5: {  	v18 =	vimm.f32 $0.0e+00;
	v22 =	vadd.f32 v26, v22;
	v63 =	vadd.f32 v28, v31  }
0x1e6: {  	v27 =	vld [tilespmem:s17+$0x15400];
	v29 =	vadd.f32 v23, v31;
	v28 =	vadd.s32 v6, v60;
	v33 =	vadd.f32 v62, v31  }
0x1e7: {  	v31 =	vimm.f32 $0.0e+00;
	v24 =	vmul.f32 $2.000000030e-01, v20;
	vm0 =	vgt.f32 v20, $0.0e+00  }
0x1e8: {  	v26 =	vld.idx.msk [tilespmem:v30+s2+$0x0], $0xffff;
	v25 =	vmul.f32 $2.000000030e-01, v19;
	v21 =	vmul.f32 $2.000000030e-01, v22;
	vm1 =	vgt.f32 v22, $0.0e+00  }
0x1e9: {  	v38 =	vmul.f32 $2.000000030e-01, v63;
	v20 =	vsel vm0, v20, v24;
	vm0 =	vgt.f32 v19, $0.0e+00;
	v24 =	vld [tilespmem:s19+$0x15400]  }
0x1ea: {  	v34 =	vmul.f32 $2.000000030e-01, v29;
	v21 =	vsel vm1, v22, v21;
	v25 =	vsel vm0, v19, v25;
	v19 =	vld.idx.msk [tilespmem:v59+s0+$0x0], $0xffff  }
0x1eb: {  	v23 =	vld.idx.msk [tilespmem:v61+s2+$0x0], $0xffff;
	v20 =	vmul.f32 v20, v27;
	v30 =	vmul.f32 v21, v27;
	v21 =	vadd.s32 v4, v60  }
0x1ec: {  	s7 =	simm.s32 $0x40;
	vm1 =	vgt.f32 v63, $0.0e+00;
	vm0 =	vgt.f32 v29, $0.0e+00;
	v32 =	vmul.f32 v27, v25;
	v25 =	vld.idx.msk [tilespmem:v59+s2+$0x0], $0xffff  }
0x1ed: {  	s17 =	simm.s32 $0x140;
	v35 =	vsel vm1, v63, v38;
	v27 =	vld [tilespmem:s7+$0x15C10];
	v22 =	vadd.f32 v20, v18;
	v20 =	vadd.s32 v5, v60  }
.LBB2_15:
0x1ee: {  	p0 =	sne.s32 s17, $0x1FC0;
	vm1 =	vgt.f32 v33, $0.0e+00;
	v36 =	vmul.f32 $2.000000030e-01, v33;
	v35 =	vmul.f32 v35, v24  }
0x1ef: {  	v18 =	vadd.f32 v32, v18;
	v31 =	vadd.f32 v30, v31;
	v38 =	vmovc v19;
	v37 =	vld [tilespmem:s16+$0x15400];
	v34 =	vsel vm0, v29, v34;
	s16 =	smov.u32 s13;
	s13 =	smov.u32 s7  }
.Ltmp6:
0x1f0: {  	v39 =	vadd.f32 v26, v38;
	v19 =	vld.idx.msk [tilespmem:v21+s0+$0x0], $0xffff;
	v30 =	vsel vm1, v33, v36;
	v22 =	vadd.f32 v35, v22;
	(pc) =	sbr.rel @p0 .LBB2_15-.Ltmp6, $4  }
0x1f1: {  	v29 =	vadd.f32 v25, v38;
	v32 =	vmul.f32 v24, v34;
	v26 =	vld.idx.msk [tilespmem:v28+s2+$0x0], $0xffff;
	v30 =	vmul.f32 v30, v24  }
0x1f2: {  	v35 =	vmul.f32 $2.000000030e-01, v39;
	v36 =	vadd.s32 v5, v27;
	v25 =	vld.idx.msk [tilespmem:v21+s2+$0x0], $0xffff;
	v21 =	vadd.s32 v4, v27  }
0x1f3: {  	s7 =	sshra.s32 s17, $0x2;
	v33 =	vadd.f32 v23, v38;
	vm1 =	vgt.f32 v39, $0.0e+00;
	v28 =	vadd.s32 v6, v27;
	v23 =	vld.idx.msk [tilespmem:v20+s2+$0x0], $0xffff;
	v20 =	vmovc v36  }
0x1f4: {  	s17 =	sadd.s32 $0x40, s17;
	vm0 =	vgt.f32 v29, $0.0e+00;
	v34 =	vmul.f32 $2.000000030e-01, v29;
	v35 =	vsel vm1, v39, v35;
	v27 =	vld [tilespmem:s7+$0x15C10];
	v24 =	vmovc v37  }
0x1f5: {  	v36 =	vld [tilespmem:$0x210]  }
0x1f6: {  	v37 =	vld [tilespmem:$0x250];
	_ =	sdelay $0x6  }
0x1f7: {  	v38 =	vld.idx.msk [tilespmem:v36+s18+$0x0], $0xffff  }
0x1f8: {  	v37 =	vld.idx.msk [tilespmem:v37+s20+$0x0], $0xffff;
	_ =	sdelay $0x4  }
0x1f9: {  	v37 =	vadd.f32 v37, v38;
	_ =	sdelay $0x1  }
0x1fa: {  	v37 =	vsub.f32 $0.0e+00, v37  }
0x1fb: {  	v18 =	vadd.f32 v32, v18;
	v50 =	vmul.f32 $2.000000030e-01, v33  }
0x1fc: {  	vm1 =	vgt.f32 v33, $0.0e+00;
	v35 =	vmul.f32 v35, v24;
	v51 =	vld [tilespmem:s16+$0x15400];
	v37 =	vmul.f32 $1.442695020e+00, v37  }
0x1fd: {  	v30 =	vadd.f32 v30, v31;
	v31 =	vld.idx.msk [tilespmem:v21+s0+$0x0], $0xffff;
	v29 =	vsel vm0, v29, v34;
	v26 =	vadd.f32 v26, v19  }
0x1fe: {  	v28 =	vld.idx.msk [tilespmem:v28+s2+$0x0], $0xffff;
	v32 =	vsel vm1, v33, v50;
	v52 =	vadd.s32 v4, v27;
	(erf) = vpow2.f32 v37  }
0x1ff: {  	v21 =	vld.idx.msk [tilespmem:v21+s2+$0x0], $0xffff;
	v22 =	vadd.f32 v35, v22;
	v25 =	vadd.f32 v25, v19;
	v29 =	vmul.f32 v24, v29  }
0x200: {  	v20 =	vld.idx.msk [tilespmem:v20+s2+$0x0], $0xffff;
	v24 =	vmul.f32 v32, v24;
	v54 =	vmul.f32 $2.000000030e-01, v26;
	v19 =	vadd.f32 v23, v19  }
0x201: {  	vm0 =	vgt.f32 v26, $0.0e+00;
	v53 =	vadd.s32 v5, v27;
	v27 =	vadd.s32 v6, v27  }
0x202: {  	vm1 =	vgt.f32 v25, $0.0e+00;
	v23 =	vmul.f32 $2.000000030e-01, v25;
	v18 =	vadd.f32 v29, v18  }
0x203: {  	v26 =	vsel vm0, v26, v54;
	vm0 =	vgt.f32 v19, $0.0e+00;
	v55 =	vmul.f32 $2.000000030e-01, v19;
	v56 =	vld.idx.msk [tilespmem:v52+s0+$0x0], $0xffff  }
0x204: {  	v21 =	vadd.f32 v21, v31;
	v23 =	vsel vm1, v25, v23;
	v25 =	vadd.f32 v28, v31;
	v28 =	vld.idx.msk [tilespmem:v52+s2+$0x0], $0xffff  }
0x205: {  	v24 =	vadd.f32 v24, v30;
	v20 =	vadd.f32 v20, v31;
	v26 =	vmul.f32 v26, v51  }
0x206: {  	v30 =	vld [tilespmem:s13+$0x15400];
	v19 =	vsel vm0, v19, v55;
	v23 =	vmul.f32 v51, v23;
	v29 =	vmul.f32 $2.000000030e-01, v25  }
0x207: {  	vm1 =	vgt.f32 v21, $0.0e+00;
	v57 =	vmul.f32 $2.000000030e-01, v21;
	vm0 =	vgt.f32 v25, $0.0e+00;
	v27 =	vld.idx.msk [tilespmem:v27+s2+$0x0], $0xffff;
	v31 =	vpop (erf)  }
0x208: {  	v19 =	vmul.f32 v19, v51;
	v32 =	vld.idx.msk [tilespmem:v53+s2+$0x0], $0xffff;
	v25 =	vsel vm0, v25, v29;
	v29 =	vadd.f32 $1.000000000e+00, v31  }
0x209: {  	v58 =	vld [tilespmem:s7+$0x15400];
	v21 =	vsel vm1, v21, v57;
	v18 =	vadd.f32 v23, v18;
	v28 =	vadd.f32 v28, v56  }
0x20a: {  	vm0 =	vgt.f32 v20, $0.0e+00;
	v31 =	vmul.f32 $2.000000030e-01, v20;
	(erf) = vrcp.f32 v29  }
0x20b: {  	v19 =	vadd.f32 v19, v24;
	v21 =	vmul.f32 v30, v21;
	v24 =	vmul.f32 $2.000000030e-01, v28  }
0x20c: {  	v23 =	vadd.f32 v27, v56;
	v20 =	vsel vm0, v20, v31;
	vm0 =	vgt.f32 v28, $0.0e+00  }
0x20d: {  	vm1 =	vlt.u32 v17, v7;
	v29 =	vadd.f32 v32, v56;
	v24 =	vsel vm0, v28, v24  }
0x20e: {  	v18 =	vadd.f32 v21, v18;
	v27 =	vmul.f32 $2.000000030e-01, v23;
	v21 =	vmul.f32 v58, v24  }
0x20f: {  	vm0 =	vgt.f32 v23, $0.0e+00;
	v20 =	vmul.f32 v20, v30;
	v24 =	vmul.f32 $2.000000030e-01, v29  }
0x210: {  	v23 =	vsel vm0, v23, v27;
	vm0 =	vgt.f32 v29, $0.0e+00;
	v18 =	vadd.f32 v21, v18  }
0x211: {  	v21 =	vadd.f32 v26, v22;
	v22 =	vmul.f32 v25, v30;
	v24 =	vsel vm0, v29, v24  }
0x212: {  	v19 =	vadd.f32 v20, v19;
	v20 =	vmul.f32 v24, v58;
	v18 =	vadd.f32 v18, v16  }
0x213: {  	v21 =	vadd.f32 v22, v21;
	v22 =	vmul.f32 v23, v58;
	v23 =	vpop (erf)  }
0x214: {  	v19 =	vadd.f32 v20, v19;
	v20 =	vmul.f32 v23, v18  }
0x215: {  	v21 =	vadd.f32 v22, v21  }
0x216: {  	v19 =	vadd.f32 v19, v16;
	[tilespmem:v36+s22+$0x0] =	vst.idx.add.f32.msk vm1, v20  }
0x217: {  	v20 =	vadd.f32 v21, v16;
	[tilespmem:$0x10350] =	vst v18  }
0x218: {  	[tilespmem:$0x10390] =	vst v19  }
0x219: {  	s19 =	simm.s32 $0x0;
	[tilespmem:$0x103D0] =	vst v20  }
0x21a: {  	v18 =	vld [tilespmem:s19+$0x15C10];
	_ =	sdelay $0x2  }
0x21b: {  	s17 =	simm.s32 $0x10  }
0x21c: {  	v21 =	vld [tilespmem:s17+$0x15C10]  }
0x21d: {  	v19 =	vadd.s32 v8, v18  }
0x21e: {  	v20 =	vadd.s32 v10, v18  }
0x21f: {  	s16 =	simm.s32 $0x20  }
0x220: {  	s13 =	simm.s32 $0x30;
	v25 =	vld [tilespmem:s16+$0x15C10];
	v18 =	vadd.s32 v9, v18  }
0x221: {  	v60 =	vld [tilespmem:s13+$0x15C10];
	v23 =	vadd.s32 v8, v21  }
0x222: {  	v24 =	vadd.s32 v10, v21;
	v22 =	vld.idx.msk [tilespmem:v19+s0+$0x0], $0xffff  }
0x223: {  	v20 =	vld.idx.msk [tilespmem:v20+s2+$0x0], $0xffff  }
0x224: {  	v21 =	vadd.s32 v9, v21;
	v19 =	vld.idx.msk [tilespmem:v19+s2+$0x0], $0xffff  }
0x225: {  	v26 =	vld.idx.msk [tilespmem:v18+s2+$0x0], $0xffff  }
0x226: {  	v31 =	vld.idx.msk [tilespmem:v23+s0+$0x0], $0xffff  }
0x227: {  	v28 =	vld.idx.msk [tilespmem:v24+s2+$0x0], $0xffff  }
0x228: {  	v23 =	vld.idx.msk [tilespmem:v23+s2+$0x0], $0xffff  }
0x229: {  	v36 =	vld.idx.msk [tilespmem:v21+s2+$0x0], $0xffff;
	_ =	sdelay $0x1  }
0x22a: {  	v59 =	vadd.s32 v8, v25;
	v30 =	vadd.s32 v10, v25  }
0x22b: {  	v61 =	vadd.s32 v9, v25;
	v20 =	vadd.f32 v20, v22;
	v19 =	vadd.f32 v19, v22  }
0x22c: {  	v18 =	vimm.f32 $0.0e+00;
	v22 =	vadd.f32 v26, v22;
	v62 =	vadd.f32 v28, v31  }
0x22d: {  	v27 =	vld [tilespmem:s19+$0x15400];
	v29 =	vadd.f32 v23, v31;
	v28 =	vadd.s32 v10, v60;
	v33 =	vadd.f32 v36, v31  }
0x22e: {  	v31 =	vimm.f32 $0.0e+00;
	v24 =	vmul.f32 $2.000000030e-01, v20;
	vm0 =	vgt.f32 v20, $0.0e+00  }
0x22f: {  	v26 =	vld.idx.msk [tilespmem:v30+s2+$0x0], $0xffff;
	v25 =	vmul.f32 $2.000000030e-01, v19;
	v21 =	vmul.f32 $2.000000030e-01, v22;
	vm1 =	vgt.f32 v22, $0.0e+00  }
0x230: {  	v63 =	vmul.f32 $2.000000030e-01, v62;
	v20 =	vsel vm0, v20, v24;
	vm0 =	vgt.f32 v19, $0.0e+00;
	v24 =	vld [tilespmem:s17+$0x15400]  }
0x231: {  	v34 =	vmul.f32 $2.000000030e-01, v29;
	v21 =	vsel vm1, v22, v21;
	v25 =	vsel vm0, v19, v25;
	v19 =	vld.idx.msk [tilespmem:v59+s0+$0x0], $0xffff  }
0x232: {  	v23 =	vld.idx.msk [tilespmem:v61+s2+$0x0], $0xffff;
	v20 =	vmul.f32 v20, v27;
	v30 =	vmul.f32 v21, v27;
	v21 =	vadd.s32 v8, v60  }
0x233: {  	s7 =	simm.s32 $0x40;
	vm1 =	vgt.f32 v62, $0.0e+00;
	vm0 =	vgt.f32 v29, $0.0e+00;
	v32 =	vmul.f32 v27, v25;
	v25 =	vld.idx.msk [tilespmem:v59+s2+$0x0], $0xffff  }
0x234: {  	s17 =	simm.s32 $0x140;
	v35 =	vsel vm1, v62, v63;
	v27 =	vld [tilespmem:s7+$0x15C10];
	v22 =	vadd.f32 v20, v18;
	v20 =	vadd.s32 v9, v60  }
.LBB2_17:
0x235: {  	p0 =	sne.s32 s17, $0x1FC0;
	vm1 =	vgt.f32 v33, $0.0e+00;
	v36 =	vmul.f32 $2.000000030e-01, v33;
	v35 =	vmul.f32 v35, v24  }
0x236: {  	v18 =	vadd.f32 v32, v18;
	v31 =	vadd.f32 v30, v31;
	v38 =	vmovc v19;
	v37 =	vld [tilespmem:s16+$0x15400];
	v34 =	vsel vm0, v29, v34;
	s16 =	smov.u32 s13;
	s13 =	smov.u32 s7  }
.Ltmp7:
0x237: {  	v39 =	vadd.f32 v26, v38;
	v19 =	vld.idx.msk [tilespmem:v21+s0+$0x0], $0xffff;
	v30 =	vsel vm1, v33, v36;
	v22 =	vadd.f32 v35, v22;
	(pc) =	sbr.rel @p0 .LBB2_17-.Ltmp7, $4  }
0x238: {  	v29 =	vadd.f32 v25, v38;
	v32 =	vmul.f32 v24, v34;
	v26 =	vld.idx.msk [tilespmem:v28+s2+$0x0], $0xffff;
	v30 =	vmul.f32 v30, v24  }
0x239: {  	v35 =	vmul.f32 $2.000000030e-01, v39;
	v36 =	vadd.s32 v9, v27;
	v25 =	vld.idx.msk [tilespmem:v21+s2+$0x0], $0xffff;
	v21 =	vadd.s32 v8, v27  }
0x23a: {  	s7 =	sshra.s32 s17, $0x2;
	v33 =	vadd.f32 v23, v38;
	vm1 =	vgt.f32 v39, $0.0e+00;
	v28 =	vadd.s32 v10, v27;
	v23 =	vld.idx.msk [tilespmem:v20+s2+$0x0], $0xffff;
	v20 =	vmovc v36  }
0x23b: {  	s17 =	sadd.s32 $0x40, s17;
	vm0 =	vgt.f32 v29, $0.0e+00;
	v34 =	vmul.f32 $2.000000030e-01, v29;
	v35 =	vsel vm1, v39, v35;
	v27 =	vld [tilespmem:s7+$0x15C10];
	v24 =	vmovc v37  }
0x23c: {  	v36 =	vld [tilespmem:$0x220]  }
0x23d: {  	v37 =	vld [tilespmem:$0x260];
	_ =	sdelay $0x6  }
0x23e: {  	v38 =	vld.idx.msk [tilespmem:v36+s18+$0x0], $0xffff  }
0x23f: {  	v37 =	vld.idx.msk [tilespmem:v37+s20+$0x0], $0xffff;
	_ =	sdelay $0x4  }
0x240: {  	v37 =	vadd.f32 v37, v38;
	_ =	sdelay $0x1  }
0x241: {  	v37 =	vsub.f32 $0.0e+00, v37  }
0x242: {  	v18 =	vadd.f32 v32, v18;
	v50 =	vmul.f32 $2.000000030e-01, v33  }
0x243: {  	vm1 =	vgt.f32 v33, $0.0e+00;
	v35 =	vmul.f32 v35, v24;
	v51 =	vld [tilespmem:s16+$0x15400];
	v37 =	vmul.f32 $1.442695020e+00, v37  }
0x244: {  	v30 =	vadd.f32 v30, v31;
	v31 =	vld.idx.msk [tilespmem:v21+s0+$0x0], $0xffff;
	v29 =	vsel vm0, v29, v34;
	v26 =	vadd.f32 v26, v19  }
0x245: {  	v28 =	vld.idx.msk [tilespmem:v28+s2+$0x0], $0xffff;
	v32 =	vsel vm1, v33, v50;
	v52 =	vadd.s32 v8, v27;
	(erf) = vpow2.f32 v37  }
0x246: {  	v21 =	vld.idx.msk [tilespmem:v21+s2+$0x0], $0xffff;
	v22 =	vadd.f32 v35, v22;
	v25 =	vadd.f32 v25, v19;
	v29 =	vmul.f32 v24, v29  }
0x247: {  	v20 =	vld.idx.msk [tilespmem:v20+s2+$0x0], $0xffff;
	v24 =	vmul.f32 v32, v24;
	v54 =	vmul.f32 $2.000000030e-01, v26;
	v19 =	vadd.f32 v23, v19  }
0x248: {  	vm0 =	vgt.f32 v26, $0.0e+00;
	v53 =	vadd.s32 v9, v27;
	v27 =	vadd.s32 v10, v27  }
0x249: {  	vm1 =	vgt.f32 v25, $0.0e+00;
	v23 =	vmul.f32 $2.000000030e-01, v25;
	v18 =	vadd.f32 v29, v18  }
0x24a: {  	v26 =	vsel vm0, v26, v54;
	vm0 =	vgt.f32 v19, $0.0e+00;
	v55 =	vmul.f32 $2.000000030e-01, v19;
	v56 =	vld.idx.msk [tilespmem:v52+s0+$0x0], $0xffff  }
0x24b: {  	v21 =	vadd.f32 v21, v31;
	v23 =	vsel vm1, v25, v23;
	v25 =	vadd.f32 v28, v31;
	v28 =	vld.idx.msk [tilespmem:v52+s2+$0x0], $0xffff  }
0x24c: {  	v24 =	vadd.f32 v24, v30;
	v20 =	vadd.f32 v20, v31;
	v26 =	vmul.f32 v26, v51  }
0x24d: {  	v30 =	vld [tilespmem:s13+$0x15400];
	v19 =	vsel vm0, v19, v55;
	v23 =	vmul.f32 v51, v23;
	v29 =	vmul.f32 $2.000000030e-01, v25  }
0x24e: {  	vm1 =	vgt.f32 v21, $0.0e+00;
	v57 =	vmul.f32 $2.000000030e-01, v21;
	vm0 =	vgt.f32 v25, $0.0e+00;
	v27 =	vld.idx.msk [tilespmem:v27+s2+$0x0], $0xffff;
	v31 =	vpop (erf)  }
0x24f: {  	v19 =	vmul.f32 v19, v51;
	v32 =	vld.idx.msk [tilespmem:v53+s2+$0x0], $0xffff;
	v25 =	vsel vm0, v25, v29;
	v29 =	vadd.f32 $1.000000000e+00, v31  }
0x250: {  	v58 =	vld [tilespmem:s7+$0x15400];
	v21 =	vsel vm1, v21, v57;
	v18 =	vadd.f32 v23, v18;
	v28 =	vadd.f32 v28, v56  }
0x251: {  	vm0 =	vgt.f32 v20, $0.0e+00;
	v31 =	vmul.f32 $2.000000030e-01, v20;
	(erf) = vrcp.f32 v29  }
0x252: {  	v19 =	vadd.f32 v19, v24;
	v21 =	vmul.f32 v30, v21;
	v24 =	vmul.f32 $2.000000030e-01, v28  }
0x253: {  	v23 =	vadd.f32 v27, v56;
	v20 =	vsel vm0, v20, v31;
	vm0 =	vgt.f32 v28, $0.0e+00  }
0x254: {  	vm1 =	vlt.u32 v17, v11;
	v29 =	vadd.f32 v32, v56;
	v24 =	vsel vm0, v28, v24  }
0x255: {  	v18 =	vadd.f32 v21, v18;
	v27 =	vmul.f32 $2.000000030e-01, v23;
	v21 =	vmul.f32 v58, v24  }
0x256: {  	vm0 =	vgt.f32 v23, $0.0e+00;
	v20 =	vmul.f32 v20, v30;
	v24 =	vmul.f32 $2.000000030e-01, v29  }
0x257: {  	v23 =	vsel vm0, v23, v27;
	vm0 =	vgt.f32 v29, $0.0e+00;
	v18 =	vadd.f32 v21, v18  }
0x258: {  	v21 =	vadd.f32 v26, v22;
	v22 =	vmul.f32 v25, v30;
	v24 =	vsel vm0, v29, v24  }
0x259: {  	v19 =	vadd.f32 v20, v19;
	v20 =	vmul.f32 v24, v58;
	v18 =	vadd.f32 v18, v16  }
0x25a: {  	v21 =	vadd.f32 v22, v21;
	v22 =	vmul.f32 v23, v58;
	v23 =	vpop (erf)  }
0x25b: {  	v19 =	vadd.f32 v20, v19;
	v20 =	vmul.f32 v23, v18  }
0x25c: {  	v21 =	vadd.f32 v22, v21  }
0x25d: {  	v19 =	vadd.f32 v19, v16;
	[tilespmem:v36+s22+$0x0] =	vst.idx.add.f32.msk vm1, v20  }
0x25e: {  	v20 =	vadd.f32 v21, v16;
	[tilespmem:$0x10360] =	vst v18  }
0x25f: {  	[tilespmem:$0x103A0] =	vst v19  }
0x260: {  	s19 =	simm.s32 $0x0;
	[tilespmem:$0x103E0] =	vst v20  }
0x261: {  	v18 =	vld [tilespmem:s19+$0x15C10];
	_ =	sdelay $0x2  }
0x262: {  	s17 =	simm.s32 $0x10  }
0x263: {  	v21 =	vld [tilespmem:s17+$0x15C10]  }
0x264: {  	v19 =	vadd.s32 v12, v18  }
0x265: {  	v20 =	vadd.s32 v14, v18  }
0x266: {  	s16 =	simm.s32 $0x20  }
0x267: {  	s13 =	simm.s32 $0x30;
	v25 =	vld [tilespmem:s16+$0x15C10];
	v18 =	vadd.s32 v13, v18  }
0x268: {  	v60 =	vld [tilespmem:s13+$0x15C10];
	v23 =	vadd.s32 v12, v21  }
0x269: {  	v24 =	vadd.s32 v14, v21;
	v22 =	vld.idx.msk [tilespmem:v19+s0+$0x0], $0xffff  }
0x26a: {  	v20 =	vld.idx.msk [tilespmem:v20+s2+$0x0], $0xffff  }
0x26b: {  	v21 =	vadd.s32 v13, v21;
	v19 =	vld.idx.msk [tilespmem:v19+s2+$0x0], $0xffff  }
0x26c: {  	v26 =	vld.idx.msk [tilespmem:v18+s2+$0x0], $0xffff  }
0x26d: {  	v31 =	vld.idx.msk [tilespmem:v23+s0+$0x0], $0xffff  }
0x26e: {  	v28 =	vld.idx.msk [tilespmem:v24+s2+$0x0], $0xffff  }
0x26f: {  	v23 =	vld.idx.msk [tilespmem:v23+s2+$0x0], $0xffff  }
0x270: {  	v36 =	vld.idx.msk [tilespmem:v21+s2+$0x0], $0xffff;
	_ =	sdelay $0x1  }
0x271: {  	v59 =	vadd.s32 v12, v25;
	v30 =	vadd.s32 v14, v25  }
0x272: {  	v61 =	vadd.s32 v13, v25;
	v20 =	vadd.f32 v20, v22;
	v19 =	vadd.f32 v19, v22  }
0x273: {  	v18 =	vimm.f32 $0.0e+00;
	v22 =	vadd.f32 v26, v22;
	v62 =	vadd.f32 v28, v31  }
0x274: {  	v27 =	vld [tilespmem:s19+$0x15400];
	v29 =	vadd.f32 v23, v31;
	v28 =	vadd.s32 v14, v60;
	v33 =	vadd.f32 v36, v31  }
0x275: {  	v31 =	vimm.f32 $0.0e+00;
	v24 =	vmul.f32 $2.000000030e-01, v20;
	vm0 =	vgt.f32 v20, $0.0e+00  }
0x276: {  	v26 =	vld.idx.msk [tilespmem:v30+s2+$0x0], $0xffff;
	v25 =	vmul.f32 $2.000000030e-01, v19;
	v21 =	vmul.f32 $2.000000030e-01, v22;
	vm1 =	vgt.f32 v22, $0.0e+00  }
0x277: {  	v63 =	vmul.f32 $2.000000030e-01, v62;
	v20 =	vsel vm0, v20, v24;
	vm0 =	vgt.f32 v19, $0.0e+00;
	v24 =	vld [tilespmem:s17+$0x15400]  }
0x278: {  	v34 =	vmul.f32 $2.000000030e-01, v29;
	v21 =	vsel vm1, v22, v21;
	v25 =	vsel vm0, v19, v25;
	v19 =	vld.idx.msk [tilespmem:v59+s0+$0x0], $0xffff  }
0x279: {  	v23 =	vld.idx.msk [tilespmem:v61+s2+$0x0], $0xffff;
	v20 =	vmul.f32 v20, v27;
	v30 =	vmul.f32 v21, v27;
	v21 =	vadd.s32 v12, v60  }
0x27a: {  	s7 =	simm.s32 $0x40;
	vm1 =	vgt.f32 v62, $0.0e+00;
	vm0 =	vgt.f32 v29, $0.0e+00;
	v32 =	vmul.f32 v27, v25;
	v25 =	vld.idx.msk [tilespmem:v59+s2+$0x0], $0xffff  }
0x27b: {  	s17 =	simm.s32 $0x140;
	v35 =	vsel vm1, v62, v63;
	v27 =	vld [tilespmem:s7+$0x15C10];
	v22 =	vadd.f32 v20, v18;
	v20 =	vadd.s32 v13, v60  }
.LBB2_19:
0x27c: {  	p0 =	sne.s32 s17, $0x1FC0;
	vm1 =	vgt.f32 v33, $0.0e+00;
	v36 =	vmul.f32 $2.000000030e-01, v33;
	v35 =	vmul.f32 v35, v24  }
0x27d: {  	v18 =	vadd.f32 v32, v18;
	v31 =	vadd.f32 v30, v31;
	v38 =	vmovc v19;
	v37 =	vld [tilespmem:s16+$0x15400];
	v34 =	vsel vm0, v29, v34;
	s16 =	smov.u32 s13;
	s13 =	smov.u32 s7  }
.Ltmp8:
0x27e: {  	v39 =	vadd.f32 v26, v38;
	v19 =	vld.idx.msk [tilespmem:v21+s0+$0x0], $0xffff;
	v30 =	vsel vm1, v33, v36;
	v22 =	vadd.f32 v35, v22;
	(pc) =	sbr.rel @p0 .LBB2_19-.Ltmp8, $4  }
0x27f: {  	v29 =	vadd.f32 v25, v38;
	v32 =	vmul.f32 v24, v34;
	v26 =	vld.idx.msk [tilespmem:v28+s2+$0x0], $0xffff;
	v30 =	vmul.f32 v30, v24  }
0x280: {  	v35 =	vmul.f32 $2.000000030e-01, v39;
	v36 =	vadd.s32 v13, v27;
	v25 =	vld.idx.msk [tilespmem:v21+s2+$0x0], $0xffff;
	v21 =	vadd.s32 v12, v27  }
0x281: {  	s7 =	sshra.s32 s17, $0x2;
	v33 =	vadd.f32 v23, v38;
	vm1 =	vgt.f32 v39, $0.0e+00;
	v28 =	vadd.s32 v14, v27;
	v23 =	vld.idx.msk [tilespmem:v20+s2+$0x0], $0xffff;
	v20 =	vmovc v36  }
0x282: {  	s17 =	sadd.s32 $0x40, s17;
	vm0 =	vgt.f32 v29, $0.0e+00;
	v34 =	vmul.f32 $2.000000030e-01, v29;
	v35 =	vsel vm1, v39, v35;
	v27 =	vld [tilespmem:s7+$0x15C10];
	v24 =	vmovc v37  }
0x283: {  	v36 =	vld [tilespmem:$0x230]  }
0x284: {  	v37 =	vld [tilespmem:$0x270];
	_ =	sdelay $0x6  }
0x285: {  	v38 =	vld.idx.msk [tilespmem:v36+s18+$0x0], $0xffff  }
0x286: {  	v37 =	vld.idx.msk [tilespmem:v37+s20+$0x0], $0xffff;
	_ =	sdelay $0x4  }
0x287: {  	v37 =	vadd.f32 v37, v38;
	_ =	sdelay $0x1  }
0x288: {  	v37 =	vsub.f32 $0.0e+00, v37  }
0x289: {  	v18 =	vadd.f32 v32, v18;
	v55 =	vmul.f32 $2.000000030e-01, v33  }
0x28a: {  	vm1 =	vgt.f32 v33, $0.0e+00;
	v35 =	vmul.f32 v35, v24;
	v37 =	vmul.f32 $1.442695020e+00, v37  }
0x28b: {  	v30 =	vadd.f32 v30, v31;
	v57 =	vld.idx.msk [tilespmem:v21+s0+$0x0], $0xffff;
	vm15 =	vlt.u32 v17, v15;
	v29 =	vsel vm0, v29, v34  }
0x28c: {  	v28 =	vld.idx.msk [tilespmem:v28+s2+$0x0], $0xffff;
	v26 =	vadd.f32 v26, v19;
	v58 =	vadd.s32 v12, v27;
	(erf) = vpow2.f32 v37  }
0x28d: {  	v61 =	vld.idx.msk [tilespmem:v21+s2+$0x0], $0xffff;
	v32 =	vsel vm1, v33, v55;
	v22 =	vadd.f32 v35, v22;
	v29 =	vmul.f32 v24, v29  }
0x28e: {  	v20 =	vld.idx.msk [tilespmem:v20+s2+$0x0], $0xffff;
	v25 =	vadd.f32 v25, v19;
	v59 =	vmul.f32 v32, v24;
	v62 =	vmul.f32 $2.000000030e-01, v26  }
0x28f: {  	v56 =	vld [tilespmem:s16+$0x15400];
	v40 =	vadd.f32 v23, v19;
	vm6 =	vgt.f32 v26, $0.0e+00;
	v60 =	vadd.s32 v13, v27  }
0x290: {  	v63 =	vadd.s32 v14, v27;
	vm7 =	vgt.f32 v25, $0.0e+00;
	v41 =	vmul.f32 $2.000000030e-01, v25  }
0x291: {  	v18 =	vadd.f32 v29, v18;
	v26 =	vsel vm6, v26, v62;
	vm8 =	vgt.f32 v40, $0.0e+00;
	v43 =	vld.idx.msk [tilespmem:v58+s0+$0x0], $0xffff  }
0x292: {  	v42 =	vmul.f32 $2.000000030e-01, v40;
	v44 =	vadd.f32 v28, v57;
	v21 =	vadd.f32 v61, v57;
	v45 =	vld.idx.msk [tilespmem:v58+s2+$0x0], $0xffff  }
0x293: {  	v24 =	vadd.f32 v59, v30;
	v20 =	vadd.f32 v20, v57;
	v23 =	vsel vm7, v25, v41  }
0x294: {  	v47 =	vld [tilespmem:s13+$0x15400];
	v26 =	vmul.f32 v26, v56;
	v19 =	vsel vm8, v40, v42;
	v23 =	vmul.f32 v56, v23  }
0x295: {  	v52 =	vld [tilespmem:s7+$0x15400];
	v46 =	vmul.f32 $2.000000030e-01, v44;
	vm9 =	vgt.f32 v44, $0.0e+00;
	vm10 =	vgt.f32 v21, $0.0e+00;
	v48 =	vpop (erf)  }
0x296: {  	v49 =	vmul.f32 $2.000000030e-01, v21;
	vm11 =	vgt.f32 v20, $0.0e+00;
	v32 =	vld.idx.msk [tilespmem:v60+s2+$0x0], $0xffff;
	v50 =	vadd.f32 $1.000000000e+00, v48  }
0x297: {  	v51 =	vmul.f32 $2.000000030e-01, v20;
	v19 =	vmul.f32 v19, v56;
	v27 =	vld.idx.msk [tilespmem:v63+s2+$0x0], $0xffff;
	v28 =	vadd.f32 v45, v43  }
0x298: {  	v25 =	vsel vm9, v44, v46;
	v21 =	vsel vm10, v21, v49;
	(erf) = vrcp.f32 v50  }
0x299: {  	v18 =	vadd.f32 v23, v18;
	v20 =	vsel vm11, v20, v51;
	v54 =	vmul.f32 $2.000000030e-01, v28  }
0x29a: {  	v19 =	vadd.f32 v19, v24;
	v21 =	vmul.f32 v47, v21;
	vm12 =	vgt.f32 v28, $0.0e+00  }
0x29b: {  	v20 =	vmul.f32 v20, v47;
	v55 =	vadd.f32 v32, v43;
	v24 =	vsel vm12, v28, v54  }
0x29c: {  	v18 =	vadd.f32 v21, v18;
	v53 =	vadd.f32 v27, v43;
	v56 =	vmul.f32 v52, v24  }
0x29d: {  	v17 =	vadd.f32 v26, v22;
	v58 =	vmul.f32 v25, v47;
	v57 =	vmul.f32 $2.000000030e-01, v55  }
0x29e: {  	v27 =	vmul.f32 $2.000000030e-01, v53;
	vm14 =	vgt.f32 v55, $0.0e+00;
	v18 =	vadd.f32 v56, v18  }
0x29f: {  	v19 =	vadd.f32 v20, v19;
	vm13 =	vgt.f32 v53, $0.0e+00;
	v59 =	vsel vm14, v55, v57  }
0x2a0: {  	v23 =	vsel vm13, v53, v27;
	v60 =	vmul.f32 v59, v52;
	v18 =	vadd.f32 v18, v16  }
0x2a1: {  	v17 =	vadd.f32 v58, v17;
	v61 =	vmul.f32 v23, v52;
	v62 =	vpop (erf)  }
0x2a2: {  	s11 =	sadd.s32 $0x1, s11;
	v19 =	vadd.f32 v60, v19;
	v63 =	vmul.f32 v62, v18  }
0x2a3: {  	p0 =	sne.s32 s11, $0x51;
	v17 =	vadd.f32 v61, v17  }
.Ltmp9:
0x2a4: {  	v19 =	vadd.f32 v19, v16;
	[tilespmem:v36+s22+$0x0] =	vst.idx.add.f32.msk vm15, v63;
	(pc) =	sbr.rel @p0 .LBB2_4-.Ltmp9, $4  }
0x2a5: {  	s19 =	smul.u32 $0x18, s12;
	v16 =	vadd.f32 v17, v16;
	[tilespmem:$0x10370] =	vst v18  }
0x2a6: {  	[tilespmem:$0x103B0] =	vst v19  }
0x2a7: {  	s7 =	sadd.s32 s9, s19;
	[tilespmem:$0x103F0] =	vst v16  }
0x2a8: {  	[hbm4b:s7+s3] =	stream.linear.scatter [tilespmem:s6], [sflag:$0x3], $0xC0, $0x38;
	[tilespmem:$0x18C10] =	vst v63  }
0x2a9: {  	_ =	swait.ge [sflag:s30], $0x2000  }
0x2aa: {  	[sflag:s30] =	ssyncset.done $0x0  }
0x2ab: {  	[sflag:s30] =	ssyncadd.s32 $0xFFFFE000  }
0x2ac: {  	_ =	swait.ge [sflag:s30], $0x6000  }
0x2ad: {  	[sflag:s30] =	ssyncset.done $0x0  }
0x2ae: {  	[sflag:s30] =	ssyncadd.s32 $0xFFFFA000  }
0x2af: {  	_ =	swait.ge [sflag:s31], $0x100  }
0x2b0: {  	[sflag:s31] =	ssyncset.done $0x0  }
0x2b1: {  	[sflag:s31] =	ssyncadd.s32 $0xFFFFFF00  }
0x2b2: {  	_ =	swait.ge [sflag:s21], $0xC0  }
0x2b3: {  	[sflag:s21] =	ssyncset.done $0x0  }
0x2b4: {  	s11 =	simm.s32 $0x4;
	s7 =	rddreg [dreg:$0x9];
	[sflag:s21] =	ssyncadd.s32 $0xFFFFFF40  }
0x2b5: {  	[hbm4b:s7+s3] =	stream.linear.scatter [tilespmem:s22], [sflag:$0x4], $0x2800, $0x38;
	[tilespmem:$0x18C10] =	vst v63  }
0x2b6: {  	_ =	swait.ge [sflag:s11], $0x2800  }
0x2b7: {  	s8 =	rddreg [dreg:$0xb]  }
0x2b8: {  	s19 =	rddreg [dreg:$0xa];
	s8 =	sadd.s32 $0x1, s8  }
0x2b9: {  	p0 =	sne.s32 s8, s19  }
.Ltmp10:
0x2ba: {  	_ = 	snop;
	(pc) =	sbr.rel @p0 .LBB2_1-.Ltmp10, $3  }
0x2bb: {  	_ =	sdelay $0x1  }
0x2bc: {  	[sflag:s11] =	ssyncset.done $0x0  }
0x2bd: {  	[sflag:s11] =	ssyncadd.s32 $0xFFFFD800  }
0x2be: {  	_ =	sfence.sel $0x180000  }
0x2bf: {  	[bflag:$0x0] =	sbarrier.arrive $0xFFFF  }
0x2c0: {  	_ =	strace $0x90000047  }
0x2c1: {  	s0 =	stileid.u32;
	[bflag:$0x2] =	sbarrier.arrive $0xFFFF  }
0x2c2: {  	p0 =	sne.s32 s0, $0x0;
	s0 =	rddreg [dreg:$0x2]  }
0x2c3: {  	s0 =	sadd.s32 @!p0 $0x100000, s0  }
0x2c4: {  	[sflag:s0] =	ssyncadd.tile.s32 @!p0 $0x1;
	_ =	shalt  }
.Lfunc_end2:
_tile_overlayer_lowered:
.L_overlay_start_2:
0x2c5: {  	(tag) =	ssettag $0x2  }
0x2c6: {  	s0 =	rddreg [dreg:$0x0];
	s2 =	stileid.u32  }
0x2c7: {  	s1 =	rddreg [dreg:$0x1];
	p0 =	sne.s32 s2, $0x0  }
0x2c8: {  	s3 =	rddreg [dreg:$0x2];
	[bflag:$0x3] =	sbarrier.arrive $0xFFFF;
	s2 =	simm.s32 @!p0 $0x1C04  }
0x2c9: {  	[timem:s3], [sflag:s2] =	dma.local @!p0 [hbm:s0], s1  }
0x2ca: {  	s0 =	simm.s32 @!p0 $0x4  }
0x2cb: {  	_ =	swait.ge @!p0 [sflag:s0], s1  }
0x2cc: {  	s1 =	ssub.s32 @!p0 $0x0, s1;
	[sflag:s0] =	ssyncset.done @!p0 $0x0  }
0x2cd: {  	[sflag:s0] =	ssyncadd.s32 @!p0 s1  }
0x2ce: {  	[bflag:$0x3] =	sbarrier.arrive $0xFFFF  }
0x2cf: {  	_ =	shalt  }

</sc_bundles>
